<compile_context>
chip_gen: v7x
topology: tpu7x:2x2x1
jax: 0.10.2.dev20260603
libtpu: 0.0.44.dev20260713+nightly
codegen_flags: <defaults>
</compile_context>

<pallas_src>
import functools

import jax
import jax.numpy as jnp
from jax import lax
from jax.experimental import pallas as pl
from jax.experimental.pallas import tpu as pltpu
from jax.experimental.pallas import tpu_sc as plsc

DIM = 64
B = 16384
WAVE = 16


@functools.lru_cache(maxsize=None)
def _build_kernel():
    info = plsc.get_sparse_core_info()
    nc, ns = info.num_cores, info.num_subcores
    nw = nc * ns
    b_per_w = B // nw
    chunk = b_per_w // 2
    mesh = plsc.VectorSubcoreMesh(core_axis_name="c", subcore_axis_name="s")

    @functools.partial(
        pl.kernel,
        mesh=mesh,
        out_type=(
            jax.ShapeDtypeStruct((B, DIM), jnp.float32),
            jax.ShapeDtypeStruct((B, DIM), jnp.float32),
        ),
        scratch_types=[
            pltpu.VMEM((b_per_w,), jnp.int32),
            pltpu.VMEM((b_per_w,), jnp.int32),
            pltpu.VMEM((chunk, DIM), jnp.float32),
            pltpu.VMEM((chunk, DIM), jnp.float32),
            pltpu.SemaphoreType.DMA,
            pltpu.SemaphoreType.DMA,
        ],
    )
    def gather_kernel(user_hbm, item_hbm, ut_hbm, it_hbm, out_u, out_i,
                      idx_u, idx_i, rows_u, rows_i, sem_u, sem_i):
        wid = lax.axis_index("s") * nc + lax.axis_index("c")
        base = wid * b_per_w
        pltpu.sync_copy(user_hbm.at[pl.ds(base, b_per_w)], idx_u)
        pltpu.sync_copy(item_hbm.at[pl.ds(base, b_per_w)], idx_i)

        def fire_chunk(tbl_hbm, idx_v, rows_v, sem, c0):
            def wave(w, _):
                j0 = w * WAVE
                vec = idx_v[pl.ds(c0 + j0, WAVE)]
                for k in range(WAVE):
                    pltpu.async_copy(tbl_hbm.at[vec[k]], rows_v.at[j0 + k],
                                     sem)
                return ()

            lax.fori_loop(0, chunk // WAVE, wave, (), unroll=False)

        def drain_chunk(tbl_hbm, rows_v, sem):
            pltpu.make_async_copy(
                tbl_hbm.at[pl.ds(0, chunk)], rows_v, sem
            ).wait()

        def write_chunk(rows_v, out, c0):
            pltpu.sync_copy(rows_v, out.at[pl.ds(base + c0, chunk)])

        fire_chunk(ut_hbm, idx_u, rows_u, sem_u, 0)
        fire_chunk(it_hbm, idx_i, rows_i, sem_i, 0)
        drain_chunk(ut_hbm, rows_u, sem_u)
        write_chunk(rows_u, out_u, 0)
        fire_chunk(ut_hbm, idx_u, rows_u, sem_u, chunk)
        drain_chunk(it_hbm, rows_i, sem_i)
        write_chunk(rows_i, out_i, 0)
        fire_chunk(it_hbm, idx_i, rows_i, sem_i, chunk)
        drain_chunk(ut_hbm, rows_u, sem_u)
        write_chunk(rows_u, out_u, chunk)
        drain_chunk(it_hbm, rows_i, sem_i)
        write_chunk(rows_i, out_i, chunk)

    return gather_kernel


def kernel(user, item, user_table, item_table):
    return _build_kernel()(user, item, user_table, item_table)

# --- scband reference (transcript-rebuilt; emitter-appended) ---
"""Pipeline reference for scband-light-gcn-68564857913965 (READ-ONLY COPY).

The authoritative reference and input builder live on the scoring server;
editing this copy changes nothing except your own understanding.
"""

import jax, jax.numpy as jnp
import numpy as np

NUM_USERS = 1000000
NUM_ITEMS = 1000000
DIM = 64
B = 16384


def setup_inputs(seed: int = 0) -> dict:
    key = jax.random.key(seed)
    k1, k2, k3, k4 = jax.random.split(key, 4)
    user = jax.random.randint(k1, (B,), 0, NUM_USERS)
    item = jax.random.randint(k2, (B,), 0, NUM_ITEMS)
    # Embedding tables initialized ~ normal(0, 0.01), matching reset_parameters
    user_table = jax.random.normal(k3, (NUM_USERS, DIM), dtype=jnp.float32) * 0.01
    item_table = jax.random.normal(k4, (NUM_ITEMS, DIM), dtype=jnp.float32) * 0.01
    return {"user": user, "item": item, "user_table": user_table, "item_table": item_table}


def reference(user, item, user_table, item_table):
    # Embedding lookups (dropout is identity in eval mode)
    user_embeddings = jnp.take(user_table, user, axis=0)
    item_embeddings = jnp.take(item_table, item, axis=0)
    return (user_embeddings, item_embeddings)

if __name__ == "__main__":
    import jax
    _d = setup_inputs()
    print(jax.jit(kernel)(*tuple(_d.values())))

</pallas_src>

<mosaic_0001>
#map = affine_map<(d0, d1) -> (0)>
#map1 = affine_map<(d0, d1) -> (0, 0)>
module attributes {stable_mosaic.version = 14 : i64} {
  func.func @gather_kernel(%arg0: i32, %arg1: i32, %arg2: memref<16384xi32, #tpu.memory_space<hbm>>, %arg3: memref<16384xi32, #tpu.memory_space<hbm>>, %arg4: memref<1000000x64xf32, #tpu.memory_space<hbm>>, %arg5: memref<1000000x64xf32, #tpu.memory_space<hbm>>, %arg6: memref<16384x64xf32, #tpu.memory_space<hbm>>, %arg7: memref<16384x64xf32, #tpu.memory_space<hbm>>, %arg8: memref<512xi32, #tpu.memory_space<vmem>>, %arg9: memref<512xi32, #tpu.memory_space<vmem>>, %arg10: memref<256x64xf32, #tpu.memory_space<vmem>>, %arg11: memref<256x64xf32, #tpu.memory_space<vmem>>, %arg12: memref<!tpu.dma_semaphore, #tpu.memory_space<semaphore_mem>>, %arg13: memref<!tpu.dma_semaphore, #tpu.memory_space<semaphore_mem>>) attributes {dimension_semantics = [#tpu.dimension_semantics<core_parallel>, #tpu.dimension_semantics<subcore_parallel>], iteration_bounds = array<i64: 2, 16>, scalar_prefetch = 0 : i64, scratch_operands = 6 : i64, tpu.core_type = #tpu.core_type<sc_vector_subcore>, window_params = [{transform_indices = #map}, {transform_indices = #map}, {transform_indices = #map1}, {transform_indices = #map1}, {transform_indices = #map1}, {transform_indices = #map1}]} {
    %mul3A = arith.constant 2 : i32
    %mul3A_0 = arith.muli %arg1, %mul3A : i32
    %add3A = arith.addi %mul3A_0, %arg0 : i32
    %mul3A_1 = arith.constant 512 : i32
    %mul3A_2 = arith.muli %add3A, %mul3A_1 : i32
    "tpu.region"() ({
      %run_scoped3A = tpu.sem_alloc : memref<!tpu.dma_semaphore, #tpu.memory_space<semaphore_mem>>
      %dma_start3A = tpu.memref_slice %arg2[%mul3A_2] : memref<16384xi32, #tpu.memory_space<hbm>> -> memref<512xi32, #tpu.memory_space<hbm>>
      %dma_start3A_53 = tpu.memref_slice %arg2[%mul3A_2] : memref<16384xi32, #tpu.memory_space<hbm>> -> memref<512xi32, #tpu.memory_space<hbm>>
      tpu.enqueue_dma source(%dma_start3A_53 : memref<512xi32, #tpu.memory_space<hbm>>) target(%arg8 : memref<512xi32, #tpu.memory_space<vmem>>) target_semaphore(%run_scoped3A : memref<!tpu.dma_semaphore, #tpu.memory_space<semaphore_mem>>)
      %dma_wait3A_54 = tpu.memref_slice %arg2[%mul3A_2] : memref<16384xi32, #tpu.memory_space<hbm>> -> memref<512xi32, #tpu.memory_space<hbm>>
      %dma_wait3A_55 = tpu.memref_slice %arg2[%mul3A_2] : memref<16384xi32, #tpu.memory_space<hbm>> -> memref<512xi32, #tpu.memory_space<hbm>>
      tpu.wait_dma2 semaphore(%run_scoped3A : memref<!tpu.dma_semaphore, #tpu.memory_space<semaphore_mem>>) src(%dma_wait3A_55 : memref<512xi32, #tpu.memory_space<hbm>>) dst(%arg8 : memref<512xi32, #tpu.memory_space<vmem>>)
      tpu.yield
    }) : () -> ()
    "tpu.region"() ({
      %run_scoped3A = tpu.sem_alloc : memref<!tpu.dma_semaphore, #tpu.memory_space<semaphore_mem>>
      %dma_start3A = tpu.memref_slice %arg3[%mul3A_2] : memref<16384xi32, #tpu.memory_space<hbm>> -> memref<512xi32, #tpu.memory_space<hbm>>
      %dma_start3A_53 = tpu.memref_slice %arg3[%mul3A_2] : memref<16384xi32, #tpu.memory_space<hbm>> -> memref<512xi32, #tpu.memory_space<hbm>>
      tpu.enqueue_dma source(%dma_start3A_53 : memref<512xi32, #tpu.memory_space<hbm>>) target(%arg9 : memref<512xi32, #tpu.memory_space<vmem>>) target_semaphore(%run_scoped3A : memref<!tpu.dma_semaphore, #tpu.memory_space<semaphore_mem>>)
      %dma_wait3A_54 = tpu.memref_slice %arg3[%mul3A_2] : memref<16384xi32, #tpu.memory_space<hbm>> -> memref<512xi32, #tpu.memory_space<hbm>>
      %dma_wait3A_55 = tpu.memref_slice %arg3[%mul3A_2] : memref<16384xi32, #tpu.memory_space<hbm>> -> memref<512xi32, #tpu.memory_space<hbm>>
      tpu.wait_dma2 semaphore(%run_scoped3A : memref<!tpu.dma_semaphore, #tpu.memory_space<semaphore_mem>>) src(%dma_wait3A_55 : memref<512xi32, #tpu.memory_space<hbm>>) dst(%arg9 : memref<512xi32, #tpu.memory_space<vmem>>)
      tpu.yield
    }) : () -> ()
    %scan3A = arith.constant 0 : i32
    %scan3A_3 = arith.constant 16 : i32
    %scan3A_4 = arith.addi %scan3A, %scan3A_3 : i32
    %scan3A_5 = arith.constant 1 : i32
    scf.for %scan3A_53 = %scan3A to %scan3A_4 step %scan3A_5  : i32 {
      %mul3A_54 = arith.constant 16 : i32
      %mul3A_55 = arith.muli %scan3A_53, %mul3A_54 : i32
      %add3A_56 = arith.constant 0 : i32
      %add3A_57 = arith.addi %add3A_56, %mul3A_55 : i32
      %get3A = arith.index_cast %add3A_57 : i32 to index
      %get3A_58 = tpu.vector_load %arg8[%get3A] {strides = array<i32>} : memref<512xi32, #tpu.memory_space<vmem>>, vector<16xi32>,
      %get3A_59 = vector.shape_cast %get3A_58 : vector<16xi32> to vector<16xi32>
      %slice3A = vector.extract_strided_slice %get3A_59 {offsets = [0], sizes = [1], strides = [1]} : vector<16xi32> to vector<1xi32>
      %squeeze3A = vector.extract %slice3A[0] : i32 from vector<1xi32>
      %add3A_60 = arith.constant 0 : i32
      %add3A_61 = arith.addi %mul3A_55, %add3A_60 : i32
      %dma_start3A = arith.constant 0 : i32
      %dma_start3A_62 = tpu.memref_slice %arg10[%add3A_61, %dma_start3A] : memref<256x64xf32, #tpu.memory_space<vmem>> -> memref<1x64xf32, #tpu.memory_space<vmem>>
      %dma_start3A_63 = tpu.memref_squeeze %dma_start3A_62 : memref<1x64xf32, #tpu.memory_space<vmem>> -> memref<64xf32, #tpu.memory_space<vmem>>
      %dma_start3A_64 = arith.constant 0 : i32
      %dma_start3A_65 = tpu.memref_slice %arg4[%squeeze3A, %dma_start3A_64] : memref<1000000x64xf32, #tpu.memory_space<hbm>> -> memref<1x64xf32, #tpu.memory_space<hbm>>
      %dma_start3A_66 = tpu.memref_squeeze %dma_start3A_65 : memref<1x64xf32, #tpu.memory_space<hbm>> -> memref<64xf32, #tpu.memory_space<hbm>>
      %dma_start3A_67 = arith.constant 0 : i32
      %dma_start3A_68 = tpu.memref_slice %arg10[%add3A_61, %dma_start3A_67] : memref<256x64xf32, #tpu.memory_space<vmem>> -> memref<1x64xf32, #tpu.memory_space<vmem>>
      %dma_start3A_69 = tpu.memref_squeeze %dma_start3A_68 : memref<1x64xf32, #tpu.memory_space<vmem>> -> memref<64xf32, #tpu.memory_space<vmem>>
      %dma_start3A_70 = arith.constant 0 : i32
      %dma_start3A_71 = tpu.memref_slice %arg4[%squeeze3A, %dma_start3A_70] : memref<1000000x64xf32, #tpu.memory_space<hbm>> -> memref<1x64xf32, #tpu.memory_space<hbm>>
      %dma_start3A_72 = tpu.memref_squeeze %dma_start3A_71 : memref<1x64xf32, #tpu.memory_space<hbm>> -> memref<64xf32, #tpu.memory_space<hbm>>
      tpu.enqueue_dma source(%dma_start3A_72 : memref<64xf32, #tpu.memory_space<hbm>>) target(%dma_start3A_69 : memref<64xf32, #tpu.memory_space<vmem>>) target_semaphore(%arg12 : memref<!tpu.dma_semaphore, #tpu.memory_space<semaphore_mem>>)
      %slice3A_73 = vector.extract_strided_slice %get3A_59 {offsets = [1], sizes = [1], strides = [1]} : vector<16xi32> to vector<1xi32>
      %squeeze3A_74 = vector.extract %slice3A_73[0] : i32 from vector<1xi32>
      %add3A_75 = arith.constant 1 : i32
      %add3A_76 = arith.addi %mul3A_55, %add3A_75 : i32
      %dma_start3A_77 = arith.constant 0 : i32
      %dma_start3A_78 = tpu.memref_slice %arg10[%add3A_76, %dma_start3A_77] : memref<256x64xf32, #tpu.memory_space<vmem>> -> memref<1x64xf32, #tpu.memory_space<vmem>>
      %dma_start3A_79 = tpu.memref_squeeze %dma_start3A_78 : memref<1x64xf32, #tpu.memory_space<vmem>> -> memref<64xf32, #tpu.memory_space<vmem>>
      %dma_start3A_80 = arith.constant 0 : i32
      %dma_start3A_81 = tpu.memref_slice %arg4[%squeeze3A_74, %dma_start3A_80] : memref<1000000x64xf32, #tpu.memory_space<hbm>> -> memref<1x64xf32, #tpu.memory_space<hbm>>
      %dma_start3A_82 = tpu.memref_squeeze %dma_start3A_81 : memref<1x64xf32, #tpu.memory_space<hbm>> -> memref<64xf32, #tpu.memory_space<hbm>>
      %dma_start3A_83 = arith.constant 0 : i32
      %dma_start3A_84 = tpu.memref_slice %arg10[%add3A_76, %dma_start3A_83] : memref<256x64xf32, #tpu.memory_space<vmem>> -> memref<1x64xf32, #tpu.memory_space<vmem>>
      %dma_start3A_85 = tpu.memref_squeeze %dma_start3A_84 : memref<1x64xf32, #tpu.memory_space<vmem>> -> memref<64xf32, #tpu.memory_space<vmem>>
      %dma_start3A_86 = arith.constant 0 : i32
      %dma_start3A_87 = tpu.memref_slice %arg4[%squeeze3A_74, %dma_start3A_86] : memref<1000000x64xf32, #tpu.memory_space<hbm>> -> memref<1x64xf32, #tpu.memory_space<hbm>>
      %dma_start3A_88 = tpu.memref_squeeze %dma_start3A_87 : memref<1x64xf32, #tpu.memory_space<hbm>> -> memref<64xf32, #tpu.memory_space<hbm>>
      tpu.enqueue_dma source(%dma_start3A_88 : memref<64xf32, #tpu.memory_space<hbm>>) target(%dma_start3A_85 : memref<64xf32, #tpu.memory_space<vmem>>) target_semaphore(%arg12 : memref<!tpu.dma_semaphore, #tpu.memory_space<semaphore_mem>>)
      %slice3A_89 = vector.extract_strided_slice %get3A_59 {offsets = [2], sizes = [1], strides = [1]} : vector<16xi32> to vector<1xi32>
      %squeeze3A_90 = vector.extract %slice3A_89[0] : i32 from vector<1xi32>
      %add3A_91 = arith.constant 2 : i32
      %add3A_92 = arith.addi %mul3A_55, %add3A_91 : i32
      %dma_start3A_93 = arith.constant 0 : i32
      %dma_start3A_94 = tpu.memref_slice %arg10[%add3A_92, %dma_start3A_93] : memref<256x64xf32, #tpu.memory_space<vmem>> -> memref<1x64xf32, #tpu.memory_space<vmem>>
      %dma_start3A_95 = tpu.memref_squeeze %dma_start3A_94 : memref<1x64xf32, #tpu.memory_space<vmem>> -> memref<64xf32, #tpu.memory_space<vmem>>
      %dma_start3A_96 = arith.constant 0 : i32
      %dma_start3A_97 = tpu.memref_slice %arg4[%squeeze3A_90, %dma_start3A_96] : memref<1000000x64xf32, #tpu.memory_space<hbm>> -> memref<1x64xf32, #tpu.memory_space<hbm>>
      %dma_start3A_98 = tpu.memref_squeeze %dma_start3A_97 : memref<1x64xf32, #tpu.memory_space<hbm>> -> memref<64xf32, #tpu.memory_space<hbm>>
      %dma_start3A_99 = arith.constant 0 : i32
      %dma_start3A_100 = tpu.memref_slice %arg10[%add3A_92, %dma_start3A_99] : memref<256x64xf32, #tpu.memory_space<vmem>> -> memref<1x64xf32, #tpu.memory_space<vmem>>
      %dma_start3A_101 = tpu.memref_squeeze %dma_start3A_100 : memref<1x64xf32, #tpu.memory_space<vmem>> -> memref<64xf32, #tpu.memory_space<vmem>>
      %dma_start3A_102 = arith.constant 0 : i32
      %dma_start3A_103 = tpu.memref_slice %arg4[%squeeze3A_90, %dma_start3A_102] : memref<1000000x64xf32, #tpu.memory_space<hbm>> -> memref<1x64xf32, #tpu.memory_space<hbm>>
      %dma_start3A_104 = tpu.memref_squeeze %dma_start3A_103 : memref<1x64xf32, #tpu.memory_space<hbm>> -> memref<64xf32, #tpu.memory_space<hbm>>
      tpu.enqueue_dma source(%dma_start3A_104 : memref<64xf32, #tpu.memory_space<hbm>>) target(%dma_start3A_101 : memref<64xf32, #tpu.memory_space<vmem>>) target_semaphore(%arg12 : memref<!tpu.dma_semaphore, #tpu.memory_space<semaphore_mem>>)
      %slice3A_105 = vector.extract_strided_slice %get3A_59 {offsets = [3], sizes = [1], strides = [1]} : vector<16xi32> to vector<1xi32>
      %squeeze3A_106 = vector.extract %slice3A_105[0] : i32 from vector<1xi32>
      %add3A_107 = arith.constant 3 : i32
      %add3A_108 = arith.addi %mul3A_55, %add3A_107 : i32
      %dma_start3A_109 = arith.constant 0 : i32
      %dma_start3A_110 = tpu.memref_slice %arg10[%add3A_108, %dma_start3A_109] : memref<256x64xf32, #tpu.memory_space<vmem>> -> memref<1x64xf32, #tpu.memory_space<vmem>>
      %dma_start3A_111 = tpu.memref_squeeze %dma_start3A_110 : memref<1x64xf32, #tpu.memory_space<vmem>> -> memref<64xf32, #tpu.memory_space<vmem>>
      %dma_start3A_112 = arith.constant 0 : i32
      %dma_start3A_113 = tpu.memref_slice %arg4[%squeeze3A_106, %dma_start3A_112] : memref<1000000x64xf32, #tpu.memory_space<hbm>> -> memref<1x64xf32, #tpu.memory_space<hbm>>
      %dma_start3A_114 = tpu.memref_squeeze %dma_start3A_113 : memref<1x64xf32, #tpu.memory_space<hbm>> -> memref<64xf32, #tpu.memory_space<hbm>>
      %dma_start3A_115 = arith.constant 0 : i32
      %dma_start3A_116 = tpu.memref_slice %arg10[%add3A_108, %dma_start3A_115] : memref<256x64xf32, #tpu.memory_space<vmem>> -> memref<1x64xf32, #tpu.memory_space<vmem>>
      %dma_start3A_117 = tpu.memref_squeeze %dma_start3A_116 : memref<1x64xf32, #tpu.memory_space<vmem>> -> memref<64xf32, #tpu.memory_space<vmem>>
      %dma_start3A_118 = arith.constant 0 : i32
      %dma_start3A_119 = tpu.memref_slice %arg4[%squeeze3A_106, %dma_start3A_118] : memref<1000000x64xf32, #tpu.memory_space<hbm>> -> memref<1x64xf32, #tpu.memory_space<hbm>>
      %dma_start3A_120 = tpu.memref_squeeze %dma_start3A_119 : memref<1x64xf32, #tpu.memory_space<hbm>> -> memref<64xf32, #tpu.memory_space<hbm>>
      tpu.enqueue_dma source(%dma_start3A_120 : memref<64xf32, #tpu.memory_space<hbm>>) target(%dma_start3A_117 : memref<64xf32, #tpu.memory_space<vmem>>) target_semaphore(%arg12 : memref<!tpu.dma_semaphore, #tpu.memory_space<semaphore_mem>>)
      %slice3A_121 = vector.extract_strided_slice %get3A_59 {offsets = [4], sizes = [1], strides = [1]} : vector<16xi32> to vector<1xi32>
      %squeeze3A_122 = vector.extract %slice3A_121[0] : i32 from vector<1xi32>
      %add3A_123 = arith.constant 4 : i32
      %add3A_124 = arith.addi %mul3A_55, %add3A_123 : i32
      %dma_start3A_125 = arith.constant 0 : i32
      %dma_start3A_126 = tpu.memref_slice %arg10[%add3A_124, %dma_start3A_125] : memref<256x64xf32, #tpu.memory_space<vmem>> -> memref<1x64xf32, #tpu.memory_space<vmem>>
      %dma_start3A_127 = tpu.memref_squeeze %dma_start3A_126 : memref<1x64xf32, #tpu.memory_space<vmem>> -> memref<64xf32, #tpu.memory_space<vmem>>
      %dma_start3A_128 = arith.constant 0 : i32
      %dma_start3A_129 = tpu.memref_slice %arg4[%squeeze3A_122, %dma_start3A_128] : memref<1000000x64xf32, #tpu.memory_space<hbm>> -> memref<1x64xf32, #tpu.memory_space<hbm>>
      %dma_start3A_130 = tpu.memref_squeeze %dma_start3A_129 : memref<1x64xf32, #tpu.memory_space<hbm>> -> memref<64xf32, #tpu.memory_space<hbm>>
      %dma_start3A_131 = arith.constant 0 : i32
      %dma_start3A_132 = tpu.memref_slice %arg10[%add3A_124, %dma_start3A_131] : memref<256x64xf32, #tpu.memory_space<vmem>> -> memref<1x64xf32, #tpu.memory_space<vmem>>
      %dma_start3A_133 = tpu.memref_squeeze %dma_start3A_132 : memref<1x64xf32, #tpu.memory_space<vmem>> -> memref<64xf32, #tpu.memory_space<vmem>>
      %dma_start3A_134 = arith.constant 0 : i32
      %dma_start3A_135 = tpu.memref_slice %arg4[%squeeze3A_122, %dma_start3A_134] : memref<1000000x64xf32, #tpu.memory_space<hbm>> -> memref<1x64xf32, #tpu.memory_space<hbm>>
      %dma_start3A_136 = tpu.memref_squeeze %dma_start3A_135 : memref<1x64xf32, #tpu.memory_space<hbm>> -> memref<64xf32, #tpu.memory_space<hbm>>
      tpu.enqueue_dma source(%dma_start3A_136 : memref<64xf32, #tpu.memory_space<hbm>>) target(%dma_start3A_133 : memref<64xf32, #tpu.memory_space<vmem>>) target_semaphore(%arg12 : memref<!tpu.dma_semaphore, #tpu.memory_space<semaphore_mem>>)
      %slice3A_137 = vector.extract_strided_slice %get3A_59 {offsets = [5], sizes = [1], strides = [1]} : vector<16xi32> to vector<1xi32>
      %squeeze3A_138 = vector.extract %slice3A_137[0] : i32 from vector<1xi32>
      %add3A_139 = arith.constant 5 : i32
      %add3A_140 = arith.addi %mul3A_55, %add3A_139 : i32
      %dma_start3A_141 = arith.constant 0 : i32
      %dma_start3A_142 = tpu.memref_slice %arg10[%add3A_140, %dma_start3A_141] : memref<256x64xf32, #tpu.memory_space<vmem>> -> memref<1x64xf32, #tpu.memory_space<vmem>>
      %dma_start3A_143 = tpu.memref_squeeze %dma_start3A_142 : memref<1x64xf32, #tpu.memory_space<vmem>> -> memref<64xf32, #tpu.memory_space<vmem>>
      %dma_start3A_144 = arith.constant 0 : i32
      %dma_start3A_145 = tpu.memref_slice %arg4[%squeeze3A_138, %dma_start3A_144] : memref<1000000x64xf32, #tpu.memory_space<hbm>> -> memref<1x64xf32, #tpu.memory_space<hbm>>
      %dma_start3A_146 = tpu.memref_squeeze %dma_start3A_145 : memref<1x64xf32, #tpu.memory_space<hbm>> -> memref<64xf32, #tpu.memory_space<hbm>>
      %dma_start3A_147 = arith.constant 0 : i32
      %dma_start3A_148 = tpu.memref_slice %arg10[%add3A_140, %dma_start3A_147] : memref<256x64xf32, #tpu.memory_space<vmem>> -> memref<1x64xf32, #tpu.memory_space<vmem>>
      %dma_start3A_149 = tpu.memref_squeeze %dma_start3A_148 : memref<1x64xf32, #tpu.memory_space<vmem>> -> memref<64xf32, #tpu.memory_space<vmem>>
      %dma_start3A_150 = arith.constant 0 : i32
      %dma_start3A_151 = tpu.memref_slice %arg4[%squeeze3A_138, %dma_start3A_150] : memref<1000000x64xf32, #tpu.memory_space<hbm>> -> memref<1x64xf32, #tpu.memory_space<hbm>>
      %dma_start3A_152 = tpu.memref_squeeze %dma_start3A_151 : memref<1x64xf32, #tpu.memory_space<hbm>> -> memref<64xf32, #tpu.memory_space<hbm>>
      tpu.enqueue_dma source(%dma_start3A_152 : memref<64xf32, #tpu.memory_space<hbm>>) target(%dma_start3A_149 : memref<64xf32, #tpu.memory_space<vmem>>) target_semaphore(%arg12 : memref<!tpu.dma_semaphore, #tpu.memory_space<semaphore_mem>>)
      %slice3A_153 = vector.extract_strided_slice %get3A_59 {offsets = [6], sizes = [1], strides = [1]} : vector<16xi32> to vector<1xi32>
      %squeeze3A_154 = vector.extract %slice3A_153[0] : i32 from vector<1xi32>
      %add3A_155 = arith.constant 6 : i32
      %add3A_156 = arith.addi %mul3A_55, %add3A_155 : i32
      %dma_start3A_157 = arith.constant 0 : i32
      %dma_start3A_158 = tpu.memref_slice %arg10[%add3A_156, %dma_start3A_157] : memref<256x64xf32, #tpu.memory_space<vmem>> -> memref<1x64xf32, #tpu.memory_space<vmem>>
      %dma_start3A_159 = tpu.memref_squeeze %dma_start3A_158 : memref<1x64xf32, #tpu.memory_space<vmem>> -> memref<64xf32, #tpu.memory_space<vmem>>
      %dma_start3A_160 = arith.constant 0 : i32
      %dma_start3A_161 = tpu.memref_slice %arg4[%squeeze3A_154, %dma_start3A_160] : memref<1000000x64xf32, #tpu.memory_space<hbm>> -> memref<1x64xf32, #tpu.memory_space<hbm>>
      %dma_start3A_162 = tpu.memref_squeeze %dma_start3A_161 : memref<1x64xf32, #tpu.memory_space<hbm>> -> memref<64xf32, #tpu.memory_space<hbm>>
      %dma_start3A_163 = arith.constant 0 : i32
      %dma_start3A_164 = tpu.memref_slice %arg10[%add3A_156, %dma_start3A_163] : memref<256x64xf32, #tpu.memory_space<vmem>> -> memref<1x64xf32, #tpu.memory_space<vmem>>
      %dma_start3A_165 = tpu.memref_squeeze %dma_start3A_164 : memref<1x64xf32, #tpu.memory_space<vmem>> -> memref<64xf32, #tpu.memory_space<vmem>>
      %dma_start3A_166 = arith.constant 0 : i32
      %dma_start3A_167 = tpu.memref_slice %arg4[%squeeze3A_154, %dma_start3A_166] : memref<1000000x64xf32, #tpu.memory_space<hbm>> -> memref<1x64xf32, #tpu.memory_space<hbm>>
      %dma_start3A_168 = tpu.memref_squeeze %dma_start3A_167 : memref<1x64xf32, #tpu.memory_space<hbm>> -> memref<64xf32, #tpu.memory_space<hbm>>
      tpu.enqueue_dma source(%dma_start3A_168 : memref<64xf32, #tpu.memory_space<hbm>>) target(%dma_start3A_165 : memref<64xf32, #tpu.memory_space<vmem>>) target_semaphore(%arg12 : memref<!tpu.dma_semaphore, #tpu.memory_space<semaphore_mem>>)
      %slice3A_169 = vector.extract_strided_slice %get3A_59 {offsets = [7], sizes = [1], strides = [1]} : vector<16xi32> to vector<1xi32>
      %squeeze3A_170 = vector.extract %slice3A_169[0] : i32 from vector<1xi32>
      %add3A_171 = arith.constant 7 : i32
      %add3A_172 = arith.addi %mul3A_55, %add3A_171 : i32
      %dma_start3A_173 = arith.constant 0 : i32
      %dma_start3A_174 = tpu.memref_slice %arg10[%add3A_172, %dma_start3A_173] : memref<256x64xf32, #tpu.memory_space<vmem>> -> memref<1x64xf32, #tpu.memory_space<vmem>>
      %dma_start3A_175 = tpu.memref_squeeze %dma_start3A_174 : memref<1x64xf32, #tpu.memory_space<vmem>> -> memref<64xf32, #tpu.memory_space<vmem>>
      %dma_start3A_176 = arith.constant 0 : i32
      %dma_start3A_177 = tpu.memref_slice %arg4[%squeeze3A_170, %dma_start3A_176] : memref<1000000x64xf32, #tpu.memory_space<hbm>> -> memref<1x64xf32, #tpu.memory_space<hbm>>
      %dma_start3A_178 = tpu.memref_squeeze %dma_start3A_177 : memref<1x64xf32, #tpu.memory_space<hbm>> -> memref<64xf32, #tpu.memory_space<hbm>>
      %dma_start3A_179 = arith.constant 0 : i32
      %dma_start3A_180 = tpu.memref_slice %arg10[%add3A_172, %dma_start3A_179] : memref<256x64xf32, #tpu.memory_space<vmem>> -> memref<1x64xf32, #tpu.memory_space<vmem>>
      %dma_start3A_181 = tpu.memref_squeeze %dma_start3A_180 : memref<1x64xf32, #tpu.memory_space<vmem>> -> memref<64xf32, #tpu.memory_space<vmem>>
      %dma_start3A_182 = arith.constant 0 : i32
      %dma_start3A_183 = tpu.memref_slice %arg4[%squeeze3A_170, %dma_start3A_182] : memref<1000000x64xf32, #tpu.memory_space<hbm>> -> memref<1x64xf32, #tpu.memory_space<hbm>>
      %dma_start3A_184 = tpu.memref_squeeze %dma_start3A_183 : memref<1x64xf32, #tpu.memory_space<hbm>> -> memref<64xf32, #tpu.memory_space<hbm>>
      tpu.enqueue_dma source(%dma_start3A_184 : memref<64xf32, #tpu.memory_space<hbm>>) target(%dma_start3A_181 : memref<64xf32, #tpu.memory_space<vmem>>) target_semaphore(%arg12 : memref<!tpu.dma_semaphore, #tpu.memory_space<semaphore_mem>>)
      %slice3A_185 = vector.extract_strided_slice %get3A_59 {offsets = [8], sizes = [1], strides = [1]} : vector<16xi32> to vector<1xi32>
      %squeeze3A_186 = vector.extract %slice3A_185[0] : i32 from vector<1xi32>
      %add3A_187 = arith.constant 8 : i32
      %add3A_188 = arith.addi %mul3A_55, %add3A_187 : i32
      %dma_start3A_189 = arith.constant 0 : i32
      %dma_start3A_190 = tpu.memref_slice %arg10[%add3A_188, %dma_start3A_189] : memref<256x64xf32, #tpu.memory_space<vmem>> -> memref<1x64xf32, #tpu.memory_space<vmem>>
      %dma_start3A_191 = tpu.memref_squeeze %dma_start3A_190 : memref<1x64xf32, #tpu.memory_space<vmem>> -> memref<64xf32, #tpu.memory_space<vmem>>
      %dma_start3A_192 = arith.constant 0 : i32
      %dma_start3A_193 = tpu.memref_slice %arg4[%squeeze3A_186, %dma_start3A_192] : memref<1000000x64xf32, #tpu.memory_space<hbm>> -> memref<1x64xf32, #tpu.memory_space<hbm>>
      %dma_start3A_194 = tpu.memref_squeeze %dma_start3A_193 : memref<1x64xf32, #tpu.memory_space<hbm>> -> memref<64xf32, #tpu.memory_space<hbm>>
      %dma_start3A_195 = arith.constant 0 : i32
      %dma_start3A_196 = tpu.memref_slice %arg10[%add3A_188, %dma_start3A_195] : memref<256x64xf32, #tpu.memory_space<vmem>> -> memref<1x64xf32, #tpu.memory_space<vmem>>
      %dma_start3A_197 = tpu.memref_squeeze %dma_start3A_196 : memref<1x64xf32, #tpu.memory_space<vmem>> -> memref<64xf32, #tpu.memory_space<vmem>>
      %dma_start3A_198 = arith.constant 0 : i32
      %dma_start3A_199 = tpu.memref_slice %arg4[%squeeze3A_186, %dma_start3A_198] : memref<1000000x64xf32, #tpu.memory_space<hbm>> -> memref<1x64xf32, #tpu.memory_space<hbm>>
      %dma_start3A_200 = tpu.memref_squeeze %dma_start3A_199 : memref<1x64xf32, #tpu.memory_space<hbm>> -> memref<64xf32, #tpu.memory_space<hbm>>
      tpu.enqueue_dma source(%dma_start3A_200 : memref<64xf32, #tpu.memory_space<hbm>>) target(%dma_start3A_197 : memref<64xf32, #tpu.memory_space<vmem>>) target_semaphore(%arg12 : memref<!tpu.dma_semaphore, #tpu.memory_space<semaphore_mem>>)
      %slice3A_201 = vector.extract_strided_slice %get3A_59 {offsets = [9], sizes = [1], strides = [1]} : vector<16xi32> to vector<1xi32>
      %squeeze3A_202 = vector.extract %slice3A_201[0] : i32 from vector<1xi32>
      %add3A_203 = arith.constant 9 : i32
      %add3A_204 = arith.addi %mul3A_55, %add3A_203 : i32
      %dma_start3A_205 = arith.constant 0 : i32
      %dma_start3A_206 = tpu.memref_slice %arg10[%add3A_204, %dma_start3A_205] : memref<256x64xf32, #tpu.memory_space<vmem>> -> memref<1x64xf32, #tpu.memory_space<vmem>>
      %dma_start3A_207 = tpu.memref_squeeze %dma_start3A_206 : memref<1x64xf32, #tpu.memory_space<vmem>> -> memref<64xf32, #tpu.memory_space<vmem>>
      %dma_start3A_208 = arith.constant 0 : i32
      %dma_start3A_209 = tpu.memref_slice %arg4[%squeeze3A_202, %dma_start3A_208] : memref<1000000x64xf32, #tpu.memory_space<hbm>> -> memref<1x64xf32, #tpu.memory_space<hbm>>
      %dma_start3A_210 = tpu.memref_squeeze %dma_start3A_209 : memref<1x64xf32, #tpu.memory_space<hbm>> -> memref<64xf32, #tpu.memory_space<hbm>>
      %dma_start3A_211 = arith.constant 0 : i32
      %dma_start3A_212 = tpu.memref_slice %arg10[%add3A_204, %dma_start3A_211] : memref<256x64xf32, #tpu.memory_space<vmem>> -> memref<1x64xf32, #tpu.memory_space<vmem>>
      %dma_start3A_213 = tpu.memref_squeeze %dma_start3A_212 : memref<1x64xf32, #tpu.memory_space<vmem>> -> memref<64xf32, #tpu.memory_space<vmem>>
      %dma_start3A_214 = arith.constant 0 : i32
      %dma_start3A_215 = tpu.memref_slice %arg4[%squeeze3A_202, %dma_start3A_214] : memref<1000000x64xf32, #tpu.memory_space<hbm>> -> memref<1x64xf32, #tpu.memory_space<hbm>>
      %dma_start3A_216 = tpu.memref_squeeze %dma_start3A_215 : memref<1x64xf32, #tpu.memory_space<hbm>> -> memref<64xf32, #tpu.memory_space<hbm>>
      tpu.enqueue_dma source(%dma_start3A_216 : memref<64xf32, #tpu.memory_space<hbm>>) target(%dma_start3A_213 : memref<64xf32, #tpu.memory_space<vmem>>) target_semaphore(%arg12 : memref<!tpu.dma_semaphore, #tpu.memory_space<semaphore_mem>>)
      %slice3A_217 = vector.extract_strided_slice %get3A_59 {offsets = [10], sizes = [1], strides = [1]} : vector<16xi32> to vector<1xi32>
      %squeeze3A_218 = vector.extract %slice3A_217[0] : i32 from vector<1xi32>
      %add3A_219 = arith.constant 10 : i32
      %add3A_220 = arith.addi %mul3A_55, %add3A_219 : i32
      %dma_start3A_221 = arith.constant 0 : i32
      %dma_start3A_222 = tpu.memref_slice %arg10[%add3A_220, %dma_start3A_221] : memref<256x64xf32, #tpu.memory_space<vmem>> -> memref<1x64xf32, #tpu.memory_space<vmem>>
      %dma_start3A_223 = tpu.memref_squeeze %dma_start3A_222 : memref<1x64xf32, #tpu.memory_space<vmem>> -> memref<64xf32, #tpu.memory_space<vmem>>
      %dma_start3A_224 = arith.constant 0 : i32
      %dma_start3A_225 = tpu.memref_slice %arg4[%squeeze3A_218, %dma_start3A_224] : memref<1000000x64xf32, #tpu.memory_space<hbm>> -> memref<1x64xf32, #tpu.memory_space<hbm>>
      %dma_start3A_226 = tpu.memref_squeeze %dma_start3A_225 : memref<1x64xf32, #tpu.memory_space<hbm>> -> memref<64xf32, #tpu.memory_space<hbm>>
      %dma_start3A_227 = arith.constant 0 : i32
      %dma_start3A_228 = tpu.memref_slice %arg10[%add3A_220, %dma_start3A_227] : memref<256x64xf32, #tpu.memory_space<vmem>> -> memref<1x64xf32, #tpu.memory_space<vmem>>
      %dma_start3A_229 = tpu.memref_squeeze %dma_start3A_228 : memref<1x64xf32, #tpu.memory_space<vmem>> -> memref<64xf32, #tpu.memory_space<vmem>>
      %dma_start3A_230 = arith.constant 0 : i32
      %dma_start3A_231 = tpu.memref_slice %arg4[%squeeze3A_218, %dma_start3A_230] : memref<1000000x64xf32, #tpu.memory_space<hbm>> -> memref<1x64xf32, #tpu.memory_space<hbm>>
      %dma_start3A_232 = tpu.memref_squeeze %dma_start3A_231 : memref<1x64xf32, #tpu.memory_space<hbm>> -> memref<64xf32, #tpu.memory_space<hbm>>
      tpu.enqueue_dma source(%dma_start3A_232 : memref<64xf32, #tpu.memory_space<hbm>>) target(%dma_start3A_229 : memref<64xf32, #tpu.memory_space<vmem>>) target_semaphore(%arg12 : memref<!tpu.dma_semaphore, #tpu.memory_space<semaphore_mem>>)
      %slice3A_233 = vector.extract_strided_slice %get3A_59 {offsets = [11], sizes = [1], strides = [1]} : vector<16xi32> to vector<1xi32>
      %squeeze3A_234 = vector.extract %slice3A_233[0] : i32 from vector<1xi32>
      %add3A_235 = arith.constant 11 : i32
      %add3A_236 = arith.addi %mul3A_55, %add3A_235 : i32
      %dma_start3A_237 = arith.constant 0 : i32
      %dma_start3A_238 = tpu.memref_slice %arg10[%add3A_236, %dma_start3A_237] : memref<256x64xf32, #tpu.memory_space<vmem>> -> memref<1x64xf32, #tpu.memory_space<vmem>>
      %dma_start3A_239 = tpu.memref_squeeze %dma_start3A_238 : memref<1x64xf32, #tpu.memory_space<vmem>> -> memref<64xf32, #tpu.memory_space<vmem>>
      %dma_start3A_240 = arith.constant 0 : i32
      %dma_start3A_241 = tpu.memref_slice %arg4[%squeeze3A_234, %dma_start3A_240] : memref<1000000x64xf32, #tpu.memory_space<hbm>> -> memref<1x64xf32, #tpu.memory_space<hbm>>
      %dma_start3A_242 = tpu.memref_squeeze %dma_start3A_241 : memref<1x64xf32, #tpu.memory_space<hbm>> -> memref<64xf32, #tpu.memory_space<hbm>>
      %dma_start3A_243 = arith.constant 0 : i32
      %dma_start3A_244 = tpu.memref_slice %arg10[%add3A_236, %dma_start3A_243] : memref<256x64xf32, #tpu.memory_space<vmem>> -> memref<1x64xf32, #tpu.memory_space<vmem>>
      %dma_start3A_245 = tpu.memref_squeeze %dma_start3A_244 : memref<1x64xf32, #tpu.memory_space<vmem>> -> memref<64xf32, #tpu.memory_space<vmem>>
      %dma_start3A_246 = arith.constant 0 : i32
      %dma_start3A_247 = tpu.memref_slice %arg4[%squeeze3A_234, %dma_start3A_246] : memref<1000000x64xf32, #tpu.memory_space<hbm>> -> memref<1x64xf32, #tpu.memory_space<hbm>>
      %dma_start3A_248 = tpu.memref_squeeze %dma_start3A_247 : memref<1x64xf32, #tpu.memory_space<hbm>> -> memref<64xf32, #tpu.memory_space<hbm>>
      tpu.enqueue_dma source(%dma_start3A_248 : memref<64xf32, #tpu.memory_space<hbm>>) target(%dma_start3A_245 : memref<64xf32, #tpu.memory_space<vmem>>) target_semaphore(%arg12 : memref<!tpu.dma_semaphore, #tpu.memory_space<semaphore_mem>>)
      %slice3A_249 = vector.extract_strided_slice %get3A_59 {offsets = [12], sizes = [1], strides = [1]} : vector<16xi32> to vector<1xi32>
      %squeeze3A_250 = vector.extract %slice3A_249[0] : i32 from vector<1xi32>
      %add3A_251 = arith.constant 12 : i32
      %add3A_252 = arith.addi %mul3A_55, %add3A_251 : i32
      %dma_start3A_253 = arith.constant 0 : i32
      %dma_start3A_254 = tpu.memref_slice %arg10[%add3A_252, %dma_start3A_253] : memref<256x64xf32, #tpu.memory_space<vmem>> -> memref<1x64xf32, #tpu.memory_space<vmem>>
      %dma_start3A_255 = tpu.memref_squeeze %dma_start3A_254 : memref<1x64xf32, #tpu.memory_space<vmem>> -> memref<64xf32, #tpu.memory_space<vmem>>
      %dma_start3A_256 = arith.constant 0 : i32
      %dma_start3A_257 = tpu.memref_slice %arg4[%squeeze3A_250, %dma_start3A_256] : memref<1000000x64xf32, #tpu.memory_space<hbm>> -> memref<1x64xf32, #tpu.memory_space<hbm>>
      %dma_start3A_258 = tpu.memref_squeeze %dma_start3A_257 : memref<1x64xf32, #tpu.memory_space<hbm>> -> memref<64xf32, #tpu.memory_space<hbm>>
      %dma_start3A_259 = arith.constant 0 : i32
      %dma_start3A_260 = tpu.memref_slice %arg10[%add3A_252, %dma_start3A_259] : memref<256x64xf32, #tpu.memory_space<vmem>> -> memref<1x64xf32, #tpu.memory_space<vmem>>
      %dma_start3A_261 = tpu.memref_squeeze %dma_start3A_260 : memref<1x64xf32, #tpu.memory_space<vmem>> -> memref<64xf32, #tpu.memory_space<vmem>>
      %dma_start3A_262 = arith.constant 0 : i32
      %dma_start3A_263 = tpu.memref_slice %arg4[%squeeze3A_250, %dma_start3A_262] : memref<1000000x64xf32, #tpu.memory_space<hbm>> -> memref<1x64xf32, #tpu.memory_space<hbm>>
      %dma_start3A_264 = tpu.memref_squeeze %dma_start3A_263 : memref<1x64xf32, #tpu.memory_space<hbm>> -> memref<64xf32, #tpu.memory_space<hbm>>
      tpu.enqueue_dma source(%dma_start3A_264 : memref<64xf32, #tpu.memory_space<hbm>>) target(%dma_start3A_261 : memref<64xf32, #tpu.memory_space<vmem>>) target_semaphore(%arg12 : memref<!tpu.dma_semaphore, #tpu.memory_space<semaphore_mem>>)
      %slice3A_265 = vector.extract_strided_slice %get3A_59 {offsets = [13], sizes = [1], strides = [1]} : vector<16xi32> to vector<1xi32>
      %squeeze3A_266 = vector.extract %slice3A_265[0] : i32 from vector<1xi32>
      %add3A_267 = arith.constant 13 : i32
      %add3A_268 = arith.addi %mul3A_55, %add3A_267 : i32
      %dma_start3A_269 = arith.constant 0 : i32
      %dma_start3A_270 = tpu.memref_slice %arg10[%add3A_268, %dma_start3A_269] : memref<256x64xf32, #tpu.memory_space<vmem>> -> memref<1x64xf32, #tpu.memory_space<vmem>>
      %dma_start3A_271 = tpu.memref_squeeze %dma_start3A_270 : memref<1x64xf32, #tpu.memory_space<vmem>> -> memref<64xf32, #tpu.memory_space<vmem>>
      %dma_start3A_272 = arith.constant 0 : i32
      %dma_start3A_273 = tpu.memref_slice %arg4[%squeeze3A_266, %dma_start3A_272] : memref<1000000x64xf32, #tpu.memory_space<hbm>> -> memref<1x64xf32, #tpu.memory_space<hbm>>
      %dma_start3A_274 = tpu.memref_squeeze %dma_start3A_273 : memref<1x64xf32, #tpu.memory_space<hbm>> -> memref<64xf32, #tpu.memory_space<hbm>>
      %dma_start3A_275 = arith.constant 0 : i32
      %dma_start3A_276 = tpu.memref_slice %arg10[%add3A_268, %dma_start3A_275] : memref<256x64xf32, #tpu.memory_space<vmem>> -> memref<1x64xf32, #tpu.memory_space<vmem>>
      %dma_start3A_277 = tpu.memref_squeeze %dma_start3A_276 : memref<1x64xf32, #tpu.memory_space<vmem>> -> memref<64xf32, #tpu.memory_space<vmem>>
      %dma_start3A_278 = arith.constant 0 : i32
      %dma_start3A_279 = tpu.memref_slice %arg4[%squeeze3A_266, %dma_start3A_278] : memref<1000000x64xf32, #tpu.memory_space<hbm>> -> memref<1x64xf32, #tpu.memory_space<hbm>>
      %dma_start3A_280 = tpu.memref_squeeze %dma_start3A_279 : memref<1x64xf32, #tpu.memory_space<hbm>> -> memref<64xf32, #tpu.memory_space<hbm>>
      tpu.enqueue_dma source(%dma_start3A_280 : memref<64xf32, #tpu.memory_space<hbm>>) target(%dma_start3A_277 : memref<64xf32, #tpu.memory_space<vmem>>) target_semaphore(%arg12 : memref<!tpu.dma_semaphore, #tpu.memory_space<semaphore_mem>>)
      %slice3A_281 = vector.extract_strided_slice %get3A_59 {offsets = [14], sizes = [1], strides = [1]} : vector<16xi32> to vector<1xi32>
      %squeeze3A_282 = vector.extract %slice3A_281[0] : i32 from vector<1xi32>
      %add3A_283 = arith.constant 14 : i32
      %add3A_284 = arith.addi %mul3A_55, %add3A_283 : i32
      %dma_start3A_285 = arith.constant 0 : i32
      %dma_start3A_286 = tpu.memref_slice %arg10[%add3A_284, %dma_start3A_285] : memref<256x64xf32, #tpu.memory_space<vmem>> -> memref<1x64xf32, #tpu.memory_space<vmem>>
      %dma_start3A_287 = tpu.memref_squeeze %dma_start3A_286 : memref<1x64xf32, #tpu.memory_space<vmem>> -> memref<64xf32, #tpu.memory_space<vmem>>
      %dma_start3A_288 = arith.constant 0 : i32
      %dma_start3A_289 = tpu.memref_slice %arg4[%squeeze3A_282, %dma_start3A_288] : memref<1000000x64xf32, #tpu.memory_space<hbm>> -> memref<1x64xf32, #tpu.memory_space<hbm>>
      %dma_start3A_290 = tpu.memref_squeeze %dma_start3A_289 : memref<1x64xf32, #tpu.memory_space<hbm>> -> memref<64xf32, #tpu.memory_space<hbm>>
      %dma_start3A_291 = arith.constant 0 : i32
      %dma_start3A_292 = tpu.memref_slice %arg10[%add3A_284, %dma_start3A_291] : memref<256x64xf32, #tpu.memory_space<vmem>> -> memref<1x64xf32, #tpu.memory_space<vmem>>
      %dma_start3A_293 = tpu.memref_squeeze %dma_start3A_292 : memref<1x64xf32, #tpu.memory_space<vmem>> -> memref<64xf32, #tpu.memory_space<vmem>>
      %dma_start3A_294 = arith.constant 0 : i32
      %dma_start3A_295 = tpu.memref_slice %arg4[%squeeze3A_282, %dma_start3A_294] : memref<1000000x64xf32, #tpu.memory_space<hbm>> -> memref<1x64xf32, #tpu.memory_space<hbm>>
      %dma_start3A_296 = tpu.memref_squeeze %dma_start3A_295 : memref<1x64xf32, #tpu.memory_space<hbm>> -> memref<64xf32, #tpu.memory_space<hbm>>
      tpu.enqueue_dma source(%dma_start3A_296 : memref<64xf32, #tpu.memory_space<hbm>>) target(%dma_start3A_293 : memref<64xf32, #tpu.memory_space<vmem>>) target_semaphore(%arg12 : memref<!tpu.dma_semaphore, #tpu.memory_space<semaphore_mem>>)
      %slice3A_297 = vector.extract_strided_slice %get3A_59 {offsets = [15], sizes = [1], strides = [1]} : vector<16xi32> to vector<1xi32>
      %squeeze3A_298 = vector.extract %slice3A_297[0] : i32 from vector<1xi32>
      %add3A_299 = arith.constant 15 : i32
      %add3A_300 = arith.addi %mul3A_55, %add3A_299 : i32
      %dma_start3A_301 = arith.constant 0 : i32
      %dma_start3A_302 = tpu.memref_slice %arg10[%add3A_300, %dma_start3A_301] : memref<256x64xf32, #tpu.memory_space<vmem>> -> memref<1x64xf32, #tpu.memory_space<vmem>>
      %dma_start3A_303 = tpu.memref_squeeze %dma_start3A_302 : memref<1x64xf32, #tpu.memory_space<vmem>> -> memref<64xf32, #tpu.memory_space<vmem>>
      %dma_start3A_304 = arith.constant 0 : i32
      %dma_start3A_305 = tpu.memref_slice %arg4[%squeeze3A_298, %dma_start3A_304] : memref<1000000x64xf32, #tpu.memory_space<hbm>> -> memref<1x64xf32, #tpu.memory_space<hbm>>
      %dma_start3A_306 = tpu.memref_squeeze %dma_start3A_305 : memref<1x64xf32, #tpu.memory_space<hbm>> -> memref<64xf32, #tpu.memory_space<hbm>>
      %dma_start3A_307 = arith.constant 0 : i32
      %dma_start3A_308 = tpu.memref_slice %arg10[%add3A_300, %dma_start3A_307] : memref<256x64xf32, #tpu.memory_space<vmem>> -> memref<1x64xf32, #tpu.memory_space<vmem>>
      %dma_start3A_309 = tpu.memref_squeeze %dma_start3A_308 : memref<1x64xf32, #tpu.memory_space<vmem>> -> memref<64xf32, #tpu.memory_space<vmem>>
      %dma_start3A_310 = arith.constant 0 : i32
      %dma_start3A_311 = tpu.memref_slice %arg4[%squeeze3A_298, %dma_start3A_310] : memref<1000000x64xf32, #tpu.memory_space<hbm>> -> memref<1x64xf32, #tpu.memory_space<hbm>>
      %dma_start3A_312 = tpu.memref_squeeze %dma_start3A_311 : memref<1x64xf32, #tpu.memory_space<hbm>> -> memref<64xf32, #tpu.memory_space<hbm>>
      tpu.enqueue_dma source(%dma_start3A_312 : memref<64xf32, #tpu.memory_space<hbm>>) target(%dma_start3A_309 : memref<64xf32, #tpu.memory_space<vmem>>) target_semaphore(%arg12 : memref<!tpu.dma_semaphore, #tpu.memory_space<semaphore_mem>>)
    }
    %scan3A_6 = arith.constant 16 : i32
    %scan3A_7 = arith.constant 0 : i32
    %scan3A_8 = arith.constant 16 : i32
    %scan3A_9 = arith.addi %scan3A_7, %scan3A_8 : i32
    %scan3A_10 = arith.constant 1 : i32
    scf.for %scan3A_53 = %scan3A_7 to %scan3A_9 step %scan3A_10  : i32 {
      %mul3A_54 = arith.constant 16 : i32
      %mul3A_55 = arith.muli %scan3A_53, %mul3A_54 : i32
      %add3A_56 = arith.constant 0 : i32
      %add3A_57 = arith.addi %add3A_56, %mul3A_55 : i32
      %get3A = arith.index_cast %add3A_57 : i32 to index
      %get3A_58 = tpu.vector_load %arg9[%get3A] {strides = array<i32>} : memref<512xi32, #tpu.memory_space<vmem>>, vector<16xi32>,
      %get3A_59 = vector.shape_cast %get3A_58 : vector<16xi32> to vector<16xi32>
      %slice3A = vector.extract_strided_slice %get3A_59 {offsets = [0], sizes = [1], strides = [1]} : vector<16xi32> to vector<1xi32>
      %squeeze3A = vector.extract %slice3A[0] : i32 from vector<1xi32>
      %add3A_60 = arith.constant 0 : i32
      %add3A_61 = arith.addi %mul3A_55, %add3A_60 : i32
      %dma_start3A = arith.constant 0 : i32
      %dma_start3A_62 = tpu.memref_slice %arg11[%add3A_61, %dma_start3A] : memref<256x64xf32, #tpu.memory_space<vmem>> -> memref<1x64xf32, #tpu.memory_space<vmem>>
      %dma_start3A_63 = tpu.memref_squeeze %dma_start3A_62 : memref<1x64xf32, #tpu.memory_space<vmem>> -> memref<64xf32, #tpu.memory_space<vmem>>
      %dma_start3A_64 = arith.constant 0 : i32
      %dma_start3A_65 = tpu.memref_slice %arg5[%squeeze3A, %dma_start3A_64] : memref<1000000x64xf32, #tpu.memory_space<hbm>> -> memref<1x64xf32, #tpu.memory_space<hbm>>
      %dma_start3A_66 = tpu.memref_squeeze %dma_start3A_65 : memref<1x64xf32, #tpu.memory_space<hbm>> -> memref<64xf32, #tpu.memory_space<hbm>>
      %dma_start3A_67 = arith.constant 0 : i32
      %dma_start3A_68 = tpu.memref_slice %arg11[%add3A_61, %dma_start3A_67] : memref<256x64xf32, #tpu.memory_space<vmem>> -> memref<1x64xf32, #tpu.memory_space<vmem>>
      %dma_start3A_69 = tpu.memref_squeeze %dma_start3A_68 : memref<1x64xf32, #tpu.memory_space<vmem>> -> memref<64xf32, #tpu.memory_space<vmem>>
      %dma_start3A_70 = arith.constant 0 : i32
      %dma_start3A_71 = tpu.memref_slice %arg5[%squeeze3A, %dma_start3A_70] : memref<1000000x64xf32, #tpu.memory_space<hbm>> -> memref<1x64xf32, #tpu.memory_space<hbm>>
      %dma_start3A_72 = tpu.memref_squeeze %dma_start3A_71 : memref<1x64xf32, #tpu.memory_space<hbm>> -> memref<64xf32, #tpu.memory_space<hbm>>
      tpu.enqueue_dma source(%dma_start3A_72 : memref<64xf32, #tpu.memory_space<hbm>>) target(%dma_start3A_69 : memref<64xf32, #tpu.memory_space<vmem>>) target_semaphore(%arg13 : memref<!tpu.dma_semaphore, #tpu.memory_space<semaphore_mem>>)
      %slice3A_73 = vector.extract_strided_slice %get3A_59 {offsets = [1], sizes = [1], strides = [1]} : vector<16xi32> to vector<1xi32>
      %squeeze3A_74 = vector.extract %slice3A_73[0] : i32 from vector<1xi32>
      %add3A_75 = arith.constant 1 : i32
      %add3A_76 = arith.addi %mul3A_55, %add3A_75 : i32
      %dma_start3A_77 = arith.constant 0 : i32
      %dma_start3A_78 = tpu.memref_slice %arg11[%add3A_76, %dma_start3A_77] : memref<256x64xf32, #tpu.memory_space<vmem>> -> memref<1x64xf32, #tpu.memory_space<vmem>>
      %dma_start3A_79 = tpu.memref_squeeze %dma_start3A_78 : memref<1x64xf32, #tpu.memory_space<vmem>> -> memref<64xf32, #tpu.memory_space<vmem>>
      %dma_start3A_80 = arith.constant 0 : i32
      %dma_start3A_81 = tpu.memref_slice %arg5[%squeeze3A_74, %dma_start3A_80] : memref<1000000x64xf32, #tpu.memory_space<hbm>> -> memref<1x64xf32, #tpu.memory_space<hbm>>
      %dma_start3A_82 = tpu.memref_squeeze %dma_start3A_81 : memref<1x64xf32, #tpu.memory_space<hbm>> -> memref<64xf32, #tpu.memory_space<hbm>>
      %dma_start3A_83 = arith.constant 0 : i32
      %dma_start3A_84 = tpu.memref_slice %arg11[%add3A_76, %dma_start3A_83] : memref<256x64xf32, #tpu.memory_space<vmem>> -> memref<1x64xf32, #tpu.memory_space<vmem>>
      %dma_start3A_85 = tpu.memref_squeeze %dma_start3A_84 : memref<1x64xf32, #tpu.memory_space<vmem>> -> memref<64xf32, #tpu.memory_space<vmem>>
      %dma_start3A_86 = arith.constant 0 : i32
      %dma_start3A_87 = tpu.memref_slice %arg5[%squeeze3A_74, %dma_start3A_86] : memref<1000000x64xf32, #tpu.memory_space<hbm>> -> memref<1x64xf32, #tpu.memory_space<hbm>>
      %dma_start3A_88 = tpu.memref_squeeze %dma_start3A_87 : memref<1x64xf32, #tpu.memory_space<hbm>> -> memref<64xf32, #tpu.memory_space<hbm>>
      tpu.enqueue_dma source(%dma_start3A_88 : memref<64xf32, #tpu.memory_space<hbm>>) target(%dma_start3A_85 : memref<64xf32, #tpu.memory_space<vmem>>) target_semaphore(%arg13 : memref<!tpu.dma_semaphore, #tpu.memory_space<semaphore_mem>>)
      %slice3A_89 = vector.extract_strided_slice %get3A_59 {offsets = [2], sizes = [1], strides = [1]} : vector<16xi32> to vector<1xi32>
      %squeeze3A_90 = vector.extract %slice3A_89[0] : i32 from vector<1xi32>
      %add3A_91 = arith.constant 2 : i32
      %add3A_92 = arith.addi %mul3A_55, %add3A_91 : i32
      %dma_start3A_93 = arith.constant 0 : i32
      %dma_start3A_94 = tpu.memref_slice %arg11[%add3A_92, %dma_start3A_93] : memref<256x64xf32, #tpu.memory_space<vmem>> -> memref<1x64xf32, #tpu.memory_space<vmem>>
      %dma_start3A_95 = tpu.memref_squeeze %dma_start3A_94 : memref<1x64xf32, #tpu.memory_space<vmem>> -> memref<64xf32, #tpu.memory_space<vmem>>
      %dma_start3A_96 = arith.constant 0 : i32
      %dma_start3A_97 = tpu.memref_slice %arg5[%squeeze3A_90, %dma_start3A_96] : memref<1000000x64xf32, #tpu.memory_space<hbm>> -> memref<1x64xf32, #tpu.memory_space<hbm>>
      %dma_start3A_98 = tpu.memref_squeeze %dma_start3A_97 : memref<1x64xf32, #tpu.memory_space<hbm>> -> memref<64xf32, #tpu.memory_space<hbm>>
      %dma_start3A_99 = arith.constant 0 : i32
      %dma_start3A_100 = tpu.memref_slice %arg11[%add3A_92, %dma_start3A_99] : memref<256x64xf32, #tpu.memory_space<vmem>> -> memref<1x64xf32, #tpu.memory_space<vmem>>
      %dma_start3A_101 = tpu.memref_squeeze %dma_start3A_100 : memref<1x64xf32, #tpu.memory_space<vmem>> -> memref<64xf32, #tpu.memory_space<vmem>>
      %dma_start3A_102 = arith.constant 0 : i32
      %dma_start3A_103 = tpu.memref_slice %arg5[%squeeze3A_90, %dma_start3A_102] : memref<1000000x64xf32, #tpu.memory_space<hbm>> -> memref<1x64xf32, #tpu.memory_space<hbm>>
      %dma_start3A_104 = tpu.memref_squeeze %dma_start3A_103 : memref<1x64xf32, #tpu.memory_space<hbm>> -> memref<64xf32, #tpu.memory_space<hbm>>
      tpu.enqueue_dma source(%dma_start3A_104 : memref<64xf32, #tpu.memory_space<hbm>>) target(%dma_start3A_101 : memref<64xf32, #tpu.memory_space<vmem>>) target_semaphore(%arg13 : memref<!tpu.dma_semaphore, #tpu.memory_space<semaphore_mem>>)
      %slice3A_105 = vector.extract_strided_slice %get3A_59 {offsets = [3], sizes = [1], strides = [1]} : vector<16xi32> to vector<1xi32>
      %squeeze3A_106 = vector.extract %slice3A_105[0] : i32 from vector<1xi32>
      %add3A_107 = arith.constant 3 : i32
      %add3A_108 = arith.addi %mul3A_55, %add3A_107 : i32
      %dma_start3A_109 = arith.constant 0 : i32
      %dma_start3A_110 = tpu.memref_slice %arg11[%add3A_108, %dma_start3A_109] : memref<256x64xf32, #tpu.memory_space<vmem>> -> memref<1x64xf32, #tpu.memory_space<vmem>>
      %dma_start3A_111 = tpu.memref_squeeze %dma_start3A_110 : memref<1x64xf32, #tpu.memory_space<vmem>> -> memref<64xf32, #tpu.memory_space<vmem>>
      %dma_start3A_112 = arith.constant 0 : i32
      %dma_start3A_113 = tpu.memref_slice %arg5[%squeeze3A_106, %dma_start3A_112] : memref<1000000x64xf32, #tpu.memory_space<hbm>> -> memref<1x64xf32, #tpu.memory_space<hbm>>
      %dma_start3A_114 = tpu.memref_squeeze %dma_start3A_113 : memref<1x64xf32, #tpu.memory_space<hbm>> -> memref<64xf32, #tpu.memory_space<hbm>>
      %dma_start3A_115 = arith.constant 0 : i32
      %dma_start3A_116 = tpu.memref_slice %arg11[%add3A_108, %dma_start3A_115] : memref<256x64xf32, #tpu.memory_space<vmem>> -> memref<1x64xf32, #tpu.memory_space<vmem>>
      %dma_start3A_117 = tpu.memref_squeeze %dma_start3A_116 : memref<1x64xf32, #tpu.memory_space<vmem>> -> memref<64xf32, #tpu.memory_space<vmem>>
      %dma_start3A_118 = arith.constant 0 : i32
      %dma_start3A_119 = tpu.memref_slice %arg5[%squeeze3A_106, %dma_start3A_118] : memref<1000000x64xf32, #tpu.memory_space<hbm>> -> memref<1x64xf32, #tpu.memory_space<hbm>>
      %dma_start3A_120 = tpu.memref_squeeze %dma_start3A_119 : memref<1x64xf32, #tpu.memory_space<hbm>> -> memref<64xf32, #tpu.memory_space<hbm>>
      tpu.enqueue_dma source(%dma_start3A_120 : memref<64xf32, #tpu.memory_space<hbm>>) target(%dma_start3A_117 : memref<64xf32, #tpu.memory_space<vmem>>) target_semaphore(%arg13 : memref<!tpu.dma_semaphore, #tpu.memory_space<semaphore_mem>>)
      %slice3A_121 = vector.extract_strided_slice %get3A_59 {offsets = [4], sizes = [1], strides = [1]} : vector<16xi32> to vector<1xi32>
      %squeeze3A_122 = vector.extract %slice3A_121[0] : i32 from vector<1xi32>
      %add3A_123 = arith.constant 4 : i32
      %add3A_124 = arith.addi %mul3A_55, %add3A_123 : i32
      %dma_start3A_125 = arith.constant 0 : i32
      %dma_start3A_126 = tpu.memref_slice %arg11[%add3A_124, %dma_start3A_125] : memref<256x64xf32, #tpu.memory_space<vmem>> -> memref<1x64xf32, #tpu.memory_space<vmem>>
      %dma_start3A_127 = tpu.memref_squeeze %dma_start3A_126 : memref<1x64xf32, #tpu.memory_space<vmem>> -> memref<64xf32, #tpu.memory_space<vmem>>
      %dma_start3A_128 = arith.constant 0 : i32
      %dma_start3A_129 = tpu.memref_slice %arg5[%squeeze3A_122, %dma_start3A_128] : memref<1000000x64xf32, #tpu.memory_space<hbm>> -> memref<1x64xf32, #tpu.memory_space<hbm>>
      %dma_start3A_130 = tpu.memref_squeeze %dma_start3A_129 : memref<1x64xf32, #tpu.memory_space<hbm>> -> memref<64xf32, #tpu.memory_space<hbm>>
      %dma_start3A_131 = arith.constant 0 : i32
      %dma_start3A_132 = tpu.memref_slice %arg11[%add3A_124, %dma_start3A_131] : memref<256x64xf32, #tpu.memory_space<vmem>> -> memref<1x64xf32, #tpu.memory_space<vmem>>
      %dma_start3A_133 = tpu.memref_squeeze %dma_start3A_132 : memref<1x64xf32, #tpu.memory_space<vmem>> -> memref<64xf32, #tpu.memory_space<vmem>>
      %dma_start3A_134 = arith.constant 0 : i32
      %dma_start3A_135 = tpu.memref_slice %arg5[%squeeze3A_122, %dma_start3A_134] : memref<1000000x64xf32, #tpu.memory_space<hbm>> -> memref<1x64xf32, #tpu.memory_space<hbm>>
      %dma_start3A_136 = tpu.memref_squeeze %dma_start3A_135 : memref<1x64xf32, #tpu.memory_space<hbm>> -> memref<64xf32, #tpu.memory_space<hbm>>
      tpu.enqueue_dma source(%dma_start3A_136 : memref<64xf32, #tpu.memory_space<hbm>>) target(%dma_start3A_133 : memref<64xf32, #tpu.memory_space<vmem>>) target_semaphore(%arg13 : memref<!tpu.dma_semaphore, #tpu.memory_space<semaphore_mem>>)
      %slice3A_137 = vector.extract_strided_slice %get3A_59 {offsets = [5], sizes = [1], strides = [1]} : vector<16xi32> to vector<1xi32>
      %squeeze3A_138 = vector.extract %slice3A_137[0] : i32 from vector<1xi32>
      %add3A_139 = arith.constant 5 : i32
      %add3A_140 = arith.addi %mul3A_55, %add3A_139 : i32
      %dma_start3A_141 = arith.constant 0 : i32
      %dma_start3A_142 = tpu.memref_slice %arg11[%add3A_140, %dma_start3A_141] : memref<256x64xf32, #tpu.memory_space<vmem>> -> memref<1x64xf32, #tpu.memory_space<vmem>>
      %dma_start3A_143 = tpu.memref_squeeze %dma_start3A_142 : memref<1x64xf32, #tpu.memory_space<vmem>> -> memref<64xf32, #tpu.memory_space<vmem>>
      %dma_start3A_144 = arith.constant 0 : i32
      %dma_start3A_145 = tpu.memref_slice %arg5[%squeeze3A_138, %dma_start3A_144] : memref<1000000x64xf32, #tpu.memory_space<hbm>> -> memref<1x64xf32, #tpu.memory_space<hbm>>
      %dma_start3A_146 = tpu.memref_squeeze %dma_start3A_145 : memref<1x64xf32, #tpu.memory_space<hbm>> -> memref<64xf32, #tpu.memory_space<hbm>>
      %dma_start3A_147 = arith.constant 0 : i32
      %dma_start3A_148 = tpu.memref_slice %arg11[%add3A_140, %dma_start3A_147] : memref<256x64xf32, #tpu.memory_space<vmem>> -> memref<1x64xf32, #tpu.memory_space<vmem>>
      %dma_start3A_149 = tpu.memref_squeeze %dma_start3A_148 : memref<1x64xf32, #tpu.memory_space<vmem>> -> memref<64xf32, #tpu.memory_space<vmem>>
      %dma_start3A_150 = arith.constant 0 : i32
      %dma_start3A_151 = tpu.memref_slice %arg5[%squeeze3A_138, %dma_start3A_150] : memref<1000000x64xf32, #tpu.memory_space<hbm>> -> memref<1x64xf32, #tpu.memory_space<hbm>>
      %dma_start3A_152 = tpu.memref_squeeze %dma_start3A_151 : memref<1x64xf32, #tpu.memory_space<hbm>> -> memref<64xf32, #tpu.memory_space<hbm>>
      tpu.enqueue_dma source(%dma_start3A_152 : memref<64xf32, #tpu.memory_space<hbm>>) target(%dma_start3A_149 : memref<64xf32, #tpu.memory_space<vmem>>) target_semaphore(%arg13 : memref<!tpu.dma_semaphore, #tpu.memory_space<semaphore_mem>>)
      %slice3A_153 = vector.extract_strided_slice %get3A_59 {offsets = [6], sizes = [1], strides = [1]} : vector<16xi32> to vector<1xi32>
      %squeeze3A_154 = vector.extract %slice3A_153[0] : i32 from vector<1xi32>
      %add3A_155 = arith.constant 6 : i32
      %add3A_156 = arith.addi %mul3A_55, %add3A_155 : i32
      %dma_start3A_157 = arith.constant 0 : i32
      %dma_start3A_158 = tpu.memref_slice %arg11[%add3A_156, %dma_start3A_157] : memref<256x64xf32, #tpu.memory_space<vmem>> -> memref<1x64xf32, #tpu.memory_space<vmem>>
      %dma_start3A_159 = tpu.memref_squeeze %dma_start3A_158 : memref<1x64xf32, #tpu.memory_space<vmem>> -> memref<64xf32, #tpu.memory_space<vmem>>
      %dma_start3A_160 = arith.constant 0 : i32
      %dma_start3A_161 = tpu.memref_slice %arg5[%squeeze3A_154, %dma_start3A_160] : memref<1000000x64xf32, #tpu.memory_space<hbm>> -> memref<1x64xf32, #tpu.memory_space<hbm>>
      %dma_start3A_162 = tpu.memref_squeeze %dma_start3A_161 : memref<1x64xf32, #tpu.memory_space<hbm>> -> memref<64xf32, #tpu.memory_space<hbm>>
      %dma_start3A_163 = arith.constant 0 : i32
      %dma_start3A_164 = tpu.memref_slice %arg11[%add3A_156, %dma_start3A_163] : memref<256x64xf32, #tpu.memory_space<vmem>> -> memref<1x64xf32, #tpu.memory_space<vmem>>
      %dma_start3A_165 = tpu.memref_squeeze %dma_start3A_164 : memref<1x64xf32, #tpu.memory_space<vmem>> -> memref<64xf32, #tpu.memory_space<vmem>>
      %dma_start3A_166 = arith.constant 0 : i32
      %dma_start3A_167 = tpu.memref_slice %arg5[%squeeze3A_154, %dma_start3A_166] : memref<1000000x64xf32, #tpu.memory_space<hbm>> -> memref<1x64xf32, #tpu.memory_space<hbm>>
      %dma_start3A_168 = tpu.memref_squeeze %dma_start3A_167 : memref<1x64xf32, #tpu.memory_space<hbm>> -> memref<64xf32, #tpu.memory_space<hbm>>
      tpu.enqueue_dma source(%dma_start3A_168 : memref<64xf32, #tpu.memory_space<hbm>>) target(%dma_start3A_165 : memref<64xf32, #tpu.memory_space<vmem>>) target_semaphore(%arg13 : memref<!tpu.dma_semaphore, #tpu.memory_space<semaphore_mem>>)
      %slice3A_169 = vector.extract_strided_slice %get3A_59 {offsets = [7], sizes = [1], strides = [1]} : vector<16xi32> to vector<1xi32>
      %squeeze3A_170 = vector.extract %slice3A_169[0] : i32 from vector<1xi32>
      %add3A_171 = arith.constant 7 : i32
      %add3A_172 = arith.addi %mul3A_55, %add3A_171 : i32
      %dma_start3A_173 = arith.constant 0 : i32
      %dma_start3A_174 = tpu.memref_slice %arg11[%add3A_172, %dma_start3A_173] : memref<256x64xf32, #tpu.memory_space<vmem>> -> memref<1x64xf32, #tpu.memory_space<vmem>>
      %dma_start3A_175 = tpu.memref_squeeze %dma_start3A_174 : memref<1x64xf32, #tpu.memory_space<vmem>> -> memref<64xf32, #tpu.memory_space<vmem>>
      %dma_start3A_176 = arith.constant 0 : i32
      %dma_start3A_177 = tpu.memref_slice %arg5[%squeeze3A_170, %dma_start3A_176] : memref<1000000x64xf32, #tpu.memory_space<hbm>> -> memref<1x64xf32, #tpu.memory_space<hbm>>
      %dma_start3A_178 = tpu.memref_squeeze %dma_start3A_177 : memref<1x64xf32, #tpu.memory_space<hbm>> -> memref<64xf32, #tpu.memory_space<hbm>>
      %dma_start3A_179 = arith.constant 0 : i32
      %dma_start3A_180 = tpu.memref_slice %arg11[%add3A_172, %dma_start3A_179] : memref<256x64xf32, #tpu.memory_space<vmem>> -> memref<1x64xf32, #tpu.memory_space<vmem>>
      %dma_start3A_181 = tpu.memref_squeeze %dma_start3A_180 : memref<1x64xf32, #tpu.memory_space<vmem>> -> memref<64xf32, #tpu.memory_space<vmem>>
      %dma_start3A_182 = arith.constant 0 : i32
      %dma_start3A_183 = tpu.memref_slice %arg5[%squeeze3A_170, %dma_start3A_182] : memref<1000000x64xf32, #tpu.memory_space<hbm>> -> memref<1x64xf32, #tpu.memory_space<hbm>>
      %dma_start3A_184 = tpu.memref_squeeze %dma_start3A_183 : memref<1x64xf32, #tpu.memory_space<hbm>> -> memref<64xf32, #tpu.memory_space<hbm>>
      tpu.enqueue_dma source(%dma_start3A_184 : memref<64xf32, #tpu.memory_space<hbm>>) target(%dma_start3A_181 : memref<64xf32, #tpu.memory_space<vmem>>) target_semaphore(%arg13 : memref<!tpu.dma_semaphore, #tpu.memory_space<semaphore_mem>>)
      %slice3A_185 = vector.extract_strided_slice %get3A_59 {offsets = [8], sizes = [1], strides = [1]} : vector<16xi32> to vector<1xi32>
      %squeeze3A_186 = vector.extract %slice3A_185[0] : i32 from vector<1xi32>
      %add3A_187 = arith.constant 8 : i32
      %add3A_188 = arith.addi %mul3A_55, %add3A_187 : i32
      %dma_start3A_189 = arith.constant 0 : i32
      %dma_start3A_190 = tpu.memref_slice %arg11[%add3A_188, %dma_start3A_189] : memref<256x64xf32, #tpu.memory_space<vmem>> -> memref<1x64xf32, #tpu.memory_space<vmem>>
      %dma_start3A_191 = tpu.memref_squeeze %dma_start3A_190 : memref<1x64xf32, #tpu.memory_space<vmem>> -> memref<64xf32, #tpu.memory_space<vmem>>
      %dma_start3A_192 = arith.constant 0 : i32
      %dma_start3A_193 = tpu.memref_slice %arg5[%squeeze3A_186, %dma_start3A_192] : memref<1000000x64xf32, #tpu.memory_space<hbm>> -> memref<1x64xf32, #tpu.memory_space<hbm>>
      %dma_start3A_194 = tpu.memref_squeeze %dma_start3A_193 : memref<1x64xf32, #tpu.memory_space<hbm>> -> memref<64xf32, #tpu.memory_space<hbm>>
      %dma_start3A_195 = arith.constant 0 : i32
      %dma_start3A_196 = tpu.memref_slice %arg11[%add3A_188, %dma_start3A_195] : memref<256x64xf32, #tpu.memory_space<vmem>> -> memref<1x64xf32, #tpu.memory_space<vmem>>
      %dma_start3A_197 = tpu.memref_squeeze %dma_start3A_196 : memref<1x64xf32, #tpu.memory_space<vmem>> -> memref<64xf32, #tpu.memory_space<vmem>>
      %dma_start3A_198 = arith.constant 0 : i32
      %dma_start3A_199 = tpu.memref_slice %arg5[%squeeze3A_186, %dma_start3A_198] : memref<1000000x64xf32, #tpu.memory_space<hbm>> -> memref<1x64xf32, #tpu.memory_space<hbm>>
      %dma_start3A_200 = tpu.memref_squeeze %dma_start3A_199 : memref<1x64xf32, #tpu.memory_space<hbm>> -> memref<64xf32, #tpu.memory_space<hbm>>
      tpu.enqueue_dma source(%dma_start3A_200 : memref<64xf32, #tpu.memory_space<hbm>>) target(%dma_start3A_197 : memref<64xf32, #tpu.memory_space<vmem>>) target_semaphore(%arg13 : memref<!tpu.dma_semaphore, #tpu.memory_space<semaphore_mem>>)
      %slice3A_201 = vector.extract_strided_slice %get3A_59 {offsets = [9], sizes = [1], strides = [1]} : vector<16xi32> to vector<1xi32>
      %squeeze3A_202 = vector.extract %slice3A_201[0] : i32 from vector<1xi32>
      %add3A_203 = arith.constant 9 : i32
      %add3A_204 = arith.addi %mul3A_55, %add3A_203 : i32
      %dma_start3A_205 = arith.constant 0 : i32
      %dma_start3A_206 = tpu.memref_slice %arg11[%add3A_204, %dma_start3A_205] : memref<256x64xf32, #tpu.memory_space<vmem>> -> memref<1x64xf32, #tpu.memory_space<vmem>>
      %dma_start3A_207 = tpu.memref_squeeze %dma_start3A_206 : memref<1x64xf32, #tpu.memory_space<vmem>> -> memref<64xf32, #tpu.memory_space<vmem>>
      %dma_start3A_208 = arith.constant 0 : i32
      %dma_start3A_209 = tpu.memref_slice %arg5[%squeeze3A_202, %dma_start3A_208] : memref<1000000x64xf32, #tpu.memory_space<hbm>> -> memref<1x64xf32, #tpu.memory_space<hbm>>
      %dma_start3A_210 = tpu.memref_squeeze %dma_start3A_209 : memref<1x64xf32, #tpu.memory_space<hbm>> -> memref<64xf32, #tpu.memory_space<hbm>>
      %dma_start3A_211 = arith.constant 0 : i32
      %dma_start3A_212 = tpu.memref_slice %arg11[%add3A_204, %dma_start3A_211] : memref<256x64xf32, #tpu.memory_space<vmem>> -> memref<1x64xf32, #tpu.memory_space<vmem>>
      %dma_start3A_213 = tpu.memref_squeeze %dma_start3A_212 : memref<1x64xf32, #tpu.memory_space<vmem>> -> memref<64xf32, #tpu.memory_space<vmem>>
      %dma_start3A_214 = arith.constant 0 : i32
      %dma_start3A_215 = tpu.memref_slice %arg5[%squeeze3A_202, %dma_start3A_214] : memref<1000000x64xf32, #tpu.memory_space<hbm>> -> memref<1x64xf32, #tpu.memory_space<hbm>>
      %dma_start3A_216 = tpu.memref_squeeze %dma_start3A_215 : memref<1x64xf32, #tpu.memory_space<hbm>> -> memref<64xf32, #tpu.memory_space<hbm>>
      tpu.enqueue_dma source(%dma_start3A_216 : memref<64xf32, #tpu.memory_space<hbm>>) target(%dma_start3A_213 : memref<64xf32, #tpu.memory_space<vmem>>) target_semaphore(%arg13 : memref<!tpu.dma_semaphore, #tpu.memory_space<semaphore_mem>>)
      %slice3A_217 = vector.extract_strided_slice %get3A_59 {offsets = [10], sizes = [1], strides = [1]} : vector<16xi32> to vector<1xi32>
      %squeeze3A_218 = vector.extract %slice3A_217[0] : i32 from vector<1xi32>
      %add3A_219 = arith.constant 10 : i32
      %add3A_220 = arith.addi %mul3A_55, %add3A_219 : i32
      %dma_start3A_221 = arith.constant 0 : i32
      %dma_start3A_222 = tpu.memref_slice %arg11[%add3A_220, %dma_start3A_221] : memref<256x64xf32, #tpu.memory_space<vmem>> -> memref<1x64xf32, #tpu.memory_space<vmem>>
      %dma_start3A_223 = tpu.memref_squeeze %dma_start3A_222 : memref<1x64xf32, #tpu.memory_space<vmem>> -> memref<64xf32, #tpu.memory_space<vmem>>
      %dma_start3A_224 = arith.constant 0 : i32
      %dma_start3A_225 = tpu.memref_slice %arg5[%squeeze3A_218, %dma_start3A_224] : memref<1000000x64xf32, #tpu.memory_space<hbm>> -> memref<1x64xf32, #tpu.memory_space<hbm>>
      %dma_start3A_226 = tpu.memref_squeeze %dma_start3A_225 : memref<1x64xf32, #tpu.memory_space<hbm>> -> memref<64xf32, #tpu.memory_space<hbm>>
      %dma_start3A_227 = arith.constant 0 : i32
      %dma_start3A_228 = tpu.memref_slice %arg11[%add3A_220, %dma_start3A_227] : memref<256x64xf32, #tpu.memory_space<vmem>> -> memref<1x64xf32, #tpu.memory_space<vmem>>
      %dma_start3A_229 = tpu.memref_squeeze %dma_start3A_228 : memref<1x64xf32, #tpu.memory_space<vmem>> -> memref<64xf32, #tpu.memory_space<vmem>>
      %dma_start3A_230 = arith.constant 0 : i32
      %dma_start3A_231 = tpu.memref_slice %arg5[%squeeze3A_218, %dma_start3A_230] : memref<1000000x64xf32, #tpu.memory_space<hbm>> -> memref<1x64xf32, #tpu.memory_space<hbm>>
      %dma_start3A_232 = tpu.memref_squeeze %dma_start3A_231 : memref<1x64xf32, #tpu.memory_space<hbm>> -> memref<64xf32, #tpu.memory_space<hbm>>
      tpu.enqueue_dma source(%dma_start3A_232 : memref<64xf32, #tpu.memory_space<hbm>>) target(%dma_start3A_229 : memref<64xf32, #tpu.memory_space<vmem>>) target_semaphore(%arg13 : memref<!tpu.dma_semaphore, #tpu.memory_space<semaphore_mem>>)
      %slice3A_233 = vector.extract_strided_slice %get3A_59 {offsets = [11], sizes = [1], strides = [1]} : vector<16xi32> to vector<1xi32>
      %squeeze3A_234 = vector.extract %slice3A_233[0] : i32 from vector<1xi32>
      %add3A_235 = arith.constant 11 : i32
      %add3A_236 = arith.addi %mul3A_55, %add3A_235 : i32
      %dma_start3A_237 = arith.constant 0 : i32
      %dma_start3A_238 = tpu.memref_slice %arg11[%add3A_236, %dma_start3A_237] : memref<256x64xf32, #tpu.memory_space<vmem>> -> memref<1x64xf32, #tpu.memory_space<vmem>>
      %dma_start3A_239 = tpu.memref_squeeze %dma_start3A_238 : memref<1x64xf32, #tpu.memory_space<vmem>> -> memref<64xf32, #tpu.memory_space<vmem>>
      %dma_start3A_240 = arith.constant 0 : i32
      %dma_start3A_241 = tpu.memref_slice %arg5[%squeeze3A_234, %dma_start3A_240] : memref<1000000x64xf32, #tpu.memory_space<hbm>> -> memref<1x64xf32, #tpu.memory_space<hbm>>
      %dma_start3A_242 = tpu.memref_squeeze %dma_start3A_241 : memref<1x64xf32, #tpu.memory_space<hbm>> -> memref<64xf32, #tpu.memory_space<hbm>>
      %dma_start3A_243 = arith.constant 0 : i32
      %dma_start3A_244 = tpu.memref_slice %arg11[%add3A_236, %dma_start3A_243] : memref<256x64xf32, #tpu.memory_space<vmem>> -> memref<1x64xf32, #tpu.memory_space<vmem>>
      %dma_start3A_245 = tpu.memref_squeeze %dma_start3A_244 : memref<1x64xf32, #tpu.memory_space<vmem>> -> memref<64xf32, #tpu.memory_space<vmem>>
      %dma_start3A_246 = arith.constant 0 : i32
      %dma_start3A_247 = tpu.memref_slice %arg5[%squeeze3A_234, %dma_start3A_246] : memref<1000000x64xf32, #tpu.memory_space<hbm>> -> memref<1x64xf32, #tpu.memory_space<hbm>>
      %dma_start3A_248 = tpu.memref_squeeze %dma_start3A_247 : memref<1x64xf32, #tpu.memory_space<hbm>> -> memref<64xf32, #tpu.memory_space<hbm>>
      tpu.enqueue_dma source(%dma_start3A_248 : memref<64xf32, #tpu.memory_space<hbm>>) target(%dma_start3A_245 : memref<64xf32, #tpu.memory_space<vmem>>) target_semaphore(%arg13 : memref<!tpu.dma_semaphore, #tpu.memory_space<semaphore_mem>>)
      %slice3A_249 = vector.extract_strided_slice %get3A_59 {offsets = [12], sizes = [1], strides = [1]} : vector<16xi32> to vector<1xi32>
      %squeeze3A_250 = vector.extract %slice3A_249[0] : i32 from vector<1xi32>
      %add3A_251 = arith.constant 12 : i32
      %add3A_252 = arith.addi %mul3A_55, %add3A_251 : i32
      %dma_start3A_253 = arith.constant 0 : i32
      %dma_start3A_254 = tpu.memref_slice %arg11[%add3A_252, %dma_start3A_253] : memref<256x64xf32, #tpu.memory_space<vmem>> -> memref<1x64xf32, #tpu.memory_space<vmem>>
      %dma_start3A_255 = tpu.memref_squeeze %dma_start3A_254 : memref<1x64xf32, #tpu.memory_space<vmem>> -> memref<64xf32, #tpu.memory_space<vmem>>
      %dma_start3A_256 = arith.constant 0 : i32
      %dma_start3A_257 = tpu.memref_slice %arg5[%squeeze3A_250, %dma_start3A_256] : memref<1000000x64xf32, #tpu.memory_space<hbm>> -> memref<1x64xf32, #tpu.memory_space<hbm>>
      %dma_start3A_258 = tpu.memref_squeeze %dma_start3A_257 : memref<1x64xf32, #tpu.memory_space<hbm>> -> memref<64xf32, #tpu.memory_space<hbm>>
      %dma_start3A_259 = arith.constant 0 : i32
      %dma_start3A_260 = tpu.memref_slice %arg11[%add3A_252, %dma_start3A_259] : memref<256x64xf32, #tpu.memory_space<vmem>> -> memref<1x64xf32, #tpu.memory_space<vmem>>
      %dma_start3A_261 = tpu.memref_squeeze %dma_start3A_260 : memref<1x64xf32, #tpu.memory_space<vmem>> -> memref<64xf32, #tpu.memory_space<vmem>>
      %dma_start3A_262 = arith.constant 0 : i32
      %dma_start3A_263 = tpu.memref_slice %arg5[%squeeze3A_250, %dma_start3A_262] : memref<1000000x64xf32, #tpu.memory_space<hbm>> -> memref<1x64xf32, #tpu.memory_space<hbm>>
      %dma_start3A_264 = tpu.memref_squeeze %dma_start3A_263 : memref<1x64xf32, #tpu.memory_space<hbm>> -> memref<64xf32, #tpu.memory_space<hbm>>
      tpu.enqueue_dma source(%dma_start3A_264 : memref<64xf32, #tpu.memory_space<hbm>>) target(%dma_start3A_261 : memref<64xf32, #tpu.memory_space<vmem>>) target_semaphore(%arg13 : memref<!tpu.dma_semaphore, #tpu.memory_space<semaphore_mem>>)
      %slice3A_265 = vector.extract_strided_slice %get3A_59 {offsets = [13], sizes = [1], strides = [1]} : vector<16xi32> to vector<1xi32>
      %squeeze3A_266 = vector.extract %slice3A_265[0] : i32 from vector<1xi32>
      %add3A_267 = arith.constant 13 : i32
      %add3A_268 = arith.addi %mul3A_55, %add3A_267 : i32
      %dma_start3A_269 = arith.constant 0 : i32
      %dma_start3A_270 = tpu.memref_slice %arg11[%add3A_268, %dma_start3A_269] : memref<256x64xf32, #tpu.memory_space<vmem>> -> memref<1x64xf32, #tpu.memory_space<vmem>>
      %dma_start3A_271 = tpu.memref_squeeze %dma_start3A_270 : memref<1x64xf32, #tpu.memory_space<vmem>> -> memref<64xf32, #tpu.memory_space<vmem>>
      %dma_start3A_272 = arith.constant 0 : i32
      %dma_start3A_273 = tpu.memref_slice %arg5[%squeeze3A_266, %dma_start3A_272] : memref<1000000x64xf32, #tpu.memory_space<hbm>> -> memref<1x64xf32, #tpu.memory_space<hbm>>
      %dma_start3A_274 = tpu.memref_squeeze %dma_start3A_273 : memref<1x64xf32, #tpu.memory_space<hbm>> -> memref<64xf32, #tpu.memory_space<hbm>>
      %dma_start3A_275 = arith.constant 0 : i32
      %dma_start3A_276 = tpu.memref_slice %arg11[%add3A_268, %dma_start3A_275] : memref<256x64xf32, #tpu.memory_space<vmem>> -> memref<1x64xf32, #tpu.memory_space<vmem>>
      %dma_start3A_277 = tpu.memref_squeeze %dma_start3A_276 : memref<1x64xf32, #tpu.memory_space<vmem>> -> memref<64xf32, #tpu.memory_space<vmem>>
      %dma_start3A_278 = arith.constant 0 : i32
      %dma_start3A_279 = tpu.memref_slice %arg5[%squeeze3A_266, %dma_start3A_278] : memref<1000000x64xf32, #tpu.memory_space<hbm>> -> memref<1x64xf32, #tpu.memory_space<hbm>>
      %dma_start3A_280 = tpu.memref_squeeze %dma_start3A_279 : memref<1x64xf32, #tpu.memory_space<hbm>> -> memref<64xf32, #tpu.memory_space<hbm>>
      tpu.enqueue_dma source(%dma_start3A_280 : memref<64xf32, #tpu.memory_space<hbm>>) target(%dma_start3A_277 : memref<64xf32, #tpu.memory_space<vmem>>) target_semaphore(%arg13 : memref<!tpu.dma_semaphore, #tpu.memory_space<semaphore_mem>>)
      %slice3A_281 = vector.extract_strided_slice %get3A_59 {offsets = [14], sizes = [1], strides = [1]} : vector<16xi32> to vector<1xi32>
      %squeeze3A_282 = vector.extract %slice3A_281[0] : i32 from vector<1xi32>
      %add3A_283 = arith.constant 14 : i32
      %add3A_284 = arith.addi %mul3A_55, %add3A_283 : i32
      %dma_start3A_285 = arith.constant 0 : i32
      %dma_start3A_286 = tpu.memref_slice %arg11[%add3A_284, %dma_start3A_285] : memref<256x64xf32, #tpu.memory_space<vmem>> -> memref<1x64xf32, #tpu.memory_space<vmem>>
      %dma_start3A_287 = tpu.memref_squeeze %dma_start3A_286 : memref<1x64xf32, #tpu.memory_space<vmem>> -> memref<64xf32, #tpu.memory_space<vmem>>
      %dma_start3A_288 = arith.constant 0 : i32
      %dma_start3A_289 = tpu.memref_slice %arg5[%squeeze3A_282, %dma_start3A_288] : memref<1000000x64xf32, #tpu.memory_space<hbm>> -> memref<1x64xf32, #tpu.memory_space<hbm>>
      %dma_start3A_290 = tpu.memref_squeeze %dma_start3A_289 : memref<1x64xf32, #tpu.memory_space<hbm>> -> memref<64xf32, #tpu.memory_space<hbm>>
      %dma_start3A_291 = arith.constant 0 : i32
      %dma_start3A_292 = tpu.memref_slice %arg11[%add3A_284, %dma_start3A_291] : memref<256x64xf32, #tpu.memory_space<vmem>> -> memref<1x64xf32, #tpu.memory_space<vmem>>
      %dma_start3A_293 = tpu.memref_squeeze %dma_start3A_292 : memref<1x64xf32, #tpu.memory_space<vmem>> -> memref<64xf32, #tpu.memory_space<vmem>>
      %dma_start3A_294 = arith.constant 0 : i32
      %dma_start3A_295 = tpu.memref_slice %arg5[%squeeze3A_282, %dma_start3A_294] : memref<1000000x64xf32, #tpu.memory_space<hbm>> -> memref<1x64xf32, #tpu.memory_space<hbm>>
      %dma_start3A_296 = tpu.memref_squeeze %dma_start3A_295 : memref<1x64xf32, #tpu.memory_space<hbm>> -> memref<64xf32, #tpu.memory_space<hbm>>
      tpu.enqueue_dma source(%dma_start3A_296 : memref<64xf32, #tpu.memory_space<hbm>>) target(%dma_start3A_293 : memref<64xf32, #tpu.memory_space<vmem>>) target_semaphore(%arg13 : memref<!tpu.dma_semaphore, #tpu.memory_space<semaphore_mem>>)
      %slice3A_297 = vector.extract_strided_slice %get3A_59 {offsets = [15], sizes = [1], strides = [1]} : vector<16xi32> to vector<1xi32>
      %squeeze3A_298 = vector.extract %slice3A_297[0] : i32 from vector<1xi32>
      %add3A_299 = arith.constant 15 : i32
      %add3A_300 = arith.addi %mul3A_55, %add3A_299 : i32
      %dma_start3A_301 = arith.constant 0 : i32
      %dma_start3A_302 = tpu.memref_slice %arg11[%add3A_300, %dma_start3A_301] : memref<256x64xf32, #tpu.memory_space<vmem>> -> memref<1x64xf32, #tpu.memory_space<vmem>>
      %dma_start3A_303 = tpu.memref_squeeze %dma_start3A_302 : memref<1x64xf32, #tpu.memory_space<vmem>> -> memref<64xf32, #tpu.memory_space<vmem>>
      %dma_start3A_304 = arith.constant 0 : i32
      %dma_start3A_305 = tpu.memref_slice %arg5[%squeeze3A_298, %dma_start3A_304] : memref<1000000x64xf32, #tpu.memory_space<hbm>> -> memref<1x64xf32, #tpu.memory_space<hbm>>
      %dma_start3A_306 = tpu.memref_squeeze %dma_start3A_305 : memref<1x64xf32, #tpu.memory_space<hbm>> -> memref<64xf32, #tpu.memory_space<hbm>>
      %dma_start3A_307 = arith.constant 0 : i32
      %dma_start3A_308 = tpu.memref_slice %arg11[%add3A_300, %dma_start3A_307] : memref<256x64xf32, #tpu.memory_space<vmem>> -> memref<1x64xf32, #tpu.memory_space<vmem>>
      %dma_start3A_309 = tpu.memref_squeeze %dma_start3A_308 : memref<1x64xf32, #tpu.memory_space<vmem>> -> memref<64xf32, #tpu.memory_space<vmem>>
      %dma_start3A_310 = arith.constant 0 : i32
      %dma_start3A_311 = tpu.memref_slice %arg5[%squeeze3A_298, %dma_start3A_310] : memref<1000000x64xf32, #tpu.memory_space<hbm>> -> memref<1x64xf32, #tpu.memory_space<hbm>>
      %dma_start3A_312 = tpu.memref_squeeze %dma_start3A_311 : memref<1x64xf32, #tpu.memory_space<hbm>> -> memref<64xf32, #tpu.memory_space<hbm>>
      tpu.enqueue_dma source(%dma_start3A_312 : memref<64xf32, #tpu.memory_space<hbm>>) target(%dma_start3A_309 : memref<64xf32, #tpu.memory_space<vmem>>) target_semaphore(%arg13 : memref<!tpu.dma_semaphore, #tpu.memory_space<semaphore_mem>>)
    }
    %scan3A_11 = arith.constant 16 : i32
    %dma_wait3A = arith.constant 0 : i32
    %dma_wait3A_12 = arith.constant 0 : i32
    %dma_wait3A_13 = tpu.memref_slice %arg4[%dma_wait3A, %dma_wait3A_12] : memref<1000000x64xf32, #tpu.memory_space<hbm>> -> memref<256x64xf32, #tpu.memory_space<hbm>>
    %dma_wait3A_14 = arith.constant 0 : i32
    %dma_wait3A_15 = arith.constant 0 : i32
    %dma_wait3A_16 = tpu.memref_slice %arg4[%dma_wait3A_14, %dma_wait3A_15] : memref<1000000x64xf32, #tpu.memory_space<hbm>> -> memref<256x64xf32, #tpu.memory_space<hbm>>
    tpu.wait_dma2 semaphore(%arg12 : memref<!tpu.dma_semaphore, #tpu.memory_space<semaphore_mem>>) src(%dma_wait3A_16 : memref<256x64xf32, #tpu.memory_space<hbm>>) dst(%arg10 : memref<256x64xf32, #tpu.memory_space<vmem>>)
    %add3A_17 = arith.constant 0 : i32
    %add3A_18 = arith.addi %mul3A_2, %add3A_17 : i32
    "tpu.region"() ({
      %run_scoped3A = tpu.sem_alloc : memref<!tpu.dma_semaphore, #tpu.memory_space<semaphore_mem>>
      %dma_start3A = arith.constant 0 : i32
      %dma_start3A_53 = tpu.memref_slice %arg6[%add3A_18, %dma_start3A] : memref<16384x64xf32, #tpu.memory_space<hbm>> -> memref<256x64xf32, #tpu.memory_space<hbm>>
      %dma_start3A_54 = arith.constant 0 : i32
      %dma_start3A_55 = tpu.memref_slice %arg6[%add3A_18, %dma_start3A_54] : memref<16384x64xf32, #tpu.memory_space<hbm>> -> memref<256x64xf32, #tpu.memory_space<hbm>>
      tpu.enqueue_dma source(%arg10 : memref<256x64xf32, #tpu.memory_space<vmem>>) target(%dma_start3A_55 : memref<256x64xf32, #tpu.memory_space<hbm>>) target_semaphore(%run_scoped3A : memref<!tpu.dma_semaphore, #tpu.memory_space<semaphore_mem>>)
      %dma_wait3A_56 = arith.constant 0 : i32
      %dma_wait3A_57 = tpu.memref_slice %arg6[%add3A_18, %dma_wait3A_56] : memref<16384x64xf32, #tpu.memory_space<hbm>> -> memref<256x64xf32, #tpu.memory_space<hbm>>
      %dma_wait3A_58 = arith.constant 0 : i32
      %dma_wait3A_59 = tpu.memref_slice %arg6[%add3A_18, %dma_wait3A_58] : memref<16384x64xf32, #tpu.memory_space<hbm>> -> memref<256x64xf32, #tpu.memory_space<hbm>>
      tpu.wait_dma2 semaphore(%run_scoped3A : memref<!tpu.dma_semaphore, #tpu.memory_space<semaphore_mem>>) src(%arg10 : memref<256x64xf32, #tpu.memory_space<vmem>>) dst(%dma_wait3A_59 : memref<256x64xf32, #tpu.memory_space<hbm>>)
      tpu.yield
    }) : () -> ()
    %scan3A_19 = arith.constant 0 : i32
    %scan3A_20 = arith.constant 16 : i32
    %scan3A_21 = arith.addi %scan3A_19, %scan3A_20 : i32
    %scan3A_22 = arith.constant 1 : i32
    scf.for %scan3A_53 = %scan3A_19 to %scan3A_21 step %scan3A_22  : i32 {
      %mul3A_54 = arith.constant 16 : i32
      %mul3A_55 = arith.muli %scan3A_53, %mul3A_54 : i32
      %add3A_56 = arith.constant 256 : i32
      %add3A_57 = arith.addi %add3A_56, %mul3A_55 : i32
      %get3A = arith.index_cast %add3A_57 : i32 to index
      %get3A_58 = tpu.vector_load %arg8[%get3A] {strides = array<i32>} : memref<512xi32, #tpu.memory_space<vmem>>, vector<16xi32>,
      %get3A_59 = vector.shape_cast %get3A_58 : vector<16xi32> to vector<16xi32>
      %slice3A = vector.extract_strided_slice %get3A_59 {offsets = [0], sizes = [1], strides = [1]} : vector<16xi32> to vector<1xi32>
      %squeeze3A = vector.extract %slice3A[0] : i32 from vector<1xi32>
      %add3A_60 = arith.constant 0 : i32
      %add3A_61 = arith.addi %mul3A_55, %add3A_60 : i32
      %dma_start3A = arith.constant 0 : i32
      %dma_start3A_62 = tpu.memref_slice %arg10[%add3A_61, %dma_start3A] : memref<256x64xf32, #tpu.memory_space<vmem>> -> memref<1x64xf32, #tpu.memory_space<vmem>>
      %dma_start3A_63 = tpu.memref_squeeze %dma_start3A_62 : memref<1x64xf32, #tpu.memory_space<vmem>> -> memref<64xf32, #tpu.memory_space<vmem>>
      %dma_start3A_64 = arith.constant 0 : i32
      %dma_start3A_65 = tpu.memref_slice %arg4[%squeeze3A, %dma_start3A_64] : memref<1000000x64xf32, #tpu.memory_space<hbm>> -> memref<1x64xf32, #tpu.memory_space<hbm>>
      %dma_start3A_66 = tpu.memref_squeeze %dma_start3A_65 : memref<1x64xf32, #tpu.memory_space<hbm>> -> memref<64xf32, #tpu.memory_space<hbm>>
      %dma_start3A_67 = arith.constant 0 : i32
      %dma_start3A_68 = tpu.memref_slice %arg10[%add3A_61, %dma_start3A_67] : memref<256x64xf32, #tpu.memory_space<vmem>> -> memref<1x64xf32, #tpu.memory_space<vmem>>
      %dma_start3A_69 = tpu.memref_squeeze %dma_start3A_68 : memref<1x64xf32, #tpu.memory_space<vmem>> -> memref<64xf32, #tpu.memory_space<vmem>>
      %dma_start3A_70 = arith.constant 0 : i32
      %dma_start3A_71 = tpu.memref_slice %arg4[%squeeze3A, %dma_start3A_70] : memref<1000000x64xf32, #tpu.memory_space<hbm>> -> memref<1x64xf32, #tpu.memory_space<hbm>>
      %dma_start3A_72 = tpu.memref_squeeze %dma_start3A_71 : memref<1x64xf32, #tpu.memory_space<hbm>> -> memref<64xf32, #tpu.memory_space<hbm>>
      tpu.enqueue_dma source(%dma_start3A_72 : memref<64xf32, #tpu.memory_space<hbm>>) target(%dma_start3A_69 : memref<64xf32, #tpu.memory_space<vmem>>) target_semaphore(%arg12 : memref<!tpu.dma_semaphore, #tpu.memory_space<semaphore_mem>>)
      %slice3A_73 = vector.extract_strided_slice %get3A_59 {offsets = [1], sizes = [1], strides = [1]} : vector<16xi32> to vector<1xi32>
      %squeeze3A_74 = vector.extract %slice3A_73[0] : i32 from vector<1xi32>
      %add3A_75 = arith.constant 1 : i32
      %add3A_76 = arith.addi %mul3A_55, %add3A_75 : i32
      %dma_start3A_77 = arith.constant 0 : i32
      %dma_start3A_78 = tpu.memref_slice %arg10[%add3A_76, %dma_start3A_77] : memref<256x64xf32, #tpu.memory_space<vmem>> -> memref<1x64xf32, #tpu.memory_space<vmem>>
      %dma_start3A_79 = tpu.memref_squeeze %dma_start3A_78 : memref<1x64xf32, #tpu.memory_space<vmem>> -> memref<64xf32, #tpu.memory_space<vmem>>
      %dma_start3A_80 = arith.constant 0 : i32
      %dma_start3A_81 = tpu.memref_slice %arg4[%squeeze3A_74, %dma_start3A_80] : memref<1000000x64xf32, #tpu.memory_space<hbm>> -> memref<1x64xf32, #tpu.memory_space<hbm>>
      %dma_start3A_82 = tpu.memref_squeeze %dma_start3A_81 : memref<1x64xf32, #tpu.memory_space<hbm>> -> memref<64xf32, #tpu.memory_space<hbm>>
      %dma_start3A_83 = arith.constant 0 : i32
      %dma_start3A_84 = tpu.memref_slice %arg10[%add3A_76, %dma_start3A_83] : memref<256x64xf32, #tpu.memory_space<vmem>> -> memref<1x64xf32, #tpu.memory_space<vmem>>
      %dma_start3A_85 = tpu.memref_squeeze %dma_start3A_84 : memref<1x64xf32, #tpu.memory_space<vmem>> -> memref<64xf32, #tpu.memory_space<vmem>>
      %dma_start3A_86 = arith.constant 0 : i32
      %dma_start3A_87 = tpu.memref_slice %arg4[%squeeze3A_74, %dma_start3A_86] : memref<1000000x64xf32, #tpu.memory_space<hbm>> -> memref<1x64xf32, #tpu.memory_space<hbm>>
      %dma_start3A_88 = tpu.memref_squeeze %dma_start3A_87 : memref<1x64xf32, #tpu.memory_space<hbm>> -> memref<64xf32, #tpu.memory_space<hbm>>
      tpu.enqueue_dma source(%dma_start3A_88 : memref<64xf32, #tpu.memory_space<hbm>>) target(%dma_start3A_85 : memref<64xf32, #tpu.memory_space<vmem>>) target_semaphore(%arg12 : memref<!tpu.dma_semaphore, #tpu.memory_space<semaphore_mem>>)
      %slice3A_89 = vector.extract_strided_slice %get3A_59 {offsets = [2], sizes = [1], strides = [1]} : vector<16xi32> to vector<1xi32>
      %squeeze3A_90 = vector.extract %slice3A_89[0] : i32 from vector<1xi32>
      %add3A_91 = arith.constant 2 : i32
      %add3A_92 = arith.addi %mul3A_55, %add3A_91 : i32
      %dma_start3A_93 = arith.constant 0 : i32
      %dma_start3A_94 = tpu.memref_slice %arg10[%add3A_92, %dma_start3A_93] : memref<256x64xf32, #tpu.memory_space<vmem>> -> memref<1x64xf32, #tpu.memory_space<vmem>>
      %dma_start3A_95 = tpu.memref_squeeze %dma_start3A_94 : memref<1x64xf32, #tpu.memory_space<vmem>> -> memref<64xf32, #tpu.memory_space<vmem>>
      %dma_start3A_96 = arith.constant 0 : i32
      %dma_start3A_97 = tpu.memref_slice %arg4[%squeeze3A_90, %dma_start3A_96] : memref<1000000x64xf32, #tpu.memory_space<hbm>> -> memref<1x64xf32, #tpu.memory_space<hbm>>
      %dma_start3A_98 = tpu.memref_squeeze %dma_start3A_97 : memref<1x64xf32, #tpu.memory_space<hbm>> -> memref<64xf32, #tpu.memory_space<hbm>>
      %dma_start3A_99 = arith.constant 0 : i32
      %dma_start3A_100 = tpu.memref_slice %arg10[%add3A_92, %dma_start3A_99] : memref<256x64xf32, #tpu.memory_space<vmem>> -> memref<1x64xf32, #tpu.memory_space<vmem>>
      %dma_start3A_101 = tpu.memref_squeeze %dma_start3A_100 : memref<1x64xf32, #tpu.memory_space<vmem>> -> memref<64xf32, #tpu.memory_space<vmem>>
      %dma_start3A_102 = arith.constant 0 : i32
      %dma_start3A_103 = tpu.memref_slice %arg4[%squeeze3A_90, %dma_start3A_102] : memref<1000000x64xf32, #tpu.memory_space<hbm>> -> memref<1x64xf32, #tpu.memory_space<hbm>>
      %dma_start3A_104 = tpu.memref_squeeze %dma_start3A_103 : memref<1x64xf32, #tpu.memory_space<hbm>> -> memref<64xf32, #tpu.memory_space<hbm>>
      tpu.enqueue_dma source(%dma_start3A_104 : memref<64xf32, #tpu.memory_space<hbm>>) target(%dma_start3A_101 : memref<64xf32, #tpu.memory_space<vmem>>) target_semaphore(%arg12 : memref<!tpu.dma_semaphore, #tpu.memory_space<semaphore_mem>>)
      %slice3A_105 = vector.extract_strided_slice %get3A_59 {offsets = [3], sizes = [1], strides = [1]} : vector<16xi32> to vector<1xi32>
      %squeeze3A_106 = vector.extract %slice3A_105[0] : i32 from vector<1xi32>
      %add3A_107 = arith.constant 3 : i32
      %add3A_108 = arith.addi %mul3A_55, %add3A_107 : i32
      %dma_start3A_109 = arith.constant 0 : i32
      %dma_start3A_110 = tpu.memref_slice %arg10[%add3A_108, %dma_start3A_109] : memref<256x64xf32, #tpu.memory_space<vmem>> -> memref<1x64xf32, #tpu.memory_space<vmem>>
      %dma_start3A_111 = tpu.memref_squeeze %dma_start3A_110 : memref<1x64xf32, #tpu.memory_space<vmem>> -> memref<64xf32, #tpu.memory_space<vmem>>
      %dma_start3A_112 = arith.constant 0 : i32
      %dma_start3A_113 = tpu.memref_slice %arg4[%squeeze3A_106, %dma_start3A_112] : memref<1000000x64xf32, #tpu.memory_space<hbm>> -> memref<1x64xf32, #tpu.memory_space<hbm>>
      %dma_start3A_114 = tpu.memref_squeeze %dma_start3A_113 : memref<1x64xf32, #tpu.memory_space<hbm>> -> memref<64xf32, #tpu.memory_space<hbm>>
      %dma_start3A_115 = arith.constant 0 : i32
      %dma_start3A_116 = tpu.memref_slice %arg10[%add3A_108, %dma_start3A_115] : memref<256x64xf32, #tpu.memory_space<vmem>> -> memref<1x64xf32, #tpu.memory_space<vmem>>
      %dma_start3A_117 = tpu.memref_squeeze %dma_start3A_116 : memref<1x64xf32, #tpu.memory_space<vmem>> -> memref<64xf32, #tpu.memory_space<vmem>>
      %dma_start3A_118 = arith.constant 0 : i32
      %dma_start3A_119 = tpu.memref_slice %arg4[%squeeze3A_106, %dma_start3A_118] : memref<1000000x64xf32, #tpu.memory_space<hbm>> -> memref<1x64xf32, #tpu.memory_space<hbm>>
      %dma_start3A_120 = tpu.memref_squeeze %dma_start3A_119 : memref<1x64xf32, #tpu.memory_space<hbm>> -> memref<64xf32, #tpu.memory_space<hbm>>
      tpu.enqueue_dma source(%dma_start3A_120 : memref<64xf32, #tpu.memory_space<hbm>>) target(%dma_start3A_117 : memref<64xf32, #tpu.memory_space<vmem>>) target_semaphore(%arg12 : memref<!tpu.dma_semaphore, #tpu.memory_space<semaphore_mem>>)
      %slice3A_121 = vector.extract_strided_slice %get3A_59 {offsets = [4], sizes = [1], strides = [1]} : vector<16xi32> to vector<1xi32>
      %squeeze3A_122 = vector.extract %slice3A_121[0] : i32 from vector<1xi32>
      %add3A_123 = arith.constant 4 : i32
      %add3A_124 = arith.addi %mul3A_55, %add3A_123 : i32
      %dma_start3A_125 = arith.constant 0 : i32
      %dma_start3A_126 = tpu.memref_slice %arg10[%add3A_124, %dma_start3A_125] : memref<256x64xf32, #tpu.memory_space<vmem>> -> memref<1x64xf32, #tpu.memory_space<vmem>>
      %dma_start3A_127 = tpu.memref_squeeze %dma_start3A_126 : memref<1x64xf32, #tpu.memory_space<vmem>> -> memref<64xf32, #tpu.memory_space<vmem>>
      %dma_start3A_128 = arith.constant 0 : i32
      %dma_start3A_129 = tpu.memref_slice %arg4[%squeeze3A_122, %dma_start3A_128] : memref<1000000x64xf32, #tpu.memory_space<hbm>> -> memref<1x64xf32, #tpu.memory_space<hbm>>
      %dma_start3A_130 = tpu.memref_squeeze %dma_start3A_129 : memref<1x64xf32, #tpu.memory_space<hbm>> -> memref<64xf32, #tpu.memory_space<hbm>>
      %dma_start3A_131 = arith.constant 0 : i32
      %dma_start3A_132 = tpu.memref_slice %arg10[%add3A_124, %dma_start3A_131] : memref<256x64xf32, #tpu.memory_space<vmem>> -> memref<1x64xf32, #tpu.memory_space<vmem>>
      %dma_start3A_133 = tpu.memref_squeeze %dma_start3A_132 : memref<1x64xf32, #tpu.memory_space<vmem>> -> memref<64xf32, #tpu.memory_space<vmem>>
      %dma_start3A_134 = arith.constant 0 : i32
      %dma_start3A_135 = tpu.memref_slice %arg4[%squeeze3A_122, %dma_start3A_134] : memref<1000000x64xf32, #tpu.memory_space<hbm>> -> memref<1x64xf32, #tpu.memory_space<hbm>>
      %dma_start3A_136 = tpu.memref_squeeze %dma_start3A_135 : memref<1x64xf32, #tpu.memory_space<hbm>> -> memref<64xf32, #tpu.memory_space<hbm>>
      tpu.enqueue_dma source(%dma_start3A_136 : memref<64xf32, #tpu.memory_space<hbm>>) target(%dma_start3A_133 : memref<64xf32, #tpu.memory_space<vmem>>) target_semaphore(%arg12 : memref<!tpu.dma_semaphore, #tpu.memory_space<semaphore_mem>>)
      %slice3A_137 = vector.extract_strided_slice %get3A_59 {offsets = [5], sizes = [1], strides = [1]} : vector<16xi32> to vector<1xi32>
      %squeeze3A_138 = vector.extract %slice3A_137[0] : i32 from vector<1xi32>
      %add3A_139 = arith.constant 5 : i32
      %add3A_140 = arith.addi %mul3A_55, %add3A_139 : i32
      %dma_start3A_141 = arith.constant 0 : i32
      %dma_start3A_142 = tpu.memref_slice %arg10[%add3A_140, %dma_start3A_141] : memref<256x64xf32, #tpu.memory_space<vmem>> -> memref<1x64xf32, #tpu.memory_space<vmem>>
      %dma_start3A_143 = tpu.memref_squeeze %dma_start3A_142 : memref<1x64xf32, #tpu.memory_space<vmem>> -> memref<64xf32, #tpu.memory_space<vmem>>
      %dma_start3A_144 = arith.constant 0 : i32
      %dma_start3A_145 = tpu.memref_slice %arg4[%squeeze3A_138, %dma_start3A_144] : memref<1000000x64xf32, #tpu.memory_space<hbm>> -> memref<1x64xf32, #tpu.memory_space<hbm>>
      %dma_start3A_146 = tpu.memref_squeeze %dma_start3A_145 : memref<1x64xf32, #tpu.memory_space<hbm>> -> memref<64xf32, #tpu.memory_space<hbm>>
      %dma_start3A_147 = arith.constant 0 : i32
      %dma_start3A_148 = tpu.memref_slice %arg10[%add3A_140, %dma_start3A_147] : memref<256x64xf32, #tpu.memory_space<vmem>> -> memref<1x64xf32, #tpu.memory_space<vmem>>
      %dma_start3A_149 = tpu.memref_squeeze %dma_start3A_148 : memref<1x64xf32, #tpu.memory_space<vmem>> -> memref<64xf32, #tpu.memory_space<vmem>>
      %dma_start3A_150 = arith.constant 0 : i32
      %dma_start3A_151 = tpu.memref_slice %arg4[%squeeze3A_138, %dma_start3A_150] : memref<1000000x64xf32, #tpu.memory_space<hbm>> -> memref<1x64xf32, #tpu.memory_space<hbm>>
      %dma_start3A_152 = tpu.memref_squeeze %dma_start3A_151 : memref<1x64xf32, #tpu.memory_space<hbm>> -> memref<64xf32, #tpu.memory_space<hbm>>
      tpu.enqueue_dma source(%dma_start3A_152 : memref<64xf32, #tpu.memory_space<hbm>>) target(%dma_start3A_149 : memref<64xf32, #tpu.memory_space<vmem>>) target_semaphore(%arg12 : memref<!tpu.dma_semaphore, #tpu.memory_space<semaphore_mem>>)
      %slice3A_153 = vector.extract_strided_slice %get3A_59 {offsets = [6], sizes = [1], strides = [1]} : vector<16xi32> to vector<1xi32>
      %squeeze3A_154 = vector.extract %slice3A_153[0] : i32 from vector<1xi32>
      %add3A_155 = arith.constant 6 : i32
      %add3A_156 = arith.addi %mul3A_55, %add3A_155 : i32
      %dma_start3A_157 = arith.constant 0 : i32
      %dma_start3A_158 = tpu.memref_slice %arg10[%add3A_156, %dma_start3A_157] : memref<256x64xf32, #tpu.memory_space<vmem>> -> memref<1x64xf32, #tpu.memory_space<vmem>>
      %dma_start3A_159 = tpu.memref_squeeze %dma_start3A_158 : memref<1x64xf32, #tpu.memory_space<vmem>> -> memref<64xf32, #tpu.memory_space<vmem>>
      %dma_start3A_160 = arith.constant 0 : i32
      %dma_start3A_161 = tpu.memref_slice %arg4[%squeeze3A_154, %dma_start3A_160] : memref<1000000x64xf32, #tpu.memory_space<hbm>> -> memref<1x64xf32, #tpu.memory_space<hbm>>
      %dma_start3A_162 = tpu.memref_squeeze %dma_start3A_161 : memref<1x64xf32, #tpu.memory_space<hbm>> -> memref<64xf32, #tpu.memory_space<hbm>>
      %dma_start3A_163 = arith.constant 0 : i32
      %dma_start3A_164 = tpu.memref_slice %arg10[%add3A_156, %dma_start3A_163] : memref<256x64xf32, #tpu.memory_space<vmem>> -> memref<1x64xf32, #tpu.memory_space<vmem>>
      %dma_start3A_165 = tpu.memref_squeeze %dma_start3A_164 : memref<1x64xf32, #tpu.memory_space<vmem>> -> memref<64xf32, #tpu.memory_space<vmem>>
      %dma_start3A_166 = arith.constant 0 : i32
      %dma_start3A_167 = tpu.memref_slice %arg4[%squeeze3A_154, %dma_start3A_166] : memref<1000000x64xf32, #tpu.memory_space<hbm>> -> memref<1x64xf32, #tpu.memory_space<hbm>>
      %dma_start3A_168 = tpu.memref_squeeze %dma_start3A_167 : memref<1x64xf32, #tpu.memory_space<hbm>> -> memref<64xf32, #tpu.memory_space<hbm>>
      tpu.enqueue_dma source(%dma_start3A_168 : memref<64xf32, #tpu.memory_space<hbm>>) target(%dma_start3A_165 : memref<64xf32, #tpu.memory_space<vmem>>) target_semaphore(%arg12 : memref<!tpu.dma_semaphore, #tpu.memory_space<semaphore_mem>>)
      %slice3A_169 = vector.extract_strided_slice %get3A_59 {offsets = [7], sizes = [1], strides = [1]} : vector<16xi32> to vector<1xi32>
      %squeeze3A_170 = vector.extract %slice3A_169[0] : i32 from vector<1xi32>
      %add3A_171 = arith.constant 7 : i32
      %add3A_172 = arith.addi %mul3A_55, %add3A_171 : i32
      %dma_start3A_173 = arith.constant 0 : i32
      %dma_start3A_174 = tpu.memref_slice %arg10[%add3A_172, %dma_start3A_173] : memref<256x64xf32, #tpu.memory_space<vmem>> -> memref<1x64xf32, #tpu.memory_space<vmem>>
      %dma_start3A_175 = tpu.memref_squeeze %dma_start3A_174 : memref<1x64xf32, #tpu.memory_space<vmem>> -> memref<64xf32, #tpu.memory_space<vmem>>
      %dma_start3A_176 = arith.constant 0 : i32
      %dma_start3A_177 = tpu.memref_slice %arg4[%squeeze3A_170, %dma_start3A_176] : memref<1000000x64xf32, #tpu.memory_space<hbm>> -> memref<1x64xf32, #tpu.memory_space<hbm>>
      %dma_start3A_178 = tpu.memref_squeeze %dma_start3A_177 : memref<1x64xf32, #tpu.memory_space<hbm>> -> memref<64xf32, #tpu.memory_space<hbm>>
      %dma_start3A_179 = arith.constant 0 : i32
      %dma_start3A_180 = tpu.memref_slice %arg10[%add3A_172, %dma_start3A_179] : memref<256x64xf32, #tpu.memory_space<vmem>> -> memref<1x64xf32, #tpu.memory_space<vmem>>
      %dma_start3A_181 = tpu.memref_squeeze %dma_start3A_180 : memref<1x64xf32, #tpu.memory_space<vmem>> -> memref<64xf32, #tpu.memory_space<vmem>>
      %dma_start3A_182 = arith.constant 0 : i32
      %dma_start3A_183 = tpu.memref_slice %arg4[%squeeze3A_170, %dma_start3A_182] : memref<1000000x64xf32, #tpu.memory_space<hbm>> -> memref<1x64xf32, #tpu.memory_space<hbm>>
      %dma_start3A_184 = tpu.memref_squeeze %dma_start3A_183 : memref<1x64xf32, #tpu.memory_space<hbm>> -> memref<64xf32, #tpu.memory_space<hbm>>
      tpu.enqueue_dma source(%dma_start3A_184 : memref<64xf32, #tpu.memory_space<hbm>>) target(%dma_start3A_181 : memref<64xf32, #tpu.memory_space<vmem>>) target_semaphore(%arg12 : memref<!tpu.dma_semaphore, #tpu.memory_space<semaphore_mem>>)
      %slice3A_185 = vector.extract_strided_slice %get3A_59 {offsets = [8], sizes = [1], strides = [1]} : vector<16xi32> to vector<1xi32>
      %squeeze3A_186 = vector.extract %slice3A_185[0] : i32 from vector<1xi32>
      %add3A_187 = arith.constant 8 : i32
      %add3A_188 = arith.addi %mul3A_55, %add3A_187 : i32
      %dma_start3A_189 = arith.constant 0 : i32
      %dma_start3A_190 = tpu.memref_slice %arg10[%add3A_188, %dma_start3A_189] : memref<256x64xf32, #tpu.memory_space<vmem>> -> memref<1x64xf32, #tpu.memory_space<vmem>>
      %dma_start3A_191 = tpu.memref_squeeze %dma_start3A_190 : memref<1x64xf32, #tpu.memory_space<vmem>> -> memref<64xf32, #tpu.memory_space<vmem>>
      %dma_start3A_192 = arith.constant 0 : i32
      %dma_start3A_193 = tpu.memref_slice %arg4[%squeeze3A_186, %dma_start3A_192] : memref<1000000x64xf32, #tpu.memory_space<hbm>> -> memref<1x64xf32, #tpu.memory_space<hbm>>
      %dma_start3A_194 = tpu.memref_squeeze %dma_start3A_193 : memref<1x64xf32, #tpu.memory_space<hbm>> -> memref<64xf32, #tpu.memory_space<hbm>>
      %dma_start3A_195 = arith.constant 0 : i32
      %dma_start3A_196 = tpu.memref_slice %arg10[%add3A_188, %dma_start3A_195] : memref<256x64xf32, #tpu.memory_space<vmem>> -> memref<1x64xf32, #tpu.memory_space<vmem>>
      %dma_start3A_197 = tpu.memref_squeeze %dma_start3A_196 : memref<1x64xf32, #tpu.memory_space<vmem>> -> memref<64xf32, #tpu.memory_space<vmem>>
      %dma_start3A_198 = arith.constant 0 : i32
      %dma_start3A_199 = tpu.memref_slice %arg4[%squeeze3A_186, %dma_start3A_198] : memref<1000000x64xf32, #tpu.memory_space<hbm>> -> memref<1x64xf32, #tpu.memory_space<hbm>>
      %dma_start3A_200 = tpu.memref_squeeze %dma_start3A_199 : memref<1x64xf32, #tpu.memory_space<hbm>> -> memref<64xf32, #tpu.memory_space<hbm>>
      tpu.enqueue_dma source(%dma_start3A_200 : memref<64xf32, #tpu.memory_space<hbm>>) target(%dma_start3A_197 : memref<64xf32, #tpu.memory_space<vmem>>) target_semaphore(%arg12 : memref<!tpu.dma_semaphore, #tpu.memory_space<semaphore_mem>>)
      %slice3A_201 = vector.extract_strided_slice %get3A_59 {offsets = [9], sizes = [1], strides = [1]} : vector<16xi32> to vector<1xi32>
      %squeeze3A_202 = vector.extract %slice3A_201[0] : i32 from vector<1xi32>
      %add3A_203 = arith.constant 9 : i32
      %add3A_204 = arith.addi %mul3A_55, %add3A_203 : i32
      %dma_start3A_205 = arith.constant 0 : i32
      %dma_start3A_206 = tpu.memref_slice %arg10[%add3A_204, %dma_start3A_205] : memref<256x64xf32, #tpu.memory_space<vmem>> -> memref<1x64xf32, #tpu.memory_space<vmem>>
      %dma_start3A_207 = tpu.memref_squeeze %dma_start3A_206 : memref<1x64xf32, #tpu.memory_space<vmem>> -> memref<64xf32, #tpu.memory_space<vmem>>
      %dma_start3A_208 = arith.constant 0 : i32
      %dma_start3A_209 = tpu.memref_slice %arg4[%squeeze3A_202, %dma_start3A_208] : memref<1000000x64xf32, #tpu.memory_space<hbm>> -> memref<1x64xf32, #tpu.memory_space<hbm>>
      %dma_start3A_210 = tpu.memref_squeeze %dma_start3A_209 : memref<1x64xf32, #tpu.memory_space<hbm>> -> memref<64xf32, #tpu.memory_space<hbm>>
      %dma_start3A_211 = arith.constant 0 : i32
      %dma_start3A_212 = tpu.memref_slice %arg10[%add3A_204, %dma_start3A_211] : memref<256x64xf32, #tpu.memory_space<vmem>> -> memref<1x64xf32, #tpu.memory_space<vmem>>
      %dma_start3A_213 = tpu.memref_squeeze %dma_start3A_212 : memref<1x64xf32, #tpu.memory_space<vmem>> -> memref<64xf32, #tpu.memory_space<vmem>>
      %dma_start3A_214 = arith.constant 0 : i32
      %dma_start3A_215 = tpu.memref_slice %arg4[%squeeze3A_202, %dma_start3A_214] : memref<1000000x64xf32, #tpu.memory_space<hbm>> -> memref<1x64xf32, #tpu.memory_space<hbm>>
      %dma_start3A_216 = tpu.memref_squeeze %dma_start3A_215 : memref<1x64xf32, #tpu.memory_space<hbm>> -> memref<64xf32, #tpu.memory_space<hbm>>
      tpu.enqueue_dma source(%dma_start3A_216 : memref<64xf32, #tpu.memory_space<hbm>>) target(%dma_start3A_213 : memref<64xf32, #tpu.memory_space<vmem>>) target_semaphore(%arg12 : memref<!tpu.dma_semaphore, #tpu.memory_space<semaphore_mem>>)
      %slice3A_217 = vector.extract_strided_slice %get3A_59 {offsets = [10], sizes = [1], strides = [1]} : vector<16xi32> to vector<1xi32>
      %squeeze3A_218 = vector.extract %slice3A_217[0] : i32 from vector<1xi32>
      %add3A_219 = arith.constant 10 : i32
      %add3A_220 = arith.addi %mul3A_55, %add3A_219 : i32
      %dma_start3A_221 = arith.constant 0 : i32
      %dma_start3A_222 = tpu.memref_slice %arg10[%add3A_220, %dma_start3A_221] : memref<256x64xf32, #tpu.memory_space<vmem>> -> memref<1x64xf32, #tpu.memory_space<vmem>>
      %dma_start3A_223 = tpu.memref_squeeze %dma_start3A_222 : memref<1x64xf32, #tpu.memory_space<vmem>> -> memref<64xf32, #tpu.memory_space<vmem>>
      %dma_start3A_224 = arith.constant 0 : i32
      %dma_start3A_225 = tpu.memref_slice %arg4[%squeeze3A_218, %dma_start3A_224] : memref<1000000x64xf32, #tpu.memory_space<hbm>> -> memref<1x64xf32, #tpu.memory_space<hbm>>
      %dma_start3A_226 = tpu.memref_squeeze %dma_start3A_225 : memref<1x64xf32, #tpu.memory_space<hbm>> -> memref<64xf32, #tpu.memory_space<hbm>>
      %dma_start3A_227 = arith.constant 0 : i32
      %dma_start3A_228 = tpu.memref_slice %arg10[%add3A_220, %dma_start3A_227] : memref<256x64xf32, #tpu.memory_space<vmem>> -> memref<1x64xf32, #tpu.memory_space<vmem>>
      %dma_start3A_229 = tpu.memref_squeeze %dma_start3A_228 : memref<1x64xf32, #tpu.memory_space<vmem>> -> memref<64xf32, #tpu.memory_space<vmem>>
      %dma_start3A_230 = arith.constant 0 : i32
      %dma_start3A_231 = tpu.memref_slice %arg4[%squeeze3A_218, %dma_start3A_230] : memref<1000000x64xf32, #tpu.memory_space<hbm>> -> memref<1x64xf32, #tpu.memory_space<hbm>>
      %dma_start3A_232 = tpu.memref_squeeze %dma_start3A_231 : memref<1x64xf32, #tpu.memory_space<hbm>> -> memref<64xf32, #tpu.memory_space<hbm>>
      tpu.enqueue_dma source(%dma_start3A_232 : memref<64xf32, #tpu.memory_space<hbm>>) target(%dma_start3A_229 : memref<64xf32, #tpu.memory_space<vmem>>) target_semaphore(%arg12 : memref<!tpu.dma_semaphore, #tpu.memory_space<semaphore_mem>>)
      %slice3A_233 = vector.extract_strided_slice %get3A_59 {offsets = [11], sizes = [1], strides = [1]} : vector<16xi32> to vector<1xi32>
      %squeeze3A_234 = vector.extract %slice3A_233[0] : i32 from vector<1xi32>
      %add3A_235 = arith.constant 11 : i32
      %add3A_236 = arith.addi %mul3A_55, %add3A_235 : i32
      %dma_start3A_237 = arith.constant 0 : i32
      %dma_start3A_238 = tpu.memref_slice %arg10[%add3A_236, %dma_start3A_237] : memref<256x64xf32, #tpu.memory_space<vmem>> -> memref<1x64xf32, #tpu.memory_space<vmem>>
      %dma_start3A_239 = tpu.memref_squeeze %dma_start3A_238 : memref<1x64xf32, #tpu.memory_space<vmem>> -> memref<64xf32, #tpu.memory_space<vmem>>
      %dma_start3A_240 = arith.constant 0 : i32
      %dma_start3A_241 = tpu.memref_slice %arg4[%squeeze3A_234, %dma_start3A_240] : memref<1000000x64xf32, #tpu.memory_space<hbm>> -> memref<1x64xf32, #tpu.memory_space<hbm>>
      %dma_start3A_242 = tpu.memref_squeeze %dma_start3A_241 : memref<1x64xf32, #tpu.memory_space<hbm>> -> memref<64xf32, #tpu.memory_space<hbm>>
      %dma_start3A_243 = arith.constant 0 : i32
      %dma_start3A_244 = tpu.memref_slice %arg10[%add3A_236, %dma_start3A_243] : memref<256x64xf32, #tpu.memory_space<vmem>> -> memref<1x64xf32, #tpu.memory_space<vmem>>
      %dma_start3A_245 = tpu.memref_squeeze %dma_start3A_244 : memref<1x64xf32, #tpu.memory_space<vmem>> -> memref<64xf32, #tpu.memory_space<vmem>>
      %dma_start3A_246 = arith.constant 0 : i32
      %dma_start3A_247 = tpu.memref_slice %arg4[%squeeze3A_234, %dma_start3A_246] : memref<1000000x64xf32, #tpu.memory_space<hbm>> -> memref<1x64xf32, #tpu.memory_space<hbm>>
      %dma_start3A_248 = tpu.memref_squeeze %dma_start3A_247 : memref<1x64xf32, #tpu.memory_space<hbm>> -> memref<64xf32, #tpu.memory_space<hbm>>
      tpu.enqueue_dma source(%dma_start3A_248 : memref<64xf32, #tpu.memory_space<hbm>>) target(%dma_start3A_245 : memref<64xf32, #tpu.memory_space<vmem>>) target_semaphore(%arg12 : memref<!tpu.dma_semaphore, #tpu.memory_space<semaphore_mem>>)
      %slice3A_249 = vector.extract_strided_slice %get3A_59 {offsets = [12], sizes = [1], strides = [1]} : vector<16xi32> to vector<1xi32>
      %squeeze3A_250 = vector.extract %slice3A_249[0] : i32 from vector<1xi32>
      %add3A_251 = arith.constant 12 : i32
      %add3A_252 = arith.addi %mul3A_55, %add3A_251 : i32
      %dma_start3A_253 = arith.constant 0 : i32
      %dma_start3A_254 = tpu.memref_slice %arg10[%add3A_252, %dma_start3A_253] : memref<256x64xf32, #tpu.memory_space<vmem>> -> memref<1x64xf32, #tpu.memory_space<vmem>>
      %dma_start3A_255 = tpu.memref_squeeze %dma_start3A_254 : memref<1x64xf32, #tpu.memory_space<vmem>> -> memref<64xf32, #tpu.memory_space<vmem>>
      %dma_start3A_256 = arith.constant 0 : i32
      %dma_start3A_257 = tpu.memref_slice %arg4[%squeeze3A_250, %dma_start3A_256] : memref<1000000x64xf32, #tpu.memory_space<hbm>> -> memref<1x64xf32, #tpu.memory_space<hbm>>
      %dma_start3A_258 = tpu.memref_squeeze %dma_start3A_257 : memref<1x64xf32, #tpu.memory_space<hbm>> -> memref<64xf32, #tpu.memory_space<hbm>>
      %dma_start3A_259 = arith.constant 0 : i32
      %dma_start3A_260 = tpu.memref_slice %arg10[%add3A_252, %dma_start3A_259] : memref<256x64xf32, #tpu.memory_space<vmem>> -> memref<1x64xf32, #tpu.memory_space<vmem>>
      %dma_start3A_261 = tpu.memref_squeeze %dma_start3A_260 : memref<1x64xf32, #tpu.memory_space<vmem>> -> memref<64xf32, #tpu.memory_space<vmem>>
      %dma_start3A_262 = arith.constant 0 : i32
      %dma_start3A_263 = tpu.memref_slice %arg4[%squeeze3A_250, %dma_start3A_262] : memref<1000000x64xf32, #tpu.memory_space<hbm>> -> memref<1x64xf32, #tpu.memory_space<hbm>>
      %dma_start3A_264 = tpu.memref_squeeze %dma_start3A_263 : memref<1x64xf32, #tpu.memory_space<hbm>> -> memref<64xf32, #tpu.memory_space<hbm>>
      tpu.enqueue_dma source(%dma_start3A_264 : memref<64xf32, #tpu.memory_space<hbm>>) target(%dma_start3A_261 : memref<64xf32, #tpu.memory_space<vmem>>) target_semaphore(%arg12 : memref<!tpu.dma_semaphore, #tpu.memory_space<semaphore_mem>>)
      %slice3A_265 = vector.extract_strided_slice %get3A_59 {offsets = [13], sizes = [1], strides = [1]} : vector<16xi32> to vector<1xi32>
      %squeeze3A_266 = vector.extract %slice3A_265[0] : i32 from vector<1xi32>
      %add3A_267 = arith.constant 13 : i32
      %add3A_268 = arith.addi %mul3A_55, %add3A_267 : i32
      %dma_start3A_269 = arith.constant 0 : i32
      %dma_start3A_270 = tpu.memref_slice %arg10[%add3A_268, %dma_start3A_269] : memref<256x64xf32, #tpu.memory_space<vmem>> -> memref<1x64xf32, #tpu.memory_space<vmem>>
      %dma_start3A_271 = tpu.memref_squeeze %dma_start3A_270 : memref<1x64xf32, #tpu.memory_space<vmem>> -> memref<64xf32, #tpu.memory_space<vmem>>
      %dma_start3A_272 = arith.constant 0 : i32
      %dma_start3A_273 = tpu.memref_slice %arg4[%squeeze3A_266, %dma_start3A_272] : memref<1000000x64xf32, #tpu.memory_space<hbm>> -> memref<1x64xf32, #tpu.memory_space<hbm>>
      %dma_start3A_274 = tpu.memref_squeeze %dma_start3A_273 : memref<1x64xf32, #tpu.memory_space<hbm>> -> memref<64xf32, #tpu.memory_space<hbm>>
      %dma_start3A_275 = arith.constant 0 : i32
      %dma_start3A_276 = tpu.memref_slice %arg10[%add3A_268, %dma_start3A_275] : memref<256x64xf32, #tpu.memory_space<vmem>> -> memref<1x64xf32, #tpu.memory_space<vmem>>
      %dma_start3A_277 = tpu.memref_squeeze %dma_start3A_276 : memref<1x64xf32, #tpu.memory_space<vmem>> -> memref<64xf32, #tpu.memory_space<vmem>>
      %dma_start3A_278 = arith.constant 0 : i32
      %dma_start3A_279 = tpu.memref_slice %arg4[%squeeze3A_266, %dma_start3A_278] : memref<1000000x64xf32, #tpu.memory_space<hbm>> -> memref<1x64xf32, #tpu.memory_space<hbm>>
      %dma_start3A_280 = tpu.memref_squeeze %dma_start3A_279 : memref<1x64xf32, #tpu.memory_space<hbm>> -> memref<64xf32, #tpu.memory_space<hbm>>
      tpu.enqueue_dma source(%dma_start3A_280 : memref<64xf32, #tpu.memory_space<hbm>>) target(%dma_start3A_277 : memref<64xf32, #tpu.memory_space<vmem>>) target_semaphore(%arg12 : memref<!tpu.dma_semaphore, #tpu.memory_space<semaphore_mem>>)
      %slice3A_281 = vector.extract_strided_slice %get3A_59 {offsets = [14], sizes = [1], strides = [1]} : vector<16xi32> to vector<1xi32>
      %squeeze3A_282 = vector.extract %slice3A_281[0] : i32 from vector<1xi32>
      %add3A_283 = arith.constant 14 : i32
      %add3A_284 = arith.addi %mul3A_55, %add3A_283 : i32
      %dma_start3A_285 = arith.constant 0 : i32
      %dma_start3A_286 = tpu.memref_slice %arg10[%add3A_284, %dma_start3A_285] : memref<256x64xf32, #tpu.memory_space<vmem>> -> memref<1x64xf32, #tpu.memory_space<vmem>>
      %dma_start3A_287 = tpu.memref_squeeze %dma_start3A_286 : memref<1x64xf32, #tpu.memory_space<vmem>> -> memref<64xf32, #tpu.memory_space<vmem>>
      %dma_start3A_288 = arith.constant 0 : i32
      %dma_start3A_289 = tpu.memref_slice %arg4[%squeeze3A_282, %dma_start3A_288] : memref<1000000x64xf32, #tpu.memory_space<hbm>> -> memref<1x64xf32, #tpu.memory_space<hbm>>
      %dma_start3A_290 = tpu.memref_squeeze %dma_start3A_289 : memref<1x64xf32, #tpu.memory_space<hbm>> -> memref<64xf32, #tpu.memory_space<hbm>>
      %dma_start3A_291 = arith.constant 0 : i32
      %dma_start3A_292 = tpu.memref_slice %arg10[%add3A_284, %dma_start3A_291] : memref<256x64xf32, #tpu.memory_space<vmem>> -> memref<1x64xf32, #tpu.memory_space<vmem>>
      %dma_start3A_293 = tpu.memref_squeeze %dma_start3A_292 : memref<1x64xf32, #tpu.memory_space<vmem>> -> memref<64xf32, #tpu.memory_space<vmem>>
      %dma_start3A_294 = arith.constant 0 : i32
      %dma_start3A_295 = tpu.memref_slice %arg4[%squeeze3A_282, %dma_start3A_294] : memref<1000000x64xf32, #tpu.memory_space<hbm>> -> memref<1x64xf32, #tpu.memory_space<hbm>>
      %dma_start3A_296 = tpu.memref_squeeze %dma_start3A_295 : memref<1x64xf32, #tpu.memory_space<hbm>> -> memref<64xf32, #tpu.memory_space<hbm>>
      tpu.enqueue_dma source(%dma_start3A_296 : memref<64xf32, #tpu.memory_space<hbm>>) target(%dma_start3A_293 : memref<64xf32, #tpu.memory_space<vmem>>) target_semaphore(%arg12 : memref<!tpu.dma_semaphore, #tpu.memory_space<semaphore_mem>>)
      %slice3A_297 = vector.extract_strided_slice %get3A_59 {offsets = [15], sizes = [1], strides = [1]} : vector<16xi32> to vector<1xi32>
      %squeeze3A_298 = vector.extract %slice3A_297[0] : i32 from vector<1xi32>
      %add3A_299 = arith.constant 15 : i32
      %add3A_300 = arith.addi %mul3A_55, %add3A_299 : i32
      %dma_start3A_301 = arith.constant 0 : i32
      %dma_start3A_302 = tpu.memref_slice %arg10[%add3A_300, %dma_start3A_301] : memref<256x64xf32, #tpu.memory_space<vmem>> -> memref<1x64xf32, #tpu.memory_space<vmem>>
      %dma_start3A_303 = tpu.memref_squeeze %dma_start3A_302 : memref<1x64xf32, #tpu.memory_space<vmem>> -> memref<64xf32, #tpu.memory_space<vmem>>
      %dma_start3A_304 = arith.constant 0 : i32
      %dma_start3A_305 = tpu.memref_slice %arg4[%squeeze3A_298, %dma_start3A_304] : memref<1000000x64xf32, #tpu.memory_space<hbm>> -> memref<1x64xf32, #tpu.memory_space<hbm>>
      %dma_start3A_306 = tpu.memref_squeeze %dma_start3A_305 : memref<1x64xf32, #tpu.memory_space<hbm>> -> memref<64xf32, #tpu.memory_space<hbm>>
      %dma_start3A_307 = arith.constant 0 : i32
      %dma_start3A_308 = tpu.memref_slice %arg10[%add3A_300, %dma_start3A_307] : memref<256x64xf32, #tpu.memory_space<vmem>> -> memref<1x64xf32, #tpu.memory_space<vmem>>
      %dma_start3A_309 = tpu.memref_squeeze %dma_start3A_308 : memref<1x64xf32, #tpu.memory_space<vmem>> -> memref<64xf32, #tpu.memory_space<vmem>>
      %dma_start3A_310 = arith.constant 0 : i32
      %dma_start3A_311 = tpu.memref_slice %arg4[%squeeze3A_298, %dma_start3A_310] : memref<1000000x64xf32, #tpu.memory_space<hbm>> -> memref<1x64xf32, #tpu.memory_space<hbm>>
      %dma_start3A_312 = tpu.memref_squeeze %dma_start3A_311 : memref<1x64xf32, #tpu.memory_space<hbm>> -> memref<64xf32, #tpu.memory_space<hbm>>
      tpu.enqueue_dma source(%dma_start3A_312 : memref<64xf32, #tpu.memory_space<hbm>>) target(%dma_start3A_309 : memref<64xf32, #tpu.memory_space<vmem>>) target_semaphore(%arg12 : memref<!tpu.dma_semaphore, #tpu.memory_space<semaphore_mem>>)
    }
    %scan3A_23 = arith.constant 16 : i32
    %dma_wait3A_24 = arith.constant 0 : i32
    %dma_wait3A_25 = arith.constant 0 : i32
    %dma_wait3A_26 = tpu.memref_slice %arg5[%dma_wait3A_24, %dma_wait3A_25] : memref<1000000x64xf32, #tpu.memory_space<hbm>> -> memref<256x64xf32, #tpu.memory_space<hbm>>
    %dma_wait3A_27 = arith.constant 0 : i32
    %dma_wait3A_28 = arith.constant 0 : i32
    %dma_wait3A_29 = tpu.memref_slice %arg5[%dma_wait3A_27, %dma_wait3A_28] : memref<1000000x64xf32, #tpu.memory_space<hbm>> -> memref<256x64xf32, #tpu.memory_space<hbm>>
    tpu.wait_dma2 semaphore(%arg13 : memref<!tpu.dma_semaphore, #tpu.memory_space<semaphore_mem>>) src(%dma_wait3A_29 : memref<256x64xf32, #tpu.memory_space<hbm>>) dst(%arg11 : memref<256x64xf32, #tpu.memory_space<vmem>>)
    %add3A_30 = arith.constant 0 : i32
    %add3A_31 = arith.addi %mul3A_2, %add3A_30 : i32
    "tpu.region"() ({
      %run_scoped3A = tpu.sem_alloc : memref<!tpu.dma_semaphore, #tpu.memory_space<semaphore_mem>>
      %dma_start3A = arith.constant 0 : i32
      %dma_start3A_53 = tpu.memref_slice %arg7[%add3A_31, %dma_start3A] : memref<16384x64xf32, #tpu.memory_space<hbm>> -> memref<256x64xf32, #tpu.memory_space<hbm>>
      %dma_start3A_54 = arith.constant 0 : i32
      %dma_start3A_55 = tpu.memref_slice %arg7[%add3A_31, %dma_start3A_54] : memref<16384x64xf32, #tpu.memory_space<hbm>> -> memref<256x64xf32, #tpu.memory_space<hbm>>
      tpu.enqueue_dma source(%arg11 : memref<256x64xf32, #tpu.memory_space<vmem>>) target(%dma_start3A_55 : memref<256x64xf32, #tpu.memory_space<hbm>>) target_semaphore(%run_scoped3A : memref<!tpu.dma_semaphore, #tpu.memory_space<semaphore_mem>>)
      %dma_wait3A_56 = arith.constant 0 : i32
      %dma_wait3A_57 = tpu.memref_slice %arg7[%add3A_31, %dma_wait3A_56] : memref<16384x64xf32, #tpu.memory_space<hbm>> -> memref<256x64xf32, #tpu.memory_space<hbm>>
      %dma_wait3A_58 = arith.constant 0 : i32
      %dma_wait3A_59 = tpu.memref_slice %arg7[%add3A_31, %dma_wait3A_58] : memref<16384x64xf32, #tpu.memory_space<hbm>> -> memref<256x64xf32, #tpu.memory_space<hbm>>
      tpu.wait_dma2 semaphore(%run_scoped3A : memref<!tpu.dma_semaphore, #tpu.memory_space<semaphore_mem>>) src(%arg11 : memref<256x64xf32, #tpu.memory_space<vmem>>) dst(%dma_wait3A_59 : memref<256x64xf32, #tpu.memory_space<hbm>>)
      tpu.yield
    }) : () -> ()
    %scan3A_32 = arith.constant 0 : i32
    %scan3A_33 = arith.constant 16 : i32
    %scan3A_34 = arith.addi %scan3A_32, %scan3A_33 : i32
    %scan3A_35 = arith.constant 1 : i32
    scf.for %scan3A_53 = %scan3A_32 to %scan3A_34 step %scan3A_35  : i32 {
      %mul3A_54 = arith.constant 16 : i32
      %mul3A_55 = arith.muli %scan3A_53, %mul3A_54 : i32
      %add3A_56 = arith.constant 256 : i32
      %add3A_57 = arith.addi %add3A_56, %mul3A_55 : i32
      %get3A = arith.index_cast %add3A_57 : i32 to index
      %get3A_58 = tpu.vector_load %arg9[%get3A] {strides = array<i32>} : memref<512xi32, #tpu.memory_space<vmem>>, vector<16xi32>,
      %get3A_59 = vector.shape_cast %get3A_58 : vector<16xi32> to vector<16xi32>
      %slice3A = vector.extract_strided_slice %get3A_59 {offsets = [0], sizes = [1], strides = [1]} : vector<16xi32> to vector<1xi32>
      %squeeze3A = vector.extract %slice3A[0] : i32 from vector<1xi32>
      %add3A_60 = arith.constant 0 : i32
      %add3A_61 = arith.addi %mul3A_55, %add3A_60 : i32
      %dma_start3A = arith.constant 0 : i32
      %dma_start3A_62 = tpu.memref_slice %arg11[%add3A_61, %dma_start3A] : memref<256x64xf32, #tpu.memory_space<vmem>> -> memref<1x64xf32, #tpu.memory_space<vmem>>
      %dma_start3A_63 = tpu.memref_squeeze %dma_start3A_62 : memref<1x64xf32, #tpu.memory_space<vmem>> -> memref<64xf32, #tpu.memory_space<vmem>>
      %dma_start3A_64 = arith.constant 0 : i32
      %dma_start3A_65 = tpu.memref_slice %arg5[%squeeze3A, %dma_start3A_64] : memref<1000000x64xf32, #tpu.memory_space<hbm>> -> memref<1x64xf32, #tpu.memory_space<hbm>>
      %dma_start3A_66 = tpu.memref_squeeze %dma_start3A_65 : memref<1x64xf32, #tpu.memory_space<hbm>> -> memref<64xf32, #tpu.memory_space<hbm>>
      %dma_start3A_67 = arith.constant 0 : i32
      %dma_start3A_68 = tpu.memref_slice %arg11[%add3A_61, %dma_start3A_67] : memref<256x64xf32, #tpu.memory_space<vmem>> -> memref<1x64xf32, #tpu.memory_space<vmem>>
      %dma_start3A_69 = tpu.memref_squeeze %dma_start3A_68 : memref<1x64xf32, #tpu.memory_space<vmem>> -> memref<64xf32, #tpu.memory_space<vmem>>
      %dma_start3A_70 = arith.constant 0 : i32
      %dma_start3A_71 = tpu.memref_slice %arg5[%squeeze3A, %dma_start3A_70] : memref<1000000x64xf32, #tpu.memory_space<hbm>> -> memref<1x64xf32, #tpu.memory_space<hbm>>
      %dma_start3A_72 = tpu.memref_squeeze %dma_start3A_71 : memref<1x64xf32, #tpu.memory_space<hbm>> -> memref<64xf32, #tpu.memory_space<hbm>>
      tpu.enqueue_dma source(%dma_start3A_72 : memref<64xf32, #tpu.memory_space<hbm>>) target(%dma_start3A_69 : memref<64xf32, #tpu.memory_space<vmem>>) target_semaphore(%arg13 : memref<!tpu.dma_semaphore, #tpu.memory_space<semaphore_mem>>)
      %slice3A_73 = vector.extract_strided_slice %get3A_59 {offsets = [1], sizes = [1], strides = [1]} : vector<16xi32> to vector<1xi32>
      %squeeze3A_74 = vector.extract %slice3A_73[0] : i32 from vector<1xi32>
      %add3A_75 = arith.constant 1 : i32
      %add3A_76 = arith.addi %mul3A_55, %add3A_75 : i32
      %dma_start3A_77 = arith.constant 0 : i32
      %dma_start3A_78 = tpu.memref_slice %arg11[%add3A_76, %dma_start3A_77] : memref<256x64xf32, #tpu.memory_space<vmem>> -> memref<1x64xf32, #tpu.memory_space<vmem>>
      %dma_start3A_79 = tpu.memref_squeeze %dma_start3A_78 : memref<1x64xf32, #tpu.memory_space<vmem>> -> memref<64xf32, #tpu.memory_space<vmem>>
      %dma_start3A_80 = arith.constant 0 : i32
      %dma_start3A_81 = tpu.memref_slice %arg5[%squeeze3A_74, %dma_start3A_80] : memref<1000000x64xf32, #tpu.memory_space<hbm>> -> memref<1x64xf32, #tpu.memory_space<hbm>>
      %dma_start3A_82 = tpu.memref_squeeze %dma_start3A_81 : memref<1x64xf32, #tpu.memory_space<hbm>> -> memref<64xf32, #tpu.memory_space<hbm>>
      %dma_start3A_83 = arith.constant 0 : i32
      %dma_start3A_84 = tpu.memref_slice %arg11[%add3A_76, %dma_start3A_83] : memref<256x64xf32, #tpu.memory_space<vmem>> -> memref<1x64xf32, #tpu.memory_space<vmem>>
      %dma_start3A_85 = tpu.memref_squeeze %dma_start3A_84 : memref<1x64xf32, #tpu.memory_space<vmem>> -> memref<64xf32, #tpu.memory_space<vmem>>
      %dma_start3A_86 = arith.constant 0 : i32
      %dma_start3A_87 = tpu.memref_slice %arg5[%squeeze3A_74, %dma_start3A_86] : memref<1000000x64xf32, #tpu.memory_space<hbm>> -> memref<1x64xf32, #tpu.memory_space<hbm>>
      %dma_start3A_88 = tpu.memref_squeeze %dma_start3A_87 : memref<1x64xf32, #tpu.memory_space<hbm>> -> memref<64xf32, #tpu.memory_space<hbm>>
      tpu.enqueue_dma source(%dma_start3A_88 : memref<64xf32, #tpu.memory_space<hbm>>) target(%dma_start3A_85 : memref<64xf32, #tpu.memory_space<vmem>>) target_semaphore(%arg13 : memref<!tpu.dma_semaphore, #tpu.memory_space<semaphore_mem>>)
      %slice3A_89 = vector.extract_strided_slice %get3A_59 {offsets = [2], sizes = [1], strides = [1]} : vector<16xi32> to vector<1xi32>
      %squeeze3A_90 = vector.extract %slice3A_89[0] : i32 from vector<1xi32>
      %add3A_91 = arith.constant 2 : i32
      %add3A_92 = arith.addi %mul3A_55, %add3A_91 : i32
      %dma_start3A_93 = arith.constant 0 : i32
      %dma_start3A_94 = tpu.memref_slice %arg11[%add3A_92, %dma_start3A_93] : memref<256x64xf32, #tpu.memory_space<vmem>> -> memref<1x64xf32, #tpu.memory_space<vmem>>
      %dma_start3A_95 = tpu.memref_squeeze %dma_start3A_94 : memref<1x64xf32, #tpu.memory_space<vmem>> -> memref<64xf32, #tpu.memory_space<vmem>>
      %dma_start3A_96 = arith.constant 0 : i32
      %dma_start3A_97 = tpu.memref_slice %arg5[%squeeze3A_90, %dma_start3A_96] : memref<1000000x64xf32, #tpu.memory_space<hbm>> -> memref<1x64xf32, #tpu.memory_space<hbm>>
      %dma_start3A_98 = tpu.memref_squeeze %dma_start3A_97 : memref<1x64xf32, #tpu.memory_space<hbm>> -> memref<64xf32, #tpu.memory_space<hbm>>
      %dma_start3A_99 = arith.constant 0 : i32
      %dma_start3A_100 = tpu.memref_slice %arg11[%add3A_92, %dma_start3A_99] : memref<256x64xf32, #tpu.memory_space<vmem>> -> memref<1x64xf32, #tpu.memory_space<vmem>>
      %dma_start3A_101 = tpu.memref_squeeze %dma_start3A_100 : memref<1x64xf32, #tpu.memory_space<vmem>> -> memref<64xf32, #tpu.memory_space<vmem>>
      %dma_start3A_102 = arith.constant 0 : i32
      %dma_start3A_103 = tpu.memref_slice %arg5[%squeeze3A_90, %dma_start3A_102] : memref<1000000x64xf32, #tpu.memory_space<hbm>> -> memref<1x64xf32, #tpu.memory_space<hbm>>
      %dma_start3A_104 = tpu.memref_squeeze %dma_start3A_103 : memref<1x64xf32, #tpu.memory_space<hbm>> -> memref<64xf32, #tpu.memory_space<hbm>>
      tpu.enqueue_dma source(%dma_start3A_104 : memref<64xf32, #tpu.memory_space<hbm>>) target(%dma_start3A_101 : memref<64xf32, #tpu.memory_space<vmem>>) target_semaphore(%arg13 : memref<!tpu.dma_semaphore, #tpu.memory_space<semaphore_mem>>)
      %slice3A_105 = vector.extract_strided_slice %get3A_59 {offsets = [3], sizes = [1], strides = [1]} : vector<16xi32> to vector<1xi32>
      %squeeze3A_106 = vector.extract %slice3A_105[0] : i32 from vector<1xi32>
      %add3A_107 = arith.constant 3 : i32
      %add3A_108 = arith.addi %mul3A_55, %add3A_107 : i32
      %dma_start3A_109 = arith.constant 0 : i32
      %dma_start3A_110 = tpu.memref_slice %arg11[%add3A_108, %dma_start3A_109] : memref<256x64xf32, #tpu.memory_space<vmem>> -> memref<1x64xf32, #tpu.memory_space<vmem>>
      %dma_start3A_111 = tpu.memref_squeeze %dma_start3A_110 : memref<1x64xf32, #tpu.memory_space<vmem>> -> memref<64xf32, #tpu.memory_space<vmem>>
      %dma_start3A_112 = arith.constant 0 : i32
      %dma_start3A_113 = tpu.memref_slice %arg5[%squeeze3A_106, %dma_start3A_112] : memref<1000000x64xf32, #tpu.memory_space<hbm>> -> memref<1x64xf32, #tpu.memory_space<hbm>>
      %dma_start3A_114 = tpu.memref_squeeze %dma_start3A_113 : memref<1x64xf32, #tpu.memory_space<hbm>> -> memref<64xf32, #tpu.memory_space<hbm>>
      %dma_start3A_115 = arith.constant 0 : i32
      %dma_start3A_116 = tpu.memref_slice %arg11[%add3A_108, %dma_start3A_115] : memref<256x64xf32, #tpu.memory_space<vmem>> -> memref<1x64xf32, #tpu.memory_space<vmem>>
      %dma_start3A_117 = tpu.memref_squeeze %dma_start3A_116 : memref<1x64xf32, #tpu.memory_space<vmem>> -> memref<64xf32, #tpu.memory_space<vmem>>
      %dma_start3A_118 = arith.constant 0 : i32
      %dma_start3A_119 = tpu.memref_slice %arg5[%squeeze3A_106, %dma_start3A_118] : memref<1000000x64xf32, #tpu.memory_space<hbm>> -> memref<1x64xf32, #tpu.memory_space<hbm>>
      %dma_start3A_120 = tpu.memref_squeeze %dma_start3A_119 : memref<1x64xf32, #tpu.memory_space<hbm>> -> memref<64xf32, #tpu.memory_space<hbm>>
      tpu.enqueue_dma source(%dma_start3A_120 : memref<64xf32, #tpu.memory_space<hbm>>) target(%dma_start3A_117 : memref<64xf32, #tpu.memory_space<vmem>>) target_semaphore(%arg13 : memref<!tpu.dma_semaphore, #tpu.memory_space<semaphore_mem>>)
      %slice3A_121 = vector.extract_strided_slice %get3A_59 {offsets = [4], sizes = [1], strides = [1]} : vector<16xi32> to vector<1xi32>
      %squeeze3A_122 = vector.extract %slice3A_121[0] : i32 from vector<1xi32>
      %add3A_123 = arith.constant 4 : i32
      %add3A_124 = arith.addi %mul3A_55, %add3A_123 : i32
      %dma_start3A_125 = arith.constant 0 : i32
      %dma_start3A_126 = tpu.memref_slice %arg11[%add3A_124, %dma_start3A_125] : memref<256x64xf32, #tpu.memory_space<vmem>> -> memref<1x64xf32, #tpu.memory_space<vmem>>
      %dma_start3A_127 = tpu.memref_squeeze %dma_start3A_126 : memref<1x64xf32, #tpu.memory_space<vmem>> -> memref<64xf32, #tpu.memory_space<vmem>>
      %dma_start3A_128 = arith.constant 0 : i32
      %dma_start3A_129 = tpu.memref_slice %arg5[%squeeze3A_122, %dma_start3A_128] : memref<1000000x64xf32, #tpu.memory_space<hbm>> -> memref<1x64xf32, #tpu.memory_space<hbm>>
      %dma_start3A_130 = tpu.memref_squeeze %dma_start3A_129 : memref<1x64xf32, #tpu.memory_space<hbm>> -> memref<64xf32, #tpu.memory_space<hbm>>
      %dma_start3A_131 = arith.constant 0 : i32
      %dma_start3A_132 = tpu.memref_slice %arg11[%add3A_124, %dma_start3A_131] : memref<256x64xf32, #tpu.memory_space<vmem>> -> memref<1x64xf32, #tpu.memory_space<vmem>>
      %dma_start3A_133 = tpu.memref_squeeze %dma_start3A_132 : memref<1x64xf32, #tpu.memory_space<vmem>> -> memref<64xf32, #tpu.memory_space<vmem>>
      %dma_start3A_134 = arith.constant 0 : i32
      %dma_start3A_135 = tpu.memref_slice %arg5[%squeeze3A_122, %dma_start3A_134] : memref<1000000x64xf32, #tpu.memory_space<hbm>> -> memref<1x64xf32, #tpu.memory_space<hbm>>
      %dma_start3A_136 = tpu.memref_squeeze %dma_start3A_135 : memref<1x64xf32, #tpu.memory_space<hbm>> -> memref<64xf32, #tpu.memory_space<hbm>>
      tpu.enqueue_dma source(%dma_start3A_136 : memref<64xf32, #tpu.memory_space<hbm>>) target(%dma_start3A_133 : memref<64xf32, #tpu.memory_space<vmem>>) target_semaphore(%arg13 : memref<!tpu.dma_semaphore, #tpu.memory_space<semaphore_mem>>)
      %slice3A_137 = vector.extract_strided_slice %get3A_59 {offsets = [5], sizes = [1], strides = [1]} : vector<16xi32> to vector<1xi32>
      %squeeze3A_138 = vector.extract %slice3A_137[0] : i32 from vector<1xi32>
      %add3A_139 = arith.constant 5 : i32
      %add3A_140 = arith.addi %mul3A_55, %add3A_139 : i32
      %dma_start3A_141 = arith.constant 0 : i32
      %dma_start3A_142 = tpu.memref_slice %arg11[%add3A_140, %dma_start3A_141] : memref<256x64xf32, #tpu.memory_space<vmem>> -> memref<1x64xf32, #tpu.memory_space<vmem>>
      %dma_start3A_143 = tpu.memref_squeeze %dma_start3A_142 : memref<1x64xf32, #tpu.memory_space<vmem>> -> memref<64xf32, #tpu.memory_space<vmem>>
      %dma_start3A_144 = arith.constant 0 : i32
      %dma_start3A_145 = tpu.memref_slice %arg5[%squeeze3A_138, %dma_start3A_144] : memref<1000000x64xf32, #tpu.memory_space<hbm>> -> memref<1x64xf32, #tpu.memory_space<hbm>>
      %dma_start3A_146 = tpu.memref_squeeze %dma_start3A_145 : memref<1x64xf32, #tpu.memory_space<hbm>> -> memref<64xf32, #tpu.memory_space<hbm>>
      %dma_start3A_147 = arith.constant 0 : i32
      %dma_start3A_148 = tpu.memref_slice %arg11[%add3A_140, %dma_start3A_147] : memref<256x64xf32, #tpu.memory_space<vmem>> -> memref<1x64xf32, #tpu.memory_space<vmem>>
      %dma_start3A_149 = tpu.memref_squeeze %dma_start3A_148 : memref<1x64xf32, #tpu.memory_space<vmem>> -> memref<64xf32, #tpu.memory_space<vmem>>
      %dma_start3A_150 = arith.constant 0 : i32
      %dma_start3A_151 = tpu.memref_slice %arg5[%squeeze3A_138, %dma_start3A_150] : memref<1000000x64xf32, #tpu.memory_space<hbm>> -> memref<1x64xf32, #tpu.memory_space<hbm>>
      %dma_start3A_152 = tpu.memref_squeeze %dma_start3A_151 : memref<1x64xf32, #tpu.memory_space<hbm>> -> memref<64xf32, #tpu.memory_space<hbm>>
      tpu.enqueue_dma source(%dma_start3A_152 : memref<64xf32, #tpu.memory_space<hbm>>) target(%dma_start3A_149 : memref<64xf32, #tpu.memory_space<vmem>>) target_semaphore(%arg13 : memref<!tpu.dma_semaphore, #tpu.memory_space<semaphore_mem>>)
      %slice3A_153 = vector.extract_strided_slice %get3A_59 {offsets = [6], sizes = [1], strides = [1]} : vector<16xi32> to vector<1xi32>
      %squeeze3A_154 = vector.extract %slice3A_153[0] : i32 from vector<1xi32>
      %add3A_155 = arith.constant 6 : i32
      %add3A_156 = arith.addi %mul3A_55, %add3A_155 : i32
      %dma_start3A_157 = arith.constant 0 : i32
      %dma_start3A_158 = tpu.memref_slice %arg11[%add3A_156, %dma_start3A_157] : memref<256x64xf32, #tpu.memory_space<vmem>> -> memref<1x64xf32, #tpu.memory_space<vmem>>
      %dma_start3A_159 = tpu.memref_squeeze %dma_start3A_158 : memref<1x64xf32, #tpu.memory_space<vmem>> -> memref<64xf32, #tpu.memory_space<vmem>>
      %dma_start3A_160 = arith.constant 0 : i32
      %dma_start3A_161 = tpu.memref_slice %arg5[%squeeze3A_154, %dma_start3A_160] : memref<1000000x64xf32, #tpu.memory_space<hbm>> -> memref<1x64xf32, #tpu.memory_space<hbm>>
      %dma_start3A_162 = tpu.memref_squeeze %dma_start3A_161 : memref<1x64xf32, #tpu.memory_space<hbm>> -> memref<64xf32, #tpu.memory_space<hbm>>
      %dma_start3A_163 = arith.constant 0 : i32
      %dma_start3A_164 = tpu.memref_slice %arg11[%add3A_156, %dma_start3A_163] : memref<256x64xf32, #tpu.memory_space<vmem>> -> memref<1x64xf32, #tpu.memory_space<vmem>>
      %dma_start3A_165 = tpu.memref_squeeze %dma_start3A_164 : memref<1x64xf32, #tpu.memory_space<vmem>> -> memref<64xf32, #tpu.memory_space<vmem>>
      %dma_start3A_166 = arith.constant 0 : i32
      %dma_start3A_167 = tpu.memref_slice %arg5[%squeeze3A_154, %dma_start3A_166] : memref<1000000x64xf32, #tpu.memory_space<hbm>> -> memref<1x64xf32, #tpu.memory_space<hbm>>
      %dma_start3A_168 = tpu.memref_squeeze %dma_start3A_167 : memref<1x64xf32, #tpu.memory_space<hbm>> -> memref<64xf32, #tpu.memory_space<hbm>>
      tpu.enqueue_dma source(%dma_start3A_168 : memref<64xf32, #tpu.memory_space<hbm>>) target(%dma_start3A_165 : memref<64xf32, #tpu.memory_space<vmem>>) target_semaphore(%arg13 : memref<!tpu.dma_semaphore, #tpu.memory_space<semaphore_mem>>)
      %slice3A_169 = vector.extract_strided_slice %get3A_59 {offsets = [7], sizes = [1], strides = [1]} : vector<16xi32> to vector<1xi32>
      %squeeze3A_170 = vector.extract %slice3A_169[0] : i32 from vector<1xi32>
      %add3A_171 = arith.constant 7 : i32
      %add3A_172 = arith.addi %mul3A_55, %add3A_171 : i32
      %dma_start3A_173 = arith.constant 0 : i32
      %dma_start3A_174 = tpu.memref_slice %arg11[%add3A_172, %dma_start3A_173] : memref<256x64xf32, #tpu.memory_space<vmem>> -> memref<1x64xf32, #tpu.memory_space<vmem>>
      %dma_start3A_175 = tpu.memref_squeeze %dma_start3A_174 : memref<1x64xf32, #tpu.memory_space<vmem>> -> memref<64xf32, #tpu.memory_space<vmem>>
      %dma_start3A_176 = arith.constant 0 : i32
      %dma_start3A_177 = tpu.memref_slice %arg5[%squeeze3A_170, %dma_start3A_176] : memref<1000000x64xf32, #tpu.memory_space<hbm>> -> memref<1x64xf32, #tpu.memory_space<hbm>>
      %dma_start3A_178 = tpu.memref_squeeze %dma_start3A_177 : memref<1x64xf32, #tpu.memory_space<hbm>> -> memref<64xf32, #tpu.memory_space<hbm>>
      %dma_start3A_179 = arith.constant 0 : i32
      %dma_start3A_180 = tpu.memref_slice %arg11[%add3A_172, %dma_start3A_179] : memref<256x64xf32, #tpu.memory_space<vmem>> -> memref<1x64xf32, #tpu.memory_space<vmem>>
      %dma_start3A_181 = tpu.memref_squeeze %dma_start3A_180 : memref<1x64xf32, #tpu.memory_space<vmem>> -> memref<64xf32, #tpu.memory_space<vmem>>
      %dma_start3A_182 = arith.constant 0 : i32
      %dma_start3A_183 = tpu.memref_slice %arg5[%squeeze3A_170, %dma_start3A_182] : memref<1000000x64xf32, #tpu.memory_space<hbm>> -> memref<1x64xf32, #tpu.memory_space<hbm>>
      %dma_start3A_184 = tpu.memref_squeeze %dma_start3A_183 : memref<1x64xf32, #tpu.memory_space<hbm>> -> memref<64xf32, #tpu.memory_space<hbm>>
      tpu.enqueue_dma source(%dma_start3A_184 : memref<64xf32, #tpu.memory_space<hbm>>) target(%dma_start3A_181 : memref<64xf32, #tpu.memory_space<vmem>>) target_semaphore(%arg13 : memref<!tpu.dma_semaphore, #tpu.memory_space<semaphore_mem>>)
      %slice3A_185 = vector.extract_strided_slice %get3A_59 {offsets = [8], sizes = [1], strides = [1]} : vector<16xi32> to vector<1xi32>
      %squeeze3A_186 = vector.extract %slice3A_185[0] : i32 from vector<1xi32>
      %add3A_187 = arith.constant 8 : i32
      %add3A_188 = arith.addi %mul3A_55, %add3A_187 : i32
      %dma_start3A_189 = arith.constant 0 : i32
      %dma_start3A_190 = tpu.memref_slice %arg11[%add3A_188, %dma_start3A_189] : memref<256x64xf32, #tpu.memory_space<vmem>> -> memref<1x64xf32, #tpu.memory_space<vmem>>
      %dma_start3A_191 = tpu.memref_squeeze %dma_start3A_190 : memref<1x64xf32, #tpu.memory_space<vmem>> -> memref<64xf32, #tpu.memory_space<vmem>>
      %dma_start3A_192 = arith.constant 0 : i32
      %dma_start3A_193 = tpu.memref_slice %arg5[%squeeze3A_186, %dma_start3A_192] : memref<1000000x64xf32, #tpu.memory_space<hbm>> -> memref<1x64xf32, #tpu.memory_space<hbm>>
      %dma_start3A_194 = tpu.memref_squeeze %dma_start3A_193 : memref<1x64xf32, #tpu.memory_space<hbm>> -> memref<64xf32, #tpu.memory_space<hbm>>
      %dma_start3A_195 = arith.constant 0 : i32
      %dma_start3A_196 = tpu.memref_slice %arg11[%add3A_188, %dma_start3A_195] : memref<256x64xf32, #tpu.memory_space<vmem>> -> memref<1x64xf32, #tpu.memory_space<vmem>>
      %dma_start3A_197 = tpu.memref_squeeze %dma_start3A_196 : memref<1x64xf32, #tpu.memory_space<vmem>> -> memref<64xf32, #tpu.memory_space<vmem>>
      %dma_start3A_198 = arith.constant 0 : i32
      %dma_start3A_199 = tpu.memref_slice %arg5[%squeeze3A_186, %dma_start3A_198] : memref<1000000x64xf32, #tpu.memory_space<hbm>> -> memref<1x64xf32, #tpu.memory_space<hbm>>
      %dma_start3A_200 = tpu.memref_squeeze %dma_start3A_199 : memref<1x64xf32, #tpu.memory_space<hbm>> -> memref<64xf32, #tpu.memory_space<hbm>>
      tpu.enqueue_dma source(%dma_start3A_200 : memref<64xf32, #tpu.memory_space<hbm>>) target(%dma_start3A_197 : memref<64xf32, #tpu.memory_space<vmem>>) target_semaphore(%arg13 : memref<!tpu.dma_semaphore, #tpu.memory_space<semaphore_mem>>)
      %slice3A_201 = vector.extract_strided_slice %get3A_59 {offsets = [9], sizes = [1], strides = [1]} : vector<16xi32> to vector<1xi32>
      %squeeze3A_202 = vector.extract %slice3A_201[0] : i32 from vector<1xi32>
      %add3A_203 = arith.constant 9 : i32
      %add3A_204 = arith.addi %mul3A_55, %add3A_203 : i32
      %dma_start3A_205 = arith.constant 0 : i32
      %dma_start3A_206 = tpu.memref_slice %arg11[%add3A_204, %dma_start3A_205] : memref<256x64xf32, #tpu.memory_space<vmem>> -> memref<1x64xf32, #tpu.memory_space<vmem>>
      %dma_start3A_207 = tpu.memref_squeeze %dma_start3A_206 : memref<1x64xf32, #tpu.memory_space<vmem>> -> memref<64xf32, #tpu.memory_space<vmem>>
      %dma_start3A_208 = arith.constant 0 : i32
      %dma_start3A_209 = tpu.memref_slice %arg5[%squeeze3A_202, %dma_start3A_208] : memref<1000000x64xf32, #tpu.memory_space<hbm>> -> memref<1x64xf32, #tpu.memory_space<hbm>>
      %dma_start3A_210 = tpu.memref_squeeze %dma_start3A_209 : memref<1x64xf32, #tpu.memory_space<hbm>> -> memref<64xf32, #tpu.memory_space<hbm>>
      %dma_start3A_211 = arith.constant 0 : i32
      %dma_start3A_212 = tpu.memref_slice %arg11[%add3A_204, %dma_start3A_211] : memref<256x64xf32, #tpu.memory_space<vmem>> -> memref<1x64xf32, #tpu.memory_space<vmem>>
      %dma_start3A_213 = tpu.memref_squeeze %dma_start3A_212 : memref<1x64xf32, #tpu.memory_space<vmem>> -> memref<64xf32, #tpu.memory_space<vmem>>
      %dma_start3A_214 = arith.constant 0 : i32
      %dma_start3A_215 = tpu.memref_slice %arg5[%squeeze3A_202, %dma_start3A_214] : memref<1000000x64xf32, #tpu.memory_space<hbm>> -> memref<1x64xf32, #tpu.memory_space<hbm>>
      %dma_start3A_216 = tpu.memref_squeeze %dma_start3A_215 : memref<1x64xf32, #tpu.memory_space<hbm>> -> memref<64xf32, #tpu.memory_space<hbm>>
      tpu.enqueue_dma source(%dma_start3A_216 : memref<64xf32, #tpu.memory_space<hbm>>) target(%dma_start3A_213 : memref<64xf32, #tpu.memory_space<vmem>>) target_semaphore(%arg13 : memref<!tpu.dma_semaphore, #tpu.memory_space<semaphore_mem>>)
      %slice3A_217 = vector.extract_strided_slice %get3A_59 {offsets = [10], sizes = [1], strides = [1]} : vector<16xi32> to vector<1xi32>
      %squeeze3A_218 = vector.extract %slice3A_217[0] : i32 from vector<1xi32>
      %add3A_219 = arith.constant 10 : i32
      %add3A_220 = arith.addi %mul3A_55, %add3A_219 : i32
      %dma_start3A_221 = arith.constant 0 : i32
      %dma_start3A_222 = tpu.memref_slice %arg11[%add3A_220, %dma_start3A_221] : memref<256x64xf32, #tpu.memory_space<vmem>> -> memref<1x64xf32, #tpu.memory_space<vmem>>
      %dma_start3A_223 = tpu.memref_squeeze %dma_start3A_222 : memref<1x64xf32, #tpu.memory_space<vmem>> -> memref<64xf32, #tpu.memory_space<vmem>>
      %dma_start3A_224 = arith.constant 0 : i32
      %dma_start3A_225 = tpu.memref_slice %arg5[%squeeze3A_218, %dma_start3A_224] : memref<1000000x64xf32, #tpu.memory_space<hbm>> -> memref<1x64xf32, #tpu.memory_space<hbm>>
      %dma_start3A_226 = tpu.memref_squeeze %dma_start3A_225 : memref<1x64xf32, #tpu.memory_space<hbm>> -> memref<64xf32, #tpu.memory_space<hbm>>
      %dma_start3A_227 = arith.constant 0 : i32
      %dma_start3A_228 = tpu.memref_slice %arg11[%add3A_220, %dma_start3A_227] : memref<256x64xf32, #tpu.memory_space<vmem>> -> memref<1x64xf32, #tpu.memory_space<vmem>>
      %dma_start3A_229 = tpu.memref_squeeze %dma_start3A_228 : memref<1x64xf32, #tpu.memory_space<vmem>> -> memref<64xf32, #tpu.memory_space<vmem>>
      %dma_start3A_230 = arith.constant 0 : i32
      %dma_start3A_231 = tpu.memref_slice %arg5[%squeeze3A_218, %dma_start3A_230] : memref<1000000x64xf32, #tpu.memory_space<hbm>> -> memref<1x64xf32, #tpu.memory_space<hbm>>
      %dma_start3A_232 = tpu.memref_squeeze %dma_start3A_231 : memref<1x64xf32, #tpu.memory_space<hbm>> -> memref<64xf32, #tpu.memory_space<hbm>>
      tpu.enqueue_dma source(%dma_start3A_232 : memref<64xf32, #tpu.memory_space<hbm>>) target(%dma_start3A_229 : memref<64xf32, #tpu.memory_space<vmem>>) target_semaphore(%arg13 : memref<!tpu.dma_semaphore, #tpu.memory_space<semaphore_mem>>)
      %slice3A_233 = vector.extract_strided_slice %get3A_59 {offsets = [11], sizes = [1], strides = [1]} : vector<16xi32> to vector<1xi32>
      %squeeze3A_234 = vector.extract %slice3A_233[0] : i32 from vector<1xi32>
      %add3A_235 = arith.constant 11 : i32
      %add3A_236 = arith.addi %mul3A_55, %add3A_235 : i32
      %dma_start3A_237 = arith.constant 0 : i32
      %dma_start3A_238 = tpu.memref_slice %arg11[%add3A_236, %dma_start3A_237] : memref<256x64xf32, #tpu.memory_space<vmem>> -> memref<1x64xf32, #tpu.memory_space<vmem>>
      %dma_start3A_239 = tpu.memref_squeeze %dma_start3A_238 : memref<1x64xf32, #tpu.memory_space<vmem>> -> memref<64xf32, #tpu.memory_space<vmem>>
      %dma_start3A_240 = arith.constant 0 : i32
      %dma_start3A_241 = tpu.memref_slice %arg5[%squeeze3A_234, %dma_start3A_240] : memref<1000000x64xf32, #tpu.memory_space<hbm>> -> memref<1x64xf32, #tpu.memory_space<hbm>>
      %dma_start3A_242 = tpu.memref_squeeze %dma_start3A_241 : memref<1x64xf32, #tpu.memory_space<hbm>> -> memref<64xf32, #tpu.memory_space<hbm>>
      %dma_start3A_243 = arith.constant 0 : i32
      %dma_start3A_244 = tpu.memref_slice %arg11[%add3A_236, %dma_start3A_243] : memref<256x64xf32, #tpu.memory_space<vmem>> -> memref<1x64xf32, #tpu.memory_space<vmem>>
      %dma_start3A_245 = tpu.memref_squeeze %dma_start3A_244 : memref<1x64xf32, #tpu.memory_space<vmem>> -> memref<64xf32, #tpu.memory_space<vmem>>
      %dma_start3A_246 = arith.constant 0 : i32
      %dma_start3A_247 = tpu.memref_slice %arg5[%squeeze3A_234, %dma_start3A_246] : memref<1000000x64xf32, #tpu.memory_space<hbm>> -> memref<1x64xf32, #tpu.memory_space<hbm>>
      %dma_start3A_248 = tpu.memref_squeeze %dma_start3A_247 : memref<1x64xf32, #tpu.memory_space<hbm>> -> memref<64xf32, #tpu.memory_space<hbm>>
      tpu.enqueue_dma source(%dma_start3A_248 : memref<64xf32, #tpu.memory_space<hbm>>) target(%dma_start3A_245 : memref<64xf32, #tpu.memory_space<vmem>>) target_semaphore(%arg13 : memref<!tpu.dma_semaphore, #tpu.memory_space<semaphore_mem>>)
      %slice3A_249 = vector.extract_strided_slice %get3A_59 {offsets = [12], sizes = [1], strides = [1]} : vector<16xi32> to vector<1xi32>
      %squeeze3A_250 = vector.extract %slice3A_249[0] : i32 from vector<1xi32>
      %add3A_251 = arith.constant 12 : i32
      %add3A_252 = arith.addi %mul3A_55, %add3A_251 : i32
      %dma_start3A_253 = arith.constant 0 : i32
      %dma_start3A_254 = tpu.memref_slice %arg11[%add3A_252, %dma_start3A_253] : memref<256x64xf32, #tpu.memory_space<vmem>> -> memref<1x64xf32, #tpu.memory_space<vmem>>
      %dma_start3A_255 = tpu.memref_squeeze %dma_start3A_254 : memref<1x64xf32, #tpu.memory_space<vmem>> -> memref<64xf32, #tpu.memory_space<vmem>>
      %dma_start3A_256 = arith.constant 0 : i32
      %dma_start3A_257 = tpu.memref_slice %arg5[%squeeze3A_250, %dma_start3A_256] : memref<1000000x64xf32, #tpu.memory_space<hbm>> -> memref<1x64xf32, #tpu.memory_space<hbm>>
      %dma_start3A_258 = tpu.memref_squeeze %dma_start3A_257 : memref<1x64xf32, #tpu.memory_space<hbm>> -> memref<64xf32, #tpu.memory_space<hbm>>
      %dma_start3A_259 = arith.constant 0 : i32
      %dma_start3A_260 = tpu.memref_slice %arg11[%add3A_252, %dma_start3A_259] : memref<256x64xf32, #tpu.memory_space<vmem>> -> memref<1x64xf32, #tpu.memory_space<vmem>>
      %dma_start3A_261 = tpu.memref_squeeze %dma_start3A_260 : memref<1x64xf32, #tpu.memory_space<vmem>> -> memref<64xf32, #tpu.memory_space<vmem>>
      %dma_start3A_262 = arith.constant 0 : i32
      %dma_start3A_263 = tpu.memref_slice %arg5[%squeeze3A_250, %dma_start3A_262] : memref<1000000x64xf32, #tpu.memory_space<hbm>> -> memref<1x64xf32, #tpu.memory_space<hbm>>
      %dma_start3A_264 = tpu.memref_squeeze %dma_start3A_263 : memref<1x64xf32, #tpu.memory_space<hbm>> -> memref<64xf32, #tpu.memory_space<hbm>>
      tpu.enqueue_dma source(%dma_start3A_264 : memref<64xf32, #tpu.memory_space<hbm>>) target(%dma_start3A_261 : memref<64xf32, #tpu.memory_space<vmem>>) target_semaphore(%arg13 : memref<!tpu.dma_semaphore, #tpu.memory_space<semaphore_mem>>)
      %slice3A_265 = vector.extract_strided_slice %get3A_59 {offsets = [13], sizes = [1], strides = [1]} : vector<16xi32> to vector<1xi32>
      %squeeze3A_266 = vector.extract %slice3A_265[0] : i32 from vector<1xi32>
      %add3A_267 = arith.constant 13 : i32
      %add3A_268 = arith.addi %mul3A_55, %add3A_267 : i32
      %dma_start3A_269 = arith.constant 0 : i32
      %dma_start3A_270 = tpu.memref_slice %arg11[%add3A_268, %dma_start3A_269] : memref<256x64xf32, #tpu.memory_space<vmem>> -> memref<1x64xf32, #tpu.memory_space<vmem>>
      %dma_start3A_271 = tpu.memref_squeeze %dma_start3A_270 : memref<1x64xf32, #tpu.memory_space<vmem>> -> memref<64xf32, #tpu.memory_space<vmem>>
      %dma_start3A_272 = arith.constant 0 : i32
      %dma_start3A_273 = tpu.memref_slice %arg5[%squeeze3A_266, %dma_start3A_272] : memref<1000000x64xf32, #tpu.memory_space<hbm>> -> memref<1x64xf32, #tpu.memory_space<hbm>>
      %dma_start3A_274 = tpu.memref_squeeze %dma_start3A_273 : memref<1x64xf32, #tpu.memory_space<hbm>> -> memref<64xf32, #tpu.memory_space<hbm>>
      %dma_start3A_275 = arith.constant 0 : i32
      %dma_start3A_276 = tpu.memref_slice %arg11[%add3A_268, %dma_start3A_275] : memref<256x64xf32, #tpu.memory_space<vmem>> -> memref<1x64xf32, #tpu.memory_space<vmem>>
      %dma_start3A_277 = tpu.memref_squeeze %dma_start3A_276 : memref<1x64xf32, #tpu.memory_space<vmem>> -> memref<64xf32, #tpu.memory_space<vmem>>
      %dma_start3A_278 = arith.constant 0 : i32
      %dma_start3A_279 = tpu.memref_slice %arg5[%squeeze3A_266, %dma_start3A_278] : memref<1000000x64xf32, #tpu.memory_space<hbm>> -> memref<1x64xf32, #tpu.memory_space<hbm>>
      %dma_start3A_280 = tpu.memref_squeeze %dma_start3A_279 : memref<1x64xf32, #tpu.memory_space<hbm>> -> memref<64xf32, #tpu.memory_space<hbm>>
      tpu.enqueue_dma source(%dma_start3A_280 : memref<64xf32, #tpu.memory_space<hbm>>) target(%dma_start3A_277 : memref<64xf32, #tpu.memory_space<vmem>>) target_semaphore(%arg13 : memref<!tpu.dma_semaphore, #tpu.memory_space<semaphore_mem>>)
      %slice3A_281 = vector.extract_strided_slice %get3A_59 {offsets = [14], sizes = [1], strides = [1]} : vector<16xi32> to vector<1xi32>
      %squeeze3A_282 = vector.extract %slice3A_281[0] : i32 from vector<1xi32>
      %add3A_283 = arith.constant 14 : i32
      %add3A_284 = arith.addi %mul3A_55, %add3A_283 : i32
      %dma_start3A_285 = arith.constant 0 : i32
      %dma_start3A_286 = tpu.memref_slice %arg11[%add3A_284, %dma_start3A_285] : memref<256x64xf32, #tpu.memory_space<vmem>> -> memref<1x64xf32, #tpu.memory_space<vmem>>
      %dma_start3A_287 = tpu.memref_squeeze %dma_start3A_286 : memref<1x64xf32, #tpu.memory_space<vmem>> -> memref<64xf32, #tpu.memory_space<vmem>>
      %dma_start3A_288 = arith.constant 0 : i32
      %dma_start3A_289 = tpu.memref_slice %arg5[%squeeze3A_282, %dma_start3A_288] : memref<1000000x64xf32, #tpu.memory_space<hbm>> -> memref<1x64xf32, #tpu.memory_space<hbm>>
      %dma_start3A_290 = tpu.memref_squeeze %dma_start3A_289 : memref<1x64xf32, #tpu.memory_space<hbm>> -> memref<64xf32, #tpu.memory_space<hbm>>
      %dma_start3A_291 = arith.constant 0 : i32
      %dma_start3A_292 = tpu.memref_slice %arg11[%add3A_284, %dma_start3A_291] : memref<256x64xf32, #tpu.memory_space<vmem>> -> memref<1x64xf32, #tpu.memory_space<vmem>>
      %dma_start3A_293 = tpu.memref_squeeze %dma_start3A_292 : memref<1x64xf32, #tpu.memory_space<vmem>> -> memref<64xf32, #tpu.memory_space<vmem>>
      %dma_start3A_294 = arith.constant 0 : i32
      %dma_start3A_295 = tpu.memref_slice %arg5[%squeeze3A_282, %dma_start3A_294] : memref<1000000x64xf32, #tpu.memory_space<hbm>> -> memref<1x64xf32, #tpu.memory_space<hbm>>
      %dma_start3A_296 = tpu.memref_squeeze %dma_start3A_295 : memref<1x64xf32, #tpu.memory_space<hbm>> -> memref<64xf32, #tpu.memory_space<hbm>>
      tpu.enqueue_dma source(%dma_start3A_296 : memref<64xf32, #tpu.memory_space<hbm>>) target(%dma_start3A_293 : memref<64xf32, #tpu.memory_space<vmem>>) target_semaphore(%arg13 : memref<!tpu.dma_semaphore, #tpu.memory_space<semaphore_mem>>)
      %slice3A_297 = vector.extract_strided_slice %get3A_59 {offsets = [15], sizes = [1], strides = [1]} : vector<16xi32> to vector<1xi32>
      %squeeze3A_298 = vector.extract %slice3A_297[0] : i32 from vector<1xi32>
      %add3A_299 = arith.constant 15 : i32
      %add3A_300 = arith.addi %mul3A_55, %add3A_299 : i32
      %dma_start3A_301 = arith.constant 0 : i32
      %dma_start3A_302 = tpu.memref_slice %arg11[%add3A_300, %dma_start3A_301] : memref<256x64xf32, #tpu.memory_space<vmem>> -> memref<1x64xf32, #tpu.memory_space<vmem>>
      %dma_start3A_303 = tpu.memref_squeeze %dma_start3A_302 : memref<1x64xf32, #tpu.memory_space<vmem>> -> memref<64xf32, #tpu.memory_space<vmem>>
      %dma_start3A_304 = arith.constant 0 : i32
      %dma_start3A_305 = tpu.memref_slice %arg5[%squeeze3A_298, %dma_start3A_304] : memref<1000000x64xf32, #tpu.memory_space<hbm>> -> memref<1x64xf32, #tpu.memory_space<hbm>>
      %dma_start3A_306 = tpu.memref_squeeze %dma_start3A_305 : memref<1x64xf32, #tpu.memory_space<hbm>> -> memref<64xf32, #tpu.memory_space<hbm>>
      %dma_start3A_307 = arith.constant 0 : i32
      %dma_start3A_308 = tpu.memref_slice %arg11[%add3A_300, %dma_start3A_307] : memref<256x64xf32, #tpu.memory_space<vmem>> -> memref<1x64xf32, #tpu.memory_space<vmem>>
      %dma_start3A_309 = tpu.memref_squeeze %dma_start3A_308 : memref<1x64xf32, #tpu.memory_space<vmem>> -> memref<64xf32, #tpu.memory_space<vmem>>
      %dma_start3A_310 = arith.constant 0 : i32
      %dma_start3A_311 = tpu.memref_slice %arg5[%squeeze3A_298, %dma_start3A_310] : memref<1000000x64xf32, #tpu.memory_space<hbm>> -> memref<1x64xf32, #tpu.memory_space<hbm>>
      %dma_start3A_312 = tpu.memref_squeeze %dma_start3A_311 : memref<1x64xf32, #tpu.memory_space<hbm>> -> memref<64xf32, #tpu.memory_space<hbm>>
      tpu.enqueue_dma source(%dma_start3A_312 : memref<64xf32, #tpu.memory_space<hbm>>) target(%dma_start3A_309 : memref<64xf32, #tpu.memory_space<vmem>>) target_semaphore(%arg13 : memref<!tpu.dma_semaphore, #tpu.memory_space<semaphore_mem>>)
    }
    %scan3A_36 = arith.constant 16 : i32
    %dma_wait3A_37 = arith.constant 0 : i32
    %dma_wait3A_38 = arith.constant 0 : i32
    %dma_wait3A_39 = tpu.memref_slice %arg4[%dma_wait3A_37, %dma_wait3A_38] : memref<1000000x64xf32, #tpu.memory_space<hbm>> -> memref<256x64xf32, #tpu.memory_space<hbm>>
    %dma_wait3A_40 = arith.constant 0 : i32
    %dma_wait3A_41 = arith.constant 0 : i32
    %dma_wait3A_42 = tpu.memref_slice %arg4[%dma_wait3A_40, %dma_wait3A_41] : memref<1000000x64xf32, #tpu.memory_space<hbm>> -> memref<256x64xf32, #tpu.memory_space<hbm>>
    tpu.wait_dma2 semaphore(%arg12 : memref<!tpu.dma_semaphore, #tpu.memory_space<semaphore_mem>>) src(%dma_wait3A_42 : memref<256x64xf32, #tpu.memory_space<hbm>>) dst(%arg10 : memref<256x64xf32, #tpu.memory_space<vmem>>)
    %add3A_43 = arith.constant 256 : i32
    %add3A_44 = arith.addi %mul3A_2, %add3A_43 : i32
    "tpu.region"() ({
      %run_scoped3A = tpu.sem_alloc : memref<!tpu.dma_semaphore, #tpu.memory_space<semaphore_mem>>
      %dma_start3A = arith.constant 0 : i32
      %dma_start3A_53 = tpu.memref_slice %arg6[%add3A_44, %dma_start3A] : memref<16384x64xf32, #tpu.memory_space<hbm>> -> memref<256x64xf32, #tpu.memory_space<hbm>>
      %dma_start3A_54 = arith.constant 0 : i32
      %dma_start3A_55 = tpu.memref_slice %arg6[%add3A_44, %dma_start3A_54] : memref<16384x64xf32, #tpu.memory_space<hbm>> -> memref<256x64xf32, #tpu.memory_space<hbm>>
      tpu.enqueue_dma source(%arg10 : memref<256x64xf32, #tpu.memory_space<vmem>>) target(%dma_start3A_55 : memref<256x64xf32, #tpu.memory_space<hbm>>) target_semaphore(%run_scoped3A : memref<!tpu.dma_semaphore, #tpu.memory_space<semaphore_mem>>)
      %dma_wait3A_56 = arith.constant 0 : i32
      %dma_wait3A_57 = tpu.memref_slice %arg6[%add3A_44, %dma_wait3A_56] : memref<16384x64xf32, #tpu.memory_space<hbm>> -> memref<256x64xf32, #tpu.memory_space<hbm>>
      %dma_wait3A_58 = arith.constant 0 : i32
      %dma_wait3A_59 = tpu.memref_slice %arg6[%add3A_44, %dma_wait3A_58] : memref<16384x64xf32, #tpu.memory_space<hbm>> -> memref<256x64xf32, #tpu.memory_space<hbm>>
      tpu.wait_dma2 semaphore(%run_scoped3A : memref<!tpu.dma_semaphore, #tpu.memory_space<semaphore_mem>>) src(%arg10 : memref<256x64xf32, #tpu.memory_space<vmem>>) dst(%dma_wait3A_59 : memref<256x64xf32, #tpu.memory_space<hbm>>)
      tpu.yield
    }) : () -> ()
    %dma_wait3A_45 = arith.constant 0 : i32
    %dma_wait3A_46 = arith.constant 0 : i32
    %dma_wait3A_47 = tpu.memref_slice %arg5[%dma_wait3A_45, %dma_wait3A_46] : memref<1000000x64xf32, #tpu.memory_space<hbm>> -> memref<256x64xf32, #tpu.memory_space<hbm>>
    %dma_wait3A_48 = arith.constant 0 : i32
    %dma_wait3A_49 = arith.constant 0 : i32
    %dma_wait3A_50 = tpu.memref_slice %arg5[%dma_wait3A_48, %dma_wait3A_49] : memref<1000000x64xf32, #tpu.memory_space<hbm>> -> memref<256x64xf32, #tpu.memory_space<hbm>>
    tpu.wait_dma2 semaphore(%arg13 : memref<!tpu.dma_semaphore, #tpu.memory_space<semaphore_mem>>) src(%dma_wait3A_50 : memref<256x64xf32, #tpu.memory_space<hbm>>) dst(%arg11 : memref<256x64xf32, #tpu.memory_space<vmem>>)
    %add3A_51 = arith.constant 256 : i32
    %add3A_52 = arith.addi %mul3A_2, %add3A_51 : i32
    "tpu.region"() ({
      %run_scoped3A = tpu.sem_alloc : memref<!tpu.dma_semaphore, #tpu.memory_space<semaphore_mem>>
      %dma_start3A = arith.constant 0 : i32
      %dma_start3A_53 = tpu.memref_slice %arg7[%add3A_52, %dma_start3A] : memref<16384x64xf32, #tpu.memory_space<hbm>> -> memref<256x64xf32, #tpu.memory_space<hbm>>
      %dma_start3A_54 = arith.constant 0 : i32
      %dma_start3A_55 = tpu.memref_slice %arg7[%add3A_52, %dma_start3A_54] : memref<16384x64xf32, #tpu.memory_space<hbm>> -> memref<256x64xf32, #tpu.memory_space<hbm>>
      tpu.enqueue_dma source(%arg11 : memref<256x64xf32, #tpu.memory_space<vmem>>) target(%dma_start3A_55 : memref<256x64xf32, #tpu.memory_space<hbm>>) target_semaphore(%run_scoped3A : memref<!tpu.dma_semaphore, #tpu.memory_space<semaphore_mem>>)
      %dma_wait3A_56 = arith.constant 0 : i32
      %dma_wait3A_57 = tpu.memref_slice %arg7[%add3A_52, %dma_wait3A_56] : memref<16384x64xf32, #tpu.memory_space<hbm>> -> memref<256x64xf32, #tpu.memory_space<hbm>>
      %dma_wait3A_58 = arith.constant 0 : i32
      %dma_wait3A_59 = tpu.memref_slice %arg7[%add3A_52, %dma_wait3A_58] : memref<16384x64xf32, #tpu.memory_space<hbm>> -> memref<256x64xf32, #tpu.memory_space<hbm>>
      tpu.wait_dma2 semaphore(%run_scoped3A : memref<!tpu.dma_semaphore, #tpu.memory_space<semaphore_mem>>) src(%arg11 : memref<256x64xf32, #tpu.memory_space<vmem>>) dst(%dma_wait3A_59 : memref<256x64xf32, #tpu.memory_space<hbm>>)
      tpu.yield
    }) : () -> ()
    return
  }
}

</mosaic_0001>

<sc_bundles>
// kernel: kernel.3.cloned.1.call-start
scs
__scs_entry_jumppad:
0x0: {  	(pc) =	sbr.rel $0x88, $3  }
0x1: {  	(tag) =	ssettag $0x0;
	lr =	simm.s32 $0x1  }
0x2: {  	[smem:$0x3F9D] =	sst lr;
	_ =	strace $0xD0000000  }
0x3: {  	_ = 	snop  }
0x4: {  	_ = 	snop  }
0x5: {  	_ = 	snop  }
0x6: {  	_ = 	snop  }
0x7: {  	_ = 	snop  }
__scs_overlays_trampoline_lowered:
0x8: {  	[smem:$0x3FAC] =	sst s0  }
0x9: {  	[smem:$0x3FAD] =	sst s1  }
0xa: {  	[smem:$0x3FAE] =	sst s2  }
0xb: {  	[smem:$0x3FAF] =	sst s3  }
0xc: {  	[smem:$0x3FB0] =	sst s4  }
0xd: {  	[smem:$0x3FB1] =	sst s5  }
0xe: {  	[smem:$0x3FB2] =	sst s6  }
0xf: {  	[smem:$0x3FB3] =	sst s7  }
0x10: {  	[smem:$0x3FB4] =	sst s8  }
0x11: {  	[smem:$0x3FB5] =	sst s9;
	s0 =	simm.s32 @!p0 $0x0  }
0x12: {  	s1 =	sld [smem:$0x3F9B];
	s0 =	simm.s32 @p0 $0x1  }
0x13: {  	[smem:$0x3FB6] =	sst s0;
	s0 =	simm.s32 @!p1 $0x0  }
0x14: {  	s2 =	sld [smem:$0x3F9A];
	s0 =	simm.s32 @p1 $0x1  }
0x15: {  	[smem:$0x3FB7] =	sst s0;
	s0 =	simm.s32 @!p2 $0x0  }
0x16: {  	s3 =	sld [smem:$0x3FDB];
	s0 =	simm.s32 @p2 $0x1  }
0x17: {  	s4 =	simm.s32 $0x1BF5;
	[smem:$0x3FB9] =	sst s0  }
0x18: {  	s0 =	sld [smem:$0x3F9C];
	_ =	swait.ge [sflag:s4], $0x0  }
0x19: {  	s7 =	sld [smem:$0x3F9D]  }
0x1a: {  	s8 =	sadd.s32 $0xFFFFE003, lr  }
0x1b: {  	s9 =	sadd.s32 $0xFFFFFEF7, lr;
	s5 =	simm.s32 $0xFFFFFFFF;
	p2 =	slt.u32 s8, $0xFFFFF086  }
0x1c: {  	p1 =	slt.u32 s9, $0xF7A;
	s5 =	simm.s32 @!p2 $0x0  }
0x1d: {  	s5 =	simm.s32 @p1 $0x1;
	p0 =	seq.s32 s7, s2  }
0x1e: {  	s7 =	smul.u32 @!p0 $0xF7A, s2;
	p2 =	seq.s32 @!p0 s5, $0x0  }
0x1f: {  	s9 =	smul.u32 $0xF7A, s1;
	s8 =	simm.s32 @!p0 $0x1BF5;
	p2 =	por !p2, p0  }
0x20: {  	[sflag:s8] =	ssyncset.s32 @!p0 $0xFFFFF086;
	s6 =	sadd.s32 @!p0 s3, s7;
	s7 =	simm.s32 @!p0 $0x108  }
0x21: {  	s3 =	sadd.s32 s3, s9;
	s6 =	sadd.s32 @!p0 $0x88, s6;
	s7 =	simm.s32 @p2 $0x1082  }
0x22: {  	[simem:s7], [sflag:s8] =	dma.local @!p0 [hbm:s6], $0xF7A  }
0x23: {  	s9 =	sor.u32 $0xD0000000, s2;
	s6 =	simm.s32 $0x108;
	_ =	swait.ge @!p0 [sflag:s8], $0x0  }
0x24: {  	s3 =	sadd.s32 $0x88, s3;
	s6 =	simm.s32 @!p1 $0x1082;
	[sflag:s4] =	ssyncset.s32 $0xFFFFF086  }
0x25: {  	[simem:s6], [sflag:s4] =	dma.local [hbm:s3], $0xF7A  }
0x26: {  	[smem:$0x3F9D] =	sst s1;
	(tag) =	ssettag s2;
	_ =	strace s9  }
0x27: {  	s1 =	sld [smem:$0x3FAD]  }
0x28: {  	s2 =	sld [smem:$0x3FAE]  }
0x29: {  	s4 =	sld [smem:$0x3FB0]  }
0x2a: {  	p0 =	seq.s32 s5, $0x0;
	s5 =	sld [smem:$0x3FB1]  }
0x2b: {  	s6 =	sld [smem:$0x3FB2]  }
0x2c: {  	s7 =	sld [smem:$0x3FB3]  }
0x2d: {  	s3 =	simm.s32 $0x108;
	s8 =	sld [smem:$0x3FB4]  }
0x2e: {  	s3 =	simm.s32 @!p0 $0x1082;
	s9 =	sld [smem:$0x3FB5]  }
0x2f: {  	lr =	sadd.s32 s0, s3;
	s0 =	sld [smem:$0x3FAC]  }
0x30: {  	s3 =	sld [smem:$0x3FAF]  }
0x31: {  	[smem:$0x3FB8] =	sst s10  }
0x32: {  	s10 =	sld [smem:$0x3FB6];
	_ =	sdelay $0x3  }
0x33: {  	p0 =	seq.s32 s10, $0x1;
	s10 =	sld [smem:$0x3FB8];
	_ =	sdelay $0x3  }
0x34: {  	[smem:$0x3FB8] =	sst s10  }
0x35: {  	s10 =	sld [smem:$0x3FB7];
	_ =	sdelay $0x3  }
0x36: {  	p1 =	seq.s32 s10, $0x1;
	s10 =	sld [smem:$0x3FB8];
	_ =	sdelay $0x3  }
0x37: {  	[smem:$0x3FB8] =	sst s10  }
0x38: {  	s10 =	sld [smem:$0x3FB9]  }
0x39: {  	_ = 	snop;
	(pc) =	sbr.ind lr, $3  }
0x3a: {  	_ = 	snop  }
0x3b: {  	_ = 	snop  }
0x3c: {  	p2 =	seq.s32 s10, $0x1;
	s10 =	sld [smem:$0x3FB8]  }
0x3d: {  	_ =	shalt  }
0x3e: {  	_ =	shalt  }
0x3f: {  	_ =	shalt  }
0x40: {  	_ =	shalt  }
0x41: {  	_ =	shalt  }
0x42: {  	_ =	shalt  }
0x43: {  	_ =	shalt  }
0x44: {  	_ =	shalt  }
0x45: {  	_ =	shalt  }
0x46: {  	_ =	shalt  }
0x47: {  	_ =	shalt  }
0x48: {  	_ =	shalt  }
0x49: {  	_ =	shalt  }
0x4a: {  	_ =	shalt  }
0x4b: {  	_ =	shalt  }
0x4c: {  	_ =	shalt  }
0x4d: {  	_ =	shalt  }
0x4e: {  	_ =	shalt  }
0x4f: {  	_ =	shalt  }
0x50: {  	_ =	shalt  }
0x51: {  	_ =	shalt  }
0x52: {  	_ =	shalt  }
0x53: {  	_ =	shalt  }
0x54: {  	_ =	shalt  }
0x55: {  	_ =	shalt  }
0x56: {  	_ =	shalt  }
0x57: {  	_ =	shalt  }
0x58: {  	_ =	shalt  }
0x59: {  	_ =	shalt  }
0x5a: {  	_ =	shalt  }
0x5b: {  	_ =	shalt  }
0x5c: {  	_ =	shalt  }
0x5d: {  	_ =	shalt  }
0x5e: {  	_ =	shalt  }
0x5f: {  	_ =	shalt  }
0x60: {  	_ =	shalt  }
0x61: {  	_ =	shalt  }
0x62: {  	_ =	shalt  }
0x63: {  	_ =	shalt  }
0x64: {  	_ =	shalt  }
0x65: {  	_ =	shalt  }
0x66: {  	_ =	shalt  }
0x67: {  	_ =	shalt  }
0x68: {  	_ =	shalt  }
0x69: {  	_ =	shalt  }
0x6a: {  	_ =	shalt  }
0x6b: {  	_ =	shalt  }
0x6c: {  	_ =	shalt  }
0x6d: {  	_ =	shalt  }
0x6e: {  	_ =	shalt  }
0x6f: {  	_ =	shalt  }
0x70: {  	_ =	shalt  }
0x71: {  	_ =	shalt  }
0x72: {  	_ =	shalt  }
0x73: {  	_ =	shalt  }
0x74: {  	_ =	shalt  }
0x75: {  	_ =	shalt  }
0x76: {  	_ =	shalt  }
0x77: {  	_ =	shalt  }
0x78: {  	_ =	shalt  }
0x79: {  	_ =	shalt  }
0x7a: {  	_ =	shalt  }
0x7b: {  	_ =	shalt  }
0x7c: {  	_ =	shalt  }
0x7d: {  	_ =	shalt  }
0x7e: {  	_ =	shalt  }
0x7f: {  	_ =	shalt  }
0x80: {  	_ =	shalt  }
0x81: {  	_ =	shalt  }
0x82: {  	_ =	shalt  }
0x83: {  	_ =	shalt  }
0x84: {  	_ =	shalt  }
0x85: {  	_ =	shalt  }
0x86: {  	_ =	shalt  }
0x87: {  	_ =	shalt  }
.Lfunc_end0:
.L_simem_size_0:
called_computation_lowered:
.L_overlay_start_0:
0x88: {  	s2 =	sld [smem:$0x3FD9]  }
0x89: {  	s3 =	sld [smem:$0x3FFE];
	_ =	sdelay $0x1  }
0x8a: {  	s1 =	srdreg.scid  }
0x8b: {  	s0 =	sand.u32 $0x1, s1  }
0x8c: {  	s17 =	sshll.u32 s0, $0xA;
	s2 =	sadd.s32 s3, s2  }
0x8d: {  	s2 =	sadd.s32 s2, s17  }
0x8e: {  	[smem:$0x3FC4] =	sst s2  }
0x8f: {  	_ = 	snop  }
0x90: {  	s2 =	sld [smem:$0x3FC9]  }
0x91: {  	s18 =	sld [smem:$0x3FC8];
	(tm) =	ssettm $0x1  }
0x92: {  	s4 =	sld [smem:$0x3FFB];
	_ =	sdelay $0x3  }
0x93: {  	_ =	strace s4  }
0x94: {  	s4 =	sld [smem:$0x3FFC];
	_ =	sdelay $0x3  }
0x95: {  	_ =	strace s4  }
0x96: {  	s4 =	sld [smem:$0x3FFD];
	_ =	sdelay $0x3  }
0x97: {  	_ =	strace s4  }
0x98: {  	_ =	strace $0x8FFFFFFF  }
0x99: {  	s19 =	sld [smem:$0x3FDB];
	_ =	sdelay $0x1  }
0x9a: {  	s5 =	simm.s32 $_scs_section_size  }
0x9b: {  	s6 =	simm.s32 $_size__tile_overlayer_lowered;
	s7 =	simm.s32 $_tile_overlayer_lowered  }
0x9c: {  	s22 =	simm.s32 $0x1BFF;
	s21 =	sshll.u32 s7, $0x1;
	s4 =	sadd.s32 s5, s19  }
0x9d: {  	s8 =	simm.s32 $0x0;
	s20 =	sshll.u32 s6, $0x1;
	s6 =	sadd.s32 s21, s4  }
0x9e: {  	[timem:s8], [sflag:s22] =	dma.local [hbm:s6], s20  }
0x9f: {  	_ =	swait.ge [sflag:s22], s20  }
0xa0: {  	s5 =	ssub.s32 $0x0, s20;
	[sflag:s22] =	ssyncset.done $0x0  }
0xa1: {  	[sflag:s22] =	ssyncadd.s32 s5;
	_ =	sdelay $0x1  }
0xa2: {  	s23 =	simm.s32 $0x1B8B  }
0xa3: {  	_ =	swait.ge [sflag:s23], $0x1  }
0xa4: {  	[sflag:s23] =	ssyncset.done $0x0  }
0xa5: {  	s25 =	simm.s32 $0x1B8E;
	s24 =	sld [smem:$0x3FFE];
	[sflag:s23] =	ssyncadd.s32 $0xFFFFFFFF  }
0xa6: {  	s26 =	simm.s32 $execute0_lowered;
	[smem:$0x3FD2] =	sst s25  }
0xa7: {  	s6 =	sshll.u32 s26, $0x1;
	_ =	strace $0x80000046;
	[dreg:$0x1] =	wrdreg $0xFFFFFFFF  }
0xa8: {  	s28 =	simm.s32 $_size_execute0_lowered;
	s4 =	sadd.s32 s4, s6;
	[dreg:$0x0] =	wrdreg $0x0  }
0xa9: {  	s6 =	sshll.u32 s28, $0x1;
	[dreg:$0x2] =	wrdreg s4  }
0xaa: {  	[dreg:$0x3] =	wrdreg s6  }
0xab: {  	[dreg:$0x4] =	wrdreg $0xC0  }
0xac: {  	_ =	task [dreg:s8], $0x5FFFF  }
0xad: {  	[dreg:$0x1] =	wrdreg $0xFFFFFFFF  }
0xae: {  	[dreg:$0x0] =	wrdreg $0x60  }
0xaf: {  	[dreg:$0x2] =	wrdreg s2  }
0xb0: {  	[dreg:$0x3] =	wrdreg s18  }
0xb1: {  	[dreg:$0x4] =	wrdreg s24  }
0xb2: {  	[dreg:$0x5] =	wrdreg $0x9  }
0xb3: {  	_ =	task.clear_ibuf [dreg:s8], $0x6FFFF;
	_ =	strace $0x90000046  }
0xb4: {  	s29 =	simm.s32 $0x9;
	_ =	strace $0x80000048  }
0xb5: {  	_ =	swait.ge [sflag:s29], $0x1  }
0xb6: {  	[sflag:s29] =	ssyncadd.s32 $0xFFFFFFFF  }
0xb7: {  	_ =	strace $0x90000048  }
0xb8: {  	_ =	sfence  }
0xb9: {  	s30 =	sld [smem:$0x0];
	_ =	sdelay $0x2  }
0xba: {  	s31 =	sshll.u32 s1, $0xD;
	s1 =	sshrl.u32 s1, $0x2  }
0xbb: {  	s3 =	sand.u32 $0x4000, s31;
	s1 =	sadd.s32 s1, s30  }
0xbc: {  	s0 =	sor.u32 s3, s0;
	s1 =	sshll.u32 s1, $0x11  }
0xbd: {  	s0 =	sor.u32 s1, s0  }
0xbe: {  	s0 =	sadd.s32 $0x8F2B, s0  }
0xbf: {  	[sflag:s0] =	ssyncadd.remote.s32 $0x1  }
0xc0: {  	_ =	sfence.sel $0xFFFF  }
0xc1: {  	[dreg:$0x0] =	wrdreg $0xFFFFFFFF;
	(pc) =	sbr.abs _section_cstart, $3  }
0xc2: {  	[dreg:$0x1] =	wrdreg $0xFFFFFFFF  }
0xc3: {  	_ =	task.clear_ibuf [dreg:s8], $0x2FFFF;
	_ =	strace $0x9FFFFFFF  }
0xc4: {  	(tm) =	ssettm $0x7FFFFFFF  }
0xc5: {  	_ =	shalt  }
tec
execute0_lowered:
.L_overlay_start_1:
0x0: {  	(tag) =	ssettag $0x1  }
0x1: {  	s0 =	rddreg [dreg:$0x0]  }
0x2: {  	s6 =	rddreg [dreg:$0x1]  }
0x3: {  	s5 =	rddreg [dreg:$0x2];
	s1 =	simm.s32 $0x0  }
0x4: {  	s7 =	srdreg.scid;
	s2 =	stileid.u32;
	s14 =	simm.s32 $0x1  }
0x5: {  	s16 =	simm.s32 $0x2;
	s18 =	simm.s32 $0x0;
	s7 =	sand.u32 $0x1, s7  }
0x6: {  	s10 =	sshll.u32 s2, $0xA;
	s8 =	ssub.s32 $0x2, s7;
	s7 =	sshll.u32 s7, $0x9  }
0x7: {  	[smem:$0x7FF] =	sst s1;
	s3 =	sadd.s32 $0x800, s5;
	s7 =	sor.u32 s7, s10  }
0x8: {  	s4 =	sadd.s32 $0xF42C00, s5;
	s9 =	sadd.s32 $0x1E85000, s5;
	s26 =	sshrl.u32 s7, $0x3  }
0x9: {  	s11 =	sadd.s32 $0x1EC5000, s5;
	_ =	strace $0x80000047;
	s0 =	sadd.s32 s0, s26  }
0xa: {  	s10 =	sshll.u32 s7, $0x4;
	s28 =	sadd.s32 s6, s26;
	[dreg:$0x4] =	wrdreg s0  }
0xb: {  	s25 =	sshrl.u32 s8, $0x1;
	s30 =	sadd.s32 s9, s10;
	[dreg:$0x5] =	wrdreg s28  }
0xc: {  	s29 =	sor.u32 $0x1000, s10;
	s31 =	sadd.s32 s11, s10;
	[dreg:$0x6] =	wrdreg s30  }
0xd: {  	s12 =	ssub.s32 s8, s25;
	[dreg:$0x7] =	wrdreg s31;
	s9 =	sadd.s32 s9, s29  }
0xe: {  	s10 =	sadd.s32 s11, s29;
	s11 =	smax.u32 s12, $0x1;
	s12 =	simm.s32 $0x3  }
.LBB2_1:
0xf: {  	s0 =	rddreg [dreg:$0x4]  }
0x10: {  	[tilespmem:s1], [sflag:$0x3] =	stream.linear.gather [hbm4b:s0+s1], $0x200, $0x38;
	[tilespmem:$0x10400] =	vst v63  }
0x11: {  	_ =	swait.ge [sflag:s12], $0x200  }
0x12: {  	[sflag:s12] =	ssyncset.done $0x0  }
0x13: {  	s2 =	simm.s32 $0x200;
	s31 =	rddreg [dreg:$0x5];
	[sflag:s12] =	ssyncadd.s32 $0xFFFFFE00  }
0x14: {  	[tilespmem:s2], [sflag:$0x3] =	stream.linear.gather [hbm4b:s31+s1], $0x200, $0x38;
	[tilespmem:$0x10400] =	vst v63  }
0x15: {  	_ =	swait.ge [sflag:s12], $0x200  }
0x16: {  	[sflag:s12] =	ssyncset.done $0x0  }
0x17: {  	[sflag:s12] =	ssyncadd.s32 $0xFFFFFE00  }
0x18: {  	v0 =	vld [tilespmem:s1+$0x0];
	_ =	sdelay $0x4  }
0x19: {  	v0 =	vshll.u32 v0, $0x4  }
0x1a: {  	(v2sf) =	vpush v0, $0x0  }
0x1b: {  	(v2sf) =	vpush v0, $0x1  }
0x1c: {  	(v2sf) =	vpush v0, $0x2;
	_ =	sdelay $0x1  }
0x1d: {  	(v2sf) =	vpush v0, $0x4;
	_ =	sdelay $0x1  }
0x1e: {  	(v2sf) =	vpush v0, $0x3  }
0x1f: {  	(v2sf) =	vpush v0, $0x5  }
0x20: {  	s21 =	simm.s32 $0x2000;
	s20 =	simm.s32 $0x0;
	s22 =	simm.s32 $0x0;
	(v2sf) =	vpush v0, $0x6  }
.LBB2_2:
0x21: {  	p0 =	sne.s32 s21, $0x1E000  }
0x22: {  	s2 =	sadd.s32 $0x480, s20;
	s26 =	sadd.s32 $0x980, s20;
	s23 =	smov.u32 s21  }
0x23: {  	s21 =	sadd.s32 $0x2000, s21;
	s30 =	sadd.s32 $0x780, s20;
	s24 =	sadd.s32 $0xA00, s20;
	(v2sf) =	vpush v0, $0x7  }
0x24: {  	s0 =	sadd.s32 $0x680, s20;
	s28 =	sadd.s32 $0x800, s20;
	s25 =	sadd.s32 $0xA80, s20  }
0x25: {  	s13 =	sadd.s32 $0x400, s20;
	s15 =	sadd.s32 $0x600, s20;
	(v2sf) =	vpush v0, $0x8  }
0x26: {  	s19 =	simm.s32 $0x0;
	s17 =	sadd.s32 $0x700, s20;
	s22 =	sadd.s32 $0x10, s22  }
0x27: {  	s5 =	sadd.s32 $0x500, s20;
	s29 =	sadd.s32 $0x900, s20;
	s31 =	spop (v2sf);
	(v2sf) =	vpush v0, $0x9  }
0x28: {  	s6 =	sand.u32 $0x1FFFFFF0, s31;
	s31 =	sadd.s32 $0x880, s20;
	s7 =	spop (v2sf)  }
0x29: {  	s6 =	sadd.s32 s3, s6;
	s7 =	sand.u32 $0x1FFFFFF0, s7;
	s8 =	spop (v2sf);
	(v2sf) =	vpush v0, $0xA  }
0x2a: {  	[tilespmem:s13], [sflag:$0x1] =	stream.linear.gather [hbm4b:s6+s19], $0x80, $0x38;
	[tilespmem:$0x10400] =	vst v63  }
0x2b: {  	s6 =	sadd.s32 s3, s7;
	s7 =	sadd.s32 $0x580, s20;
	s13 =	spop (v2sf);
	(v2sf) =	vpush v0, $0xB  }
0x2c: {  	[tilespmem:s2], [sflag:$0x1] =	stream.linear.gather [hbm4b:s6+s19], $0x80, $0x38;
	[tilespmem:$0x10400] =	vst v63  }
0x2d: {  	s2 =	sand.u32 $0x1FFFFFF0, s8;
	s6 =	sand.u32 $0x1FFFFFF0, s13;
	s8 =	spop (v2sf);
	(v2sf) =	vpush v0, $0xC  }
0x2e: {  	s2 =	sadd.s32 s3, s2;
	s8 =	sand.u32 $0x1FFFFFF0, s8;
	s13 =	spop (v2sf)  }
0x2f: {  	[tilespmem:s5], [sflag:$0x1] =	stream.linear.gather [hbm4b:s2+s19], $0x80, $0x38;
	(v2sf) =	vpush v0, $0xD;
	[tilespmem:$0x10400] =	vst v63  }
0x30: {  	s2 =	sadd.s32 s3, s8;
	s5 =	sand.u32 $0x1FFFFFF0, s13;
	s8 =	spop (v2sf)  }
0x31: {  	[tilespmem:s7], [sflag:$0x1] =	stream.linear.gather [hbm4b:s2+s19], $0x80, $0x38;
	(v2sf) =	vpush v0, $0xE;
	[tilespmem:$0x10400] =	vst v63  }
0x32: {  	s2 =	sadd.s32 s3, s6;
	s6 =	sand.u32 $0x1FFFFFF0, s8;
	s7 =	spop (v2sf)  }
0x33: {  	[tilespmem:s15], [sflag:$0x1] =	stream.linear.gather [hbm4b:s2+s19], $0x80, $0x38;
	(v2sf) =	vpush v0, $0xF;
	[tilespmem:$0x10400] =	vst v63  }
0x34: {  	s2 =	sadd.s32 s3, s5;
	s5 =	sand.u32 $0x1FFFFFF0, s7;
	s7 =	spop (v2sf)  }
0x35: {  	[tilespmem:s0], [sflag:$0x1] =	stream.linear.gather [hbm4b:s2+s19], $0x80, $0x38;
	[tilespmem:$0x10400] =	vst v63  }
0x36: {  	s0 =	sadd.s32 s3, s6;
	s2 =	sand.u32 $0x1FFFFFF0, s7;
	s6 =	spop (v2sf)  }
0x37: {  	[tilespmem:s17], [sflag:$0x1] =	stream.linear.gather [hbm4b:s0+s19], $0x80, $0x38;
	[tilespmem:$0x10400] =	vst v63  }
0x38: {  	s0 =	sadd.s32 s3, s5;
	s5 =	sand.u32 $0x1FFFFFF0, s6;
	s6 =	spop (v2sf)  }
0x39: {  	[tilespmem:s30], [sflag:$0x1] =	stream.linear.gather [hbm4b:s0+s19], $0x80, $0x38;
	[tilespmem:$0x10400] =	vst v63  }
0x3a: {  	s0 =	sadd.s32 s3, s2;
	s2 =	sand.u32 $0x1FFFFFF0, s6;
	s6 =	spop (v2sf)  }
0x3b: {  	[tilespmem:s28], [sflag:$0x1] =	stream.linear.gather [hbm4b:s0+s19], $0x80, $0x38;
	[tilespmem:$0x10400] =	vst v63  }
0x3c: {  	s0 =	sadd.s32 s3, s5;
	s5 =	sand.u32 $0x1FFFFFF0, s6;
	s6 =	spop (v2sf)  }
0x3d: {  	[tilespmem:s31], [sflag:$0x1] =	stream.linear.gather [hbm4b:s0+s19], $0x80, $0x38;
	[tilespmem:$0x10400] =	vst v63  }
0x3e: {  	s0 =	sadd.s32 s3, s2;
	s2 =	sand.u32 $0x1FFFFFF0, s6;
	s6 =	spop (v2sf)  }
0x3f: {  	[tilespmem:s29], [sflag:$0x1] =	stream.linear.gather [hbm4b:s0+s19], $0x80, $0x38;
	[tilespmem:$0x10400] =	vst v63  }
0x40: {  	s0 =	sadd.s32 s3, s5;
	s5 =	sand.u32 $0x1FFFFFF0, s6;
	s6 =	spop (v2sf)  }
0x41: {  	[tilespmem:s26], [sflag:$0x1] =	stream.linear.gather [hbm4b:s0+s19], $0x80, $0x38;
	[tilespmem:$0x10400] =	vst v63  }
0x42: {  	s0 =	sadd.s32 s3, s2;
	s2 =	sand.u32 $0x1FFFFFF0, s6;
	s6 =	spop (v2sf)  }
0x43: {  	[tilespmem:s24], [sflag:$0x1] =	stream.linear.gather [hbm4b:s0+s19], $0x80, $0x38;
	[tilespmem:$0x10400] =	vst v63  }
0x44: {  	s0 =	sadd.s32 s3, s5;
	s5 =	sand.u32 $0x1FFFFFF0, s6  }
0x45: {  	[tilespmem:s25], [sflag:$0x1] =	stream.linear.gather [hbm4b:s0+s19], $0x80, $0x38;
	[tilespmem:$0x10400] =	vst v63  }
0x46: {  	s2 =	sadd.s32 s3, s2;
	s0 =	sadd.s32 $0xB00, s20  }
0x47: {  	[tilespmem:s0], [sflag:$0x1] =	stream.linear.gather [hbm4b:s2+s19], $0x80, $0x38;
	[tilespmem:$0x10400] =	vst v63  }
0x48: {  	s0 =	sadd.s32 $0xB80, s20;
	s2 =	sadd.s32 s3, s5  }
0x49: {  	[tilespmem:s0], [sflag:$0x1] =	stream.linear.gather [hbm4b:s2+s19], $0x80, $0x38;
	[tilespmem:$0x10400] =	vst v63  }
0x4a: {  	v0 =	vld [tilespmem:s22+$0x0];
	_ =	sdelay $0x4  }
0x4b: {  	v0 =	vshll.u32 v0, $0x4  }
0x4c: {  	(v2sf) =	vpush v0, $0x0  }
0x4d: {  	(v2sf) =	vpush v0, $0x1  }
0x4e: {  	(v2sf) =	vpush v0, $0x2;
	_ =	sdelay $0x1  }
0x4f: {  	(v2sf) =	vpush v0, $0x4  }
.Ltmp0:
0x50: {  	(pc) =	sbr.rel @p0 .LBB2_2-.Ltmp0, $3  }
0x51: {  	(v2sf) =	vpush v0, $0x3  }
0x52: {  	(v2sf) =	vpush v0, $0x5;
	_ =	sdelay $0x1  }
0x53: {  	s20 =	sshra.s32 s23, $0x2;
	(v2sf) =	vpush v0, $0x6  }
0x54: {  	_ =	sdelay $0x1  }
0x55: {  	s0 =	sadd.s32 $0x480, s20;
	s23 =	sadd.s32 $0x980, s20  }
0x56: {  	s2 =	sadd.s32 $0x780, s20;
	s21 =	sadd.s32 $0xA00, s20;
	(v2sf) =	vpush v0, $0x7;
	s5 =	sadd.s32 $0x680, s20  }
0x57: {  	s6 =	sadd.s32 $0x800, s20;
	s22 =	sadd.s32 $0xA80, s20;
	s7 =	sadd.s32 $0x400, s20  }
0x58: {  	s8 =	sadd.s32 $0x600, s20;
	s13 =	sadd.s32 $0x700, s20;
	(v2sf) =	vpush v0, $0x8;
	s15 =	spop (v2sf)  }
0x59: {  	s17 =	sadd.s32 $0x500, s20;
	s15 =	sand.u32 $0x1FFFFFF0, s15;
	s24 =	spop (v2sf)  }
0x5a: {  	(v2sf) =	vpush v0, $0x9;
	s15 =	sadd.s32 s3, s15;
	s24 =	sand.u32 $0x1FFFFFF0, s24;
	s25 =	spop (v2sf)  }
0x5b: {  	[tilespmem:s7], [sflag:$0x1] =	stream.linear.gather [hbm4b:s15+s19], $0x80, $0x38;
	[tilespmem:$0x10400] =	vst v63  }
0x5c: {  	(v2sf) =	vpush v0, $0xA;
	s26 =	sadd.s32 s3, s24;
	s29 =	sand.u32 $0x1FFFFFF0, s25;
	s28 =	spop (v2sf)  }
0x5d: {  	[tilespmem:s0], [sflag:$0x1] =	stream.linear.gather [hbm4b:s26+s19], $0x80, $0x38;
	[tilespmem:$0x10400] =	vst v63  }
0x5e: {  	s7 =	sadd.s32 $0x900, s20;
	(v2sf) =	vpush v0, $0xB;
	s15 =	sadd.s32 s3, s29;
	s30 =	spop (v2sf)  }
0x5f: {  	s0 =	sadd.s32 $0x880, s20;
	s26 =	sadd.s32 $0x580, s20;
	s25 =	sand.u32 $0x1FFFFFF0, s30  }
0x60: {  	(v2sf) =	vpush v0, $0xC;
	[tilespmem:s17], [sflag:$0x1] =	stream.linear.gather [hbm4b:s15+s19], $0x80, $0x38;
	[tilespmem:$0x10400] =	vst v63  }
0x61: {  	s31 =	sand.u32 $0x1FFFFFF0, s28;
	s28 =	spop (v2sf);
	s29 =	sadd.s32 s3, s25  }
0x62: {  	(v2sf) =	vpush v0, $0xD;
	[tilespmem:s26], [sflag:$0x1] =	stream.linear.gather [hbm4b:s29+s19], $0x80, $0x38;
	[tilespmem:$0x10400] =	vst v63  }
0x63: {  	s15 =	sadd.s32 s3, s31;
	s17 =	sand.u32 $0x1FFFFFF0, s28;
	s30 =	spop (v2sf)  }
0x64: {  	(v2sf) =	vpush v0, $0xE;
	[tilespmem:s8], [sflag:$0x1] =	stream.linear.gather [hbm4b:s15+s19], $0x80, $0x38;
	[tilespmem:$0x10400] =	vst v63  }
0x65: {  	s17 =	sadd.s32 s3, s17;
	s31 =	sand.u32 $0x1FFFFFF0, s30;
	s24 =	spop (v2sf)  }
0x66: {  	(v2sf) =	vpush v0, $0xF;
	[tilespmem:s5], [sflag:$0x1] =	stream.linear.gather [hbm4b:s17+s19], $0x80, $0x38;
	[tilespmem:$0x10400] =	vst v63  }
0x67: {  	s25 =	sand.u32 $0x1FFFFFF0, s24;
	s26 =	spop (v2sf);
	s8 =	sadd.s32 s3, s31  }
0x68: {  	[tilespmem:s13], [sflag:$0x1] =	stream.linear.gather [hbm4b:s8+s19], $0x80, $0x38;
	[tilespmem:$0x10400] =	vst v63  }
0x69: {  	s28 =	sand.u32 $0x1FFFFFF0, s26;
	s5 =	sadd.s32 s3, s25;
	s29 =	spop (v2sf)  }
0x6a: {  	[tilespmem:s2], [sflag:$0x1] =	stream.linear.gather [hbm4b:s5+s19], $0x80, $0x38;
	[tilespmem:$0x10400] =	vst v63  }
0x6b: {  	s8 =	sadd.s32 s3, s28;
	s30 =	sand.u32 $0x1FFFFFF0, s29;
	s31 =	spop (v2sf)  }
0x6c: {  	[tilespmem:s6], [sflag:$0x1] =	stream.linear.gather [hbm4b:s8+s19], $0x80, $0x38;
	[tilespmem:$0x10400] =	vst v63  }
0x6d: {  	s5 =	sand.u32 $0x1FFFFFF0, s31;
	s2 =	sadd.s32 s3, s30;
	s8 =	spop (v2sf)  }
0x6e: {  	[tilespmem:s0], [sflag:$0x1] =	stream.linear.gather [hbm4b:s2+s19], $0x80, $0x38;
	[tilespmem:$0x10400] =	vst v63  }
0x6f: {  	s5 =	sadd.s32 s3, s5;
	s13 =	sand.u32 $0x1FFFFFF0, s8;
	s15 =	spop (v2sf)  }
0x70: {  	[tilespmem:s7], [sflag:$0x1] =	stream.linear.gather [hbm4b:s5+s19], $0x80, $0x38;
	[tilespmem:$0x10400] =	vst v63  }
0x71: {  	s0 =	sadd.s32 s3, s13;
	s2 =	sand.u32 $0x1FFFFFF0, s15;
	s17 =	spop (v2sf)  }
0x72: {  	[tilespmem:s23], [sflag:$0x1] =	stream.linear.gather [hbm4b:s0+s19], $0x80, $0x38;
	[tilespmem:$0x10400] =	vst v63  }
0x73: {  	s24 =	sand.u32 $0x1FFFFFF0, s17;
	s2 =	sadd.s32 s3, s2;
	s25 =	spop (v2sf)  }
0x74: {  	[tilespmem:s21], [sflag:$0x1] =	stream.linear.gather [hbm4b:s2+s19], $0x80, $0x38;
	[tilespmem:$0x10400] =	vst v63  }
0x75: {  	s26 =	sand.u32 $0x1FFFFFF0, s25;
	s28 =	spop (v2sf);
	s0 =	sadd.s32 s3, s24  }
0x76: {  	[tilespmem:s22], [sflag:$0x1] =	stream.linear.gather [hbm4b:s0+s19], $0x80, $0x38;
	[tilespmem:$0x10400] =	vst v63  }
0x77: {  	s30 =	sadd.s32 $0xB00, s20;
	s29 =	sand.u32 $0x1FFFFFF0, s28;
	s2 =	sadd.s32 s3, s26  }
0x78: {  	[tilespmem:s30], [sflag:$0x1] =	stream.linear.gather [hbm4b:s2+s19], $0x80, $0x38;
	[tilespmem:$0x10400] =	vst v63  }
0x79: {  	s31 =	sadd.s32 $0xB80, s20;
	s20 =	simm.s32 $0x200;
	s0 =	sadd.s32 s3, s29  }
0x7a: {  	[tilespmem:s31], [sflag:$0x1] =	stream.linear.gather [hbm4b:s0+s19], $0x80, $0x38;
	[tilespmem:$0x10400] =	vst v63  }
0x7b: {  	v0 =	vld [tilespmem:s20+$0x0];
	_ =	sdelay $0x4  }
0x7c: {  	v0 =	vshll.u32 v0, $0x4  }
0x7d: {  	(v2sf) =	vpush v0, $0x0  }
0x7e: {  	(v2sf) =	vpush v0, $0x1  }
0x7f: {  	(v2sf) =	vpush v0, $0x2;
	_ =	sdelay $0x1  }
0x80: {  	(v2sf) =	vpush v0, $0x4;
	_ =	sdelay $0x1  }
0x81: {  	(v2sf) =	vpush v0, $0x3  }
0x82: {  	(v2sf) =	vpush v0, $0x5  }
0x83: {  	s21 =	simm.s32 $0x2000;
	s19 =	simm.s32 $0x0;
	(v2sf) =	vpush v0, $0x6  }
.LBB2_4:
0x84: {  	p0 =	sne.s32 s21, $0x1E000  }
0x85: {  	s2 =	sadd.s32 $0x8480, s19;
	s25 =	sadd.s32 $0x8980, s19;
	s22 =	smov.u32 s21  }
0x86: {  	s21 =	sadd.s32 $0x2000, s21;
	s29 =	sadd.s32 $0x8780, s19;
	s23 =	sadd.s32 $0x8A00, s19;
	(v2sf) =	vpush v0, $0x7  }
0x87: {  	s0 =	sadd.s32 $0x8680, s19;
	s28 =	sadd.s32 $0x8800, s19;
	s24 =	sadd.s32 $0x8A80, s19  }
0x88: {  	s5 =	sadd.s32 $0x8400, s19;
	s6 =	sadd.s32 $0x8600, s19;
	(v2sf) =	vpush v0, $0x8  }
0x89: {  	s7 =	sadd.s32 $0x8700, s19;
	s20 =	sadd.s32 $0x10, s20  }
0x8a: {  	s8 =	sadd.s32 $0x8500, s19;
	s26 =	sadd.s32 $0x8900, s19;
	s13 =	spop (v2sf);
	(v2sf) =	vpush v0, $0x9  }
0x8b: {  	s30 =	sadd.s32 $0x8880, s19;
	s13 =	sand.u32 $0x1FFFFFF0, s13;
	s15 =	spop (v2sf)  }
0x8c: {  	s13 =	sadd.s32 s4, s13;
	s15 =	sand.u32 $0x1FFFFFF0, s15;
	s17 =	spop (v2sf);
	(v2sf) =	vpush v0, $0xA  }
0x8d: {  	[tilespmem:s5], [sflag:$0x2] =	stream.linear.gather [hbm4b:s13+s1], $0x80, $0x38;
	[tilespmem:$0x10400] =	vst v63  }
0x8e: {  	s5 =	sadd.s32 s4, s15;
	s13 =	sadd.s32 $0x8580, s19;
	s15 =	spop (v2sf);
	(v2sf) =	vpush v0, $0xB  }
0x8f: {  	[tilespmem:s2], [sflag:$0x2] =	stream.linear.gather [hbm4b:s5+s1], $0x80, $0x38;
	[tilespmem:$0x10400] =	vst v63  }
0x90: {  	s2 =	sand.u32 $0x1FFFFFF0, s17;
	s5 =	sand.u32 $0x1FFFFFF0, s15;
	s15 =	spop (v2sf);
	(v2sf) =	vpush v0, $0xC  }
0x91: {  	s2 =	sadd.s32 s4, s2;
	s15 =	sand.u32 $0x1FFFFFF0, s15;
	s17 =	spop (v2sf)  }
0x92: {  	[tilespmem:s8], [sflag:$0x2] =	stream.linear.gather [hbm4b:s2+s1], $0x80, $0x38;
	(v2sf) =	vpush v0, $0xD;
	[tilespmem:$0x10400] =	vst v63  }
0x93: {  	s2 =	sadd.s32 s4, s15;
	s8 =	sand.u32 $0x1FFFFFF0, s17;
	s15 =	spop (v2sf)  }
0x94: {  	[tilespmem:s13], [sflag:$0x2] =	stream.linear.gather [hbm4b:s2+s1], $0x80, $0x38;
	(v2sf) =	vpush v0, $0xE;
	[tilespmem:$0x10400] =	vst v63  }
0x95: {  	s2 =	sadd.s32 s4, s5;
	s5 =	sand.u32 $0x1FFFFFF0, s15;
	s13 =	spop (v2sf)  }
0x96: {  	[tilespmem:s6], [sflag:$0x2] =	stream.linear.gather [hbm4b:s2+s1], $0x80, $0x38;
	(v2sf) =	vpush v0, $0xF;
	[tilespmem:$0x10400] =	vst v63  }
0x97: {  	s2 =	sadd.s32 s4, s8;
	s6 =	sand.u32 $0x1FFFFFF0, s13;
	s8 =	spop (v2sf)  }
0x98: {  	[tilespmem:s0], [sflag:$0x2] =	stream.linear.gather [hbm4b:s2+s1], $0x80, $0x38;
	[tilespmem:$0x10400] =	vst v63  }
0x99: {  	s0 =	sadd.s32 s4, s5;
	s2 =	sand.u32 $0x1FFFFFF0, s8;
	s5 =	spop (v2sf)  }
0x9a: {  	[tilespmem:s7], [sflag:$0x2] =	stream.linear.gather [hbm4b:s0+s1], $0x80, $0x38;
	[tilespmem:$0x10400] =	vst v63  }
0x9b: {  	s0 =	sadd.s32 s4, s6;
	s5 =	sand.u32 $0x1FFFFFF0, s5;
	s6 =	spop (v2sf)  }
0x9c: {  	[tilespmem:s29], [sflag:$0x2] =	stream.linear.gather [hbm4b:s0+s1], $0x80, $0x38;
	[tilespmem:$0x10400] =	vst v63  }
0x9d: {  	s0 =	sadd.s32 s4, s2;
	s2 =	sand.u32 $0x1FFFFFF0, s6;
	s6 =	spop (v2sf)  }
0x9e: {  	[tilespmem:s28], [sflag:$0x2] =	stream.linear.gather [hbm4b:s0+s1], $0x80, $0x38;
	[tilespmem:$0x10400] =	vst v63  }
0x9f: {  	s0 =	sadd.s32 s4, s5;
	s5 =	sand.u32 $0x1FFFFFF0, s6;
	s6 =	spop (v2sf)  }
0xa0: {  	[tilespmem:s30], [sflag:$0x2] =	stream.linear.gather [hbm4b:s0+s1], $0x80, $0x38;
	[tilespmem:$0x10400] =	vst v63  }
0xa1: {  	s0 =	sadd.s32 s4, s2;
	s2 =	sand.u32 $0x1FFFFFF0, s6;
	s6 =	spop (v2sf)  }
0xa2: {  	[tilespmem:s26], [sflag:$0x2] =	stream.linear.gather [hbm4b:s0+s1], $0x80, $0x38;
	[tilespmem:$0x10400] =	vst v63  }
0xa3: {  	s0 =	sadd.s32 s4, s5;
	s5 =	sand.u32 $0x1FFFFFF0, s6;
	s6 =	spop (v2sf)  }
0xa4: {  	[tilespmem:s25], [sflag:$0x2] =	stream.linear.gather [hbm4b:s0+s1], $0x80, $0x38;
	[tilespmem:$0x10400] =	vst v63  }
0xa5: {  	s0 =	sadd.s32 s4, s2;
	s2 =	sand.u32 $0x1FFFFFF0, s6;
	s6 =	spop (v2sf)  }
0xa6: {  	[tilespmem:s23], [sflag:$0x2] =	stream.linear.gather [hbm4b:s0+s1], $0x80, $0x38;
	[tilespmem:$0x10400] =	vst v63  }
0xa7: {  	s0 =	sadd.s32 s4, s5;
	s5 =	sand.u32 $0x1FFFFFF0, s6  }
0xa8: {  	[tilespmem:s24], [sflag:$0x2] =	stream.linear.gather [hbm4b:s0+s1], $0x80, $0x38;
	[tilespmem:$0x10400] =	vst v63  }
0xa9: {  	s2 =	sadd.s32 s4, s2;
	s0 =	sadd.s32 $0x8B00, s19  }
0xaa: {  	[tilespmem:s0], [sflag:$0x2] =	stream.linear.gather [hbm4b:s2+s1], $0x80, $0x38;
	[tilespmem:$0x10400] =	vst v63  }
0xab: {  	s0 =	sadd.s32 $0x8B80, s19;
	s2 =	sadd.s32 s4, s5  }
0xac: {  	[tilespmem:s0], [sflag:$0x2] =	stream.linear.gather [hbm4b:s2+s1], $0x80, $0x38;
	[tilespmem:$0x10400] =	vst v63  }
0xad: {  	v0 =	vld [tilespmem:s20+$0x0];
	_ =	sdelay $0x4  }
0xae: {  	v0 =	vshll.u32 v0, $0x4  }
0xaf: {  	(v2sf) =	vpush v0, $0x0  }
0xb0: {  	(v2sf) =	vpush v0, $0x1  }
0xb1: {  	(v2sf) =	vpush v0, $0x2;
	_ =	sdelay $0x1  }
0xb2: {  	(v2sf) =	vpush v0, $0x4  }
.Ltmp1:
0xb3: {  	(pc) =	sbr.rel @p0 .LBB2_4-.Ltmp1, $3  }
0xb4: {  	(v2sf) =	vpush v0, $0x3  }
0xb5: {  	(v2sf) =	vpush v0, $0x5;
	_ =	sdelay $0x1  }
0xb6: {  	s19 =	sshra.s32 s22, $0x2;
	(v2sf) =	vpush v0, $0x6  }
0xb7: {  	_ =	sdelay $0x1  }
0xb8: {  	s0 =	sadd.s32 $0x8480, s19;
	s22 =	sadd.s32 $0x8980, s19  }
0xb9: {  	s2 =	sadd.s32 $0x8780, s19;
	s20 =	sadd.s32 $0x8A00, s19;
	(v2sf) =	vpush v0, $0x7;
	s5 =	sadd.s32 $0x8680, s19  }
0xba: {  	s6 =	sadd.s32 $0x8800, s19;
	s21 =	sadd.s32 $0x8A80, s19;
	s7 =	sadd.s32 $0x8400, s19  }
0xbb: {  	s8 =	sadd.s32 $0x8600, s19;
	s13 =	sadd.s32 $0x8700, s19;
	(v2sf) =	vpush v0, $0x8;
	s15 =	spop (v2sf)  }
0xbc: {  	s17 =	sadd.s32 $0x8500, s19;
	s15 =	sand.u32 $0x1FFFFFF0, s15;
	s23 =	spop (v2sf)  }
0xbd: {  	(v2sf) =	vpush v0, $0x9;
	s15 =	sadd.s32 s4, s15;
	s23 =	sand.u32 $0x1FFFFFF0, s23;
	s24 =	spop (v2sf)  }
0xbe: {  	[tilespmem:s7], [sflag:$0x2] =	stream.linear.gather [hbm4b:s15+s1], $0x80, $0x38;
	[tilespmem:$0x10400] =	vst v63  }
0xbf: {  	s25 =	sadd.s32 $0x8580, s19;
	(v2sf) =	vpush v0, $0xA;
	s29 =	sadd.s32 s4, s23;
	s30 =	spop (v2sf)  }
0xc0: {  	[tilespmem:s0], [sflag:$0x2] =	stream.linear.gather [hbm4b:s29+s1], $0x80, $0x38;
	[tilespmem:$0x10400] =	vst v63  }
0xc1: {  	s7 =	sadd.s32 $0x8900, s19;
	s26 =	sand.u32 $0x1FFFFFF0, s24;
	(v2sf) =	vpush v0, $0xB;
	s28 =	spop (v2sf)  }
0xc2: {  	s15 =	sadd.s32 s4, s26;
	s0 =	sadd.s32 $0x8880, s19;
	s24 =	sand.u32 $0x1FFFFFF0, s28  }
0xc3: {  	(v2sf) =	vpush v0, $0xC;
	[tilespmem:s17], [sflag:$0x2] =	stream.linear.gather [hbm4b:s15+s1], $0x80, $0x38;
	[tilespmem:$0x10400] =	vst v63  }
0xc4: {  	s29 =	sand.u32 $0x1FFFFFF0, s30;
	s30 =	spop (v2sf);
	s26 =	sadd.s32 s4, s24  }
0xc5: {  	(v2sf) =	vpush v0, $0xD;
	[tilespmem:s25], [sflag:$0x2] =	stream.linear.gather [hbm4b:s26+s1], $0x80, $0x38;
	[tilespmem:$0x10400] =	vst v63  }
0xc6: {  	s15 =	sadd.s32 s4, s29;
	s17 =	sand.u32 $0x1FFFFFF0, s30;
	s28 =	spop (v2sf)  }
0xc7: {  	(v2sf) =	vpush v0, $0xE;
	[tilespmem:s8], [sflag:$0x2] =	stream.linear.gather [hbm4b:s15+s1], $0x80, $0x38;
	[tilespmem:$0x10400] =	vst v63  }
0xc8: {  	s17 =	sadd.s32 s4, s17;
	s29 =	sand.u32 $0x1FFFFFF0, s28;
	s30 =	spop (v2sf)  }
0xc9: {  	(v2sf) =	vpush v0, $0xF;
	[tilespmem:s5], [sflag:$0x2] =	stream.linear.gather [hbm4b:s17+s1], $0x80, $0x38;
	[tilespmem:$0x10400] =	vst v63  }
0xca: {  	s23 =	sand.u32 $0x1FFFFFF0, s30;
	s24 =	spop (v2sf);
	s8 =	sadd.s32 s4, s29  }
0xcb: {  	[tilespmem:s13], [sflag:$0x2] =	stream.linear.gather [hbm4b:s8+s1], $0x80, $0x38;
	[tilespmem:$0x10400] =	vst v63  }
0xcc: {  	s25 =	sand.u32 $0x1FFFFFF0, s24;
	s5 =	sadd.s32 s4, s23;
	s26 =	spop (v2sf)  }
0xcd: {  	[tilespmem:s2], [sflag:$0x2] =	stream.linear.gather [hbm4b:s5+s1], $0x80, $0x38;
	[tilespmem:$0x10400] =	vst v63  }
0xce: {  	s8 =	sadd.s32 s4, s25;
	s28 =	sand.u32 $0x1FFFFFF0, s26;
	s29 =	spop (v2sf)  }
0xcf: {  	[tilespmem:s6], [sflag:$0x2] =	stream.linear.gather [hbm4b:s8+s1], $0x80, $0x38;
	[tilespmem:$0x10400] =	vst v63  }
0xd0: {  	s5 =	sand.u32 $0x1FFFFFF0, s29;
	s2 =	sadd.s32 s4, s28;
	s30 =	spop (v2sf)  }
0xd1: {  	[tilespmem:s0], [sflag:$0x2] =	stream.linear.gather [hbm4b:s2+s1], $0x80, $0x38;
	[tilespmem:$0x10400] =	vst v63  }
0xd2: {  	s5 =	sadd.s32 s4, s5;
	s8 =	sand.u32 $0x1FFFFFF0, s30;
	s13 =	spop (v2sf)  }
0xd3: {  	[tilespmem:s7], [sflag:$0x2] =	stream.linear.gather [hbm4b:s5+s1], $0x80, $0x38;
	[tilespmem:$0x10400] =	vst v63  }
0xd4: {  	s0 =	sadd.s32 s4, s8;
	s2 =	sand.u32 $0x1FFFFFF0, s13;
	s15 =	spop (v2sf)  }
0xd5: {  	[tilespmem:s22], [sflag:$0x2] =	stream.linear.gather [hbm4b:s0+s1], $0x80, $0x38;
	[tilespmem:$0x10400] =	vst v63  }
0xd6: {  	s17 =	sand.u32 $0x1FFFFFF0, s15;
	s2 =	sadd.s32 s4, s2;
	s22 =	spop (v2sf)  }
0xd7: {  	[tilespmem:s20], [sflag:$0x2] =	stream.linear.gather [hbm4b:s2+s1], $0x80, $0x38;
	[tilespmem:$0x10400] =	vst v63  }
0xd8: {  	s0 =	sadd.s32 s4, s17;
	s23 =	sand.u32 $0x1FFFFFF0, s22;
	s24 =	spop (v2sf)  }
0xd9: {  	[tilespmem:s21], [sflag:$0x2] =	stream.linear.gather [hbm4b:s0+s1], $0x80, $0x38;
	[tilespmem:$0x10400] =	vst v63  }
0xda: {  	s26 =	sadd.s32 $0x8B00, s19;
	s25 =	sand.u32 $0x1FFFFFF0, s24;
	s2 =	sadd.s32 s4, s23  }
0xdb: {  	[tilespmem:s26], [sflag:$0x2] =	stream.linear.gather [hbm4b:s2+s1], $0x80, $0x38;
	[tilespmem:$0x10400] =	vst v63  }
0xdc: {  	s28 =	sadd.s32 $0x8B80, s19;
	s0 =	sadd.s32 s4, s25  }
0xdd: {  	[tilespmem:s28], [sflag:$0x2] =	stream.linear.gather [hbm4b:s0+s1], $0x80, $0x38;
	[tilespmem:$0x10400] =	vst v63  }
0xde: {  	_ =	swait.ge [sflag:s14], $0x8000  }
0xdf: {  	s31 =	simm.s32 $0x400;
	[sflag:s14] =	ssyncset.done $0x0  }
0xe0: {  	s19 =	simm.s32 $0x0;
	s29 =	rddreg [dreg:$0x6];
	[sflag:s14] =	ssyncadd.s32 $0xFFFF8000  }
0xe1: {  	[hbm4b:s29+s19] =	stream.linear.scatter [tilespmem:s31], [sflag:$0x3], $0x8000, $0x38;
	[tilespmem:$0x10400] =	vst v63  }
0xe2: {  	_ =	swait.ge [sflag:s12], $0x8000  }
0xe3: {  	[sflag:s12] =	ssyncset.done $0x0  }
0xe4: {  	s30 =	sand.u32 $0xF0, s19;
	[sflag:s12] =	ssyncadd.s32 $0xFFFF8000  }
0xe5: {  	v0 =	vld [tilespmem:s30+$0x100];
	_ =	sdelay $0x4  }
0xe6: {  	v0 =	vshll.u32 v0, $0x4  }
0xe7: {  	(v2sf) =	vpush v0, $0x0  }
0xe8: {  	(v2sf) =	vpush v0, $0x2  }
0xe9: {  	(v2sf) =	vpush v0, $0x1;
	_ =	sdelay $0x1  }
0xea: {  	(v2sf) =	vpush v0, $0x3  }
0xeb: {  	(v2sf) =	vpush v0, $0x4;
	_ =	sdelay $0x2  }
0xec: {  	s20 =	simm.s32 $0x2000;
	s21 =	simm.s32 $0x10  }
.LBB2_6:
0xed: {  	p0 =	sne.s32 s20, $0x1E000;
	(v2sf) =	vpush v0, $0x5;
	s0 =	smov.u32 s20;
	s20 =	sadd.s32 $0x2000, s20  }
0xee: {  	s22 =	sshra.s32 s19, $0x2;
	s19 =	smov.u32 s0  }
0xef: {  	s2 =	sadd.s32 $0x480, s22;
	(v2sf) =	vpush v0, $0x6  }
0xf0: {  	s5 =	sadd.s32 $0x400, s22  }
0xf1: {  	s25 =	sadd.s32 $0x980, s22;
	s24 =	sadd.s32 $0xA00, s22;
	s23 =	sadd.s32 $0xA80, s22;
	(v2sf) =	vpush v0, $0x7  }
0xf2: {  	s29 =	sadd.s32 $0x800, s22;
	s28 =	sadd.s32 $0x880, s22;
	s26 =	sadd.s32 $0x900, s22  }
0xf3: {  	s6 =	sadd.s32 $0x700, s22;
	s0 =	sadd.s32 $0x780, s22;
	s7 =	spop (v2sf);
	(v2sf) =	vpush v0, $0x8  }
0xf4: {  	s8 =	sadd.s32 $0x500, s22;
	s7 =	sand.u32 $0x1FFFFFF0, s7;
	s13 =	spop (v2sf)  }
0xf5: {  	s15 =	sadd.s32 $0x680, s22;
	s7 =	sadd.s32 s3, s7;
	s17 =	spop (v2sf);
	(v2sf) =	vpush v0, $0x9  }
0xf6: {  	[tilespmem:s5], [sflag:$0x1] =	stream.linear.gather [hbm4b:s7+s1], $0x80, $0x38;
	[tilespmem:$0x10400] =	vst v63  }
0xf7: {  	s5 =	sand.u32 $0x1FFFFFF0, s17;
	s7 =	sand.u32 $0x1FFFFFF0, s13;
	s13 =	spop (v2sf);
	(v2sf) =	vpush v0, $0xA  }
0xf8: {  	s17 =	sadd.s32 $0x600, s22;
	s5 =	sadd.s32 s3, s5;
	s30 =	spop (v2sf)  }
0xf9: {  	[tilespmem:s2], [sflag:$0x1] =	stream.linear.gather [hbm4b:s5+s1], $0x80, $0x38;
	(v2sf) =	vpush v0, $0xB;
	[tilespmem:$0x10400] =	vst v63  }
0xfa: {  	s2 =	sadd.s32 s3, s7;
	s5 =	sand.u32 $0x1FFFFFF0, s13;
	s7 =	sand.u32 $0x1FFFFFF0, s30  }
0xfb: {  	[tilespmem:s8], [sflag:$0x1] =	stream.linear.gather [hbm4b:s2+s1], $0x80, $0x38;
	(v2sf) =	vpush v0, $0xC;
	[tilespmem:$0x10400] =	vst v63  }
0xfc: {  	s5 =	sadd.s32 s3, s5;
	s2 =	sadd.s32 $0x580, s22;
	s8 =	spop (v2sf)  }
0xfd: {  	[tilespmem:s2], [sflag:$0x1] =	stream.linear.gather [hbm4b:s5+s1], $0x80, $0x38;
	(v2sf) =	vpush v0, $0xD;
	[tilespmem:$0x10400] =	vst v63  }
0xfe: {  	s2 =	sadd.s32 s3, s7;
	s5 =	sand.u32 $0x1FFFFFF0, s8;
	s7 =	spop (v2sf)  }
0xff: {  	[tilespmem:s17], [sflag:$0x1] =	stream.linear.gather [hbm4b:s2+s1], $0x80, $0x38;
	(v2sf) =	vpush v0, $0xE;
	[tilespmem:$0x10400] =	vst v63  }
0x100: {  	s2 =	sadd.s32 s3, s5;
	s5 =	sand.u32 $0x1FFFFFF0, s7;
	s7 =	spop (v2sf)  }
0x101: {  	[tilespmem:s15], [sflag:$0x1] =	stream.linear.gather [hbm4b:s2+s1], $0x80, $0x38;
	(v2sf) =	vpush v0, $0xF;
	[tilespmem:$0x10400] =	vst v63  }
0x102: {  	s2 =	sadd.s32 s3, s5;
	s5 =	sand.u32 $0x1FFFFFF0, s7;
	s7 =	spop (v2sf)  }
0x103: {  	[tilespmem:s6], [sflag:$0x1] =	stream.linear.gather [hbm4b:s2+s1], $0x80, $0x38;
	[tilespmem:$0x10400] =	vst v63  }
0x104: {  	s2 =	sadd.s32 s3, s5;
	s5 =	sand.u32 $0x1FFFFFF0, s7;
	s6 =	spop (v2sf)  }
0x105: {  	[tilespmem:s0], [sflag:$0x1] =	stream.linear.gather [hbm4b:s2+s1], $0x80, $0x38;
	[tilespmem:$0x10400] =	vst v63  }
0x106: {  	s0 =	sadd.s32 s3, s5;
	s2 =	sand.u32 $0x1FFFFFF0, s6;
	s5 =	spop (v2sf)  }
0x107: {  	[tilespmem:s29], [sflag:$0x1] =	stream.linear.gather [hbm4b:s0+s1], $0x80, $0x38;
	[tilespmem:$0x10400] =	vst v63  }
0x108: {  	s0 =	sadd.s32 s3, s2;
	s2 =	sand.u32 $0x1FFFFFF0, s5;
	s5 =	spop (v2sf)  }
0x109: {  	[tilespmem:s28], [sflag:$0x1] =	stream.linear.gather [hbm4b:s0+s1], $0x80, $0x38;
	[tilespmem:$0x10400] =	vst v63  }
0x10a: {  	s0 =	sadd.s32 s3, s2;
	s2 =	sand.u32 $0x1FFFFFF0, s5;
	s5 =	spop (v2sf)  }
0x10b: {  	[tilespmem:s26], [sflag:$0x1] =	stream.linear.gather [hbm4b:s0+s1], $0x80, $0x38;
	[tilespmem:$0x10400] =	vst v63  }
0x10c: {  	s0 =	sadd.s32 s3, s2;
	s2 =	sand.u32 $0x1FFFFFF0, s5;
	s5 =	spop (v2sf)  }
0x10d: {  	[tilespmem:s25], [sflag:$0x1] =	stream.linear.gather [hbm4b:s0+s1], $0x80, $0x38;
	[tilespmem:$0x10400] =	vst v63  }
0x10e: {  	s0 =	sadd.s32 s3, s2;
	s2 =	sand.u32 $0x1FFFFFF0, s5;
	s5 =	spop (v2sf)  }
0x10f: {  	[tilespmem:s24], [sflag:$0x1] =	stream.linear.gather [hbm4b:s0+s1], $0x80, $0x38;
	[tilespmem:$0x10400] =	vst v63  }
0x110: {  	s0 =	sadd.s32 s3, s2;
	s2 =	sand.u32 $0x1FFFFFF0, s5;
	s5 =	spop (v2sf)  }
0x111: {  	[tilespmem:s23], [sflag:$0x1] =	stream.linear.gather [hbm4b:s0+s1], $0x80, $0x38;
	[tilespmem:$0x10400] =	vst v63  }
0x112: {  	s2 =	sadd.s32 s3, s2;
	s0 =	sadd.s32 $0xB00, s22;
	s5 =	sand.u32 $0x1FFFFFF0, s5  }
0x113: {  	[tilespmem:s0], [sflag:$0x1] =	stream.linear.gather [hbm4b:s2+s1], $0x80, $0x38;
	[tilespmem:$0x10400] =	vst v63  }
0x114: {  	s5 =	sadd.s32 s3, s5;
	s0 =	sand.u32 $0xF0, s21;
	s2 =	sadd.s32 $0xB80, s22  }
0x115: {  	[tilespmem:s2], [sflag:$0x1] =	stream.linear.gather [hbm4b:s5+s1], $0x80, $0x38;
	[tilespmem:$0x10400] =	vst v63  }
0x116: {  	v0 =	vld [tilespmem:s0+$0x100];
	_ =	sdelay $0x4  }
0x117: {  	v0 =	vshll.u32 v0, $0x4  }
0x118: {  	(v2sf) =	vpush v0, $0x0  }
0x119: {  	(v2sf) =	vpush v0, $0x2  }
0x11a: {  	(v2sf) =	vpush v0, $0x1;
	_ =	sdelay $0x1  }
.Ltmp2:
0x11b: {  	(v2sf) =	vpush v0, $0x3;
	(pc) =	sbr.rel @p0 .LBB2_6-.Ltmp2, $2  }
0x11c: {  	(v2sf) =	vpush v0, $0x4;
	_ =	sdelay $0x2  }
0x11d: {  	s21 =	sadd.s32 $0x10, s21  }
0x11e: {  	(v2sf) =	vpush v0, $0x5;
	_ =	sdelay $0x1  }
0x11f: {  	s19 =	sshra.s32 s19, $0x2;
	(v2sf) =	vpush v0, $0x6  }
0x120: {  	s0 =	sadd.s32 $0x480, s19;
	s2 =	sadd.s32 $0x400, s19  }
0x121: {  	s22 =	sadd.s32 $0x980, s19;
	s21 =	sadd.s32 $0xA00, s19;
	s20 =	sadd.s32 $0xA80, s19;
	(v2sf) =	vpush v0, $0x7  }
0x122: {  	s5 =	sadd.s32 $0x800, s19;
	s6 =	sadd.s32 $0x880, s19;
	s7 =	sadd.s32 $0x900, s19  }
0x123: {  	s8 =	sadd.s32 $0x700, s19;
	s13 =	sadd.s32 $0x780, s19;
	s15 =	spop (v2sf);
	(v2sf) =	vpush v0, $0x8  }
0x124: {  	s17 =	sadd.s32 $0x500, s19;
	s15 =	sand.u32 $0x1FFFFFF0, s15;
	s23 =	spop (v2sf)  }
0x125: {  	s24 =	sadd.s32 $0x680, s19;
	s15 =	sadd.s32 s3, s15;
	s25 =	spop (v2sf);
	(v2sf) =	vpush v0, $0x9  }
0x126: {  	[tilespmem:s2], [sflag:$0x1] =	stream.linear.gather [hbm4b:s15+s1], $0x80, $0x38;
	[tilespmem:$0x10400] =	vst v63  }
0x127: {  	s29 =	sand.u32 $0x1FFFFFF0, s23;
	s28 =	sand.u32 $0x1FFFFFF0, s25;
	s30 =	spop (v2sf);
	(v2sf) =	vpush v0, $0xA  }
0x128: {  	s23 =	sadd.s32 $0x580, s19;
	s2 =	sadd.s32 s3, s28;
	s26 =	spop (v2sf)  }
0x129: {  	[tilespmem:s0], [sflag:$0x1] =	stream.linear.gather [hbm4b:s2+s1], $0x80, $0x38;
	(v2sf) =	vpush v0, $0xB;
	[tilespmem:$0x10400] =	vst v63  }
0x12a: {  	s25 =	sadd.s32 $0x600, s19;
	s28 =	sadd.s32 s3, s29;
	s29 =	sand.u32 $0x1FFFFFF0, s30  }
0x12b: {  	(v2sf) =	vpush v0, $0xC;
	[tilespmem:s17], [sflag:$0x1] =	stream.linear.gather [hbm4b:s28+s1], $0x80, $0x38;
	[tilespmem:$0x10400] =	vst v63  }
0x12c: {  	s30 =	sand.u32 $0x1FFFFFF0, s26;
	s2 =	sadd.s32 s3, s29;
	s26 =	spop (v2sf)  }
0x12d: {  	[tilespmem:s23], [sflag:$0x1] =	stream.linear.gather [hbm4b:s2+s1], $0x80, $0x38;
	(v2sf) =	vpush v0, $0xD;
	[tilespmem:$0x10400] =	vst v63  }
0x12e: {  	s28 =	sadd.s32 s3, s30;
	s29 =	sand.u32 $0x1FFFFFF0, s26;
	s30 =	spop (v2sf)  }
0x12f: {  	(v2sf) =	vpush v0, $0xE;
	[tilespmem:s25], [sflag:$0x1] =	stream.linear.gather [hbm4b:s28+s1], $0x80, $0x38;
	[tilespmem:$0x10400] =	vst v63  }
0x130: {  	s2 =	sadd.s32 s3, s29;
	s17 =	sand.u32 $0x1FFFFFF0, s30;
	s23 =	spop (v2sf)  }
0x131: {  	(v2sf) =	vpush v0, $0xF;
	[tilespmem:s24], [sflag:$0x1] =	stream.linear.gather [hbm4b:s2+s1], $0x80, $0x38;
	[tilespmem:$0x10400] =	vst v63  }
0x132: {  	s25 =	sand.u32 $0x1FFFFFF0, s23;
	s24 =	sadd.s32 s3, s17;
	s26 =	spop (v2sf)  }
0x133: {  	[tilespmem:s8], [sflag:$0x1] =	stream.linear.gather [hbm4b:s24+s1], $0x80, $0x38;
	[tilespmem:$0x10400] =	vst v63  }
0x134: {  	s28 =	sadd.s32 s3, s25;
	s29 =	sand.u32 $0x1FFFFFF0, s26;
	s30 =	spop (v2sf)  }
0x135: {  	[tilespmem:s13], [sflag:$0x1] =	stream.linear.gather [hbm4b:s28+s1], $0x80, $0x38;
	[tilespmem:$0x10400] =	vst v63  }
0x136: {  	s15 =	sadd.s32 s3, s29;
	s17 =	sand.u32 $0x1FFFFFF0, s30;
	s23 =	spop (v2sf)  }
0x137: {  	[tilespmem:s5], [sflag:$0x1] =	stream.linear.gather [hbm4b:s15+s1], $0x80, $0x38;
	[tilespmem:$0x10400] =	vst v63  }
0x138: {  	s24 =	sadd.s32 s3, s17;
	s25 =	sand.u32 $0x1FFFFFF0, s23;
	s26 =	spop (v2sf)  }
0x139: {  	[tilespmem:s6], [sflag:$0x1] =	stream.linear.gather [hbm4b:s24+s1], $0x80, $0x38;
	[tilespmem:$0x10400] =	vst v63  }
0x13a: {  	s28 =	sadd.s32 s3, s25;
	s29 =	sand.u32 $0x1FFFFFF0, s26;
	s30 =	spop (v2sf)  }
0x13b: {  	[tilespmem:s7], [sflag:$0x1] =	stream.linear.gather [hbm4b:s28+s1], $0x80, $0x38;
	[tilespmem:$0x10400] =	vst v63  }
0x13c: {  	s6 =	sadd.s32 s3, s29;
	s7 =	sand.u32 $0x1FFFFFF0, s30;
	s8 =	spop (v2sf)  }
0x13d: {  	[tilespmem:s22], [sflag:$0x1] =	stream.linear.gather [hbm4b:s6+s1], $0x80, $0x38;
	[tilespmem:$0x10400] =	vst v63  }
0x13e: {  	s13 =	sadd.s32 s3, s7;
	s15 =	sand.u32 $0x1FFFFFF0, s8;
	s17 =	spop (v2sf)  }
0x13f: {  	[tilespmem:s21], [sflag:$0x1] =	stream.linear.gather [hbm4b:s13+s1], $0x80, $0x38;
	[tilespmem:$0x10400] =	vst v63  }
0x140: {  	s22 =	sand.u32 $0x1FFFFFF0, s17;
	s23 =	spop (v2sf);
	s21 =	sadd.s32 s3, s15  }
0x141: {  	[tilespmem:s20], [sflag:$0x1] =	stream.linear.gather [hbm4b:s21+s1], $0x80, $0x38;
	[tilespmem:$0x10400] =	vst v63  }
0x142: {  	s24 =	sadd.s32 $0xB00, s19;
	s2 =	sadd.s32 s3, s22;
	s5 =	sand.u32 $0x1FFFFFF0, s23  }
0x143: {  	[tilespmem:s24], [sflag:$0x1] =	stream.linear.gather [hbm4b:s2+s1], $0x80, $0x38;
	[tilespmem:$0x10400] =	vst v63  }
0x144: {  	s25 =	sadd.s32 $0xB80, s19;
	s26 =	sadd.s32 s3, s5  }
0x145: {  	[tilespmem:s25], [sflag:$0x1] =	stream.linear.gather [hbm4b:s26+s1], $0x80, $0x38;
	[tilespmem:$0x10400] =	vst v63  }
0x146: {  	_ =	swait.ge [sflag:s16], $0x8000  }
0x147: {  	s19 =	simm.s32 $0x0;
	[sflag:s16] =	ssyncset.done $0x0  }
0x148: {  	s29 =	simm.s32 $0x8400;
	s28 =	rddreg [dreg:$0x7];
	[sflag:s16] =	ssyncadd.s32 $0xFFFF8000  }
0x149: {  	[hbm4b:s28+s19] =	stream.linear.scatter [tilespmem:s29], [sflag:$0x3], $0x8000, $0x38;
	[tilespmem:$0x10400] =	vst v63  }
0x14a: {  	_ =	swait.ge [sflag:s12], $0x8000  }
0x14b: {  	[sflag:s12] =	ssyncset.done $0x0  }
0x14c: {  	s30 =	sand.u32 $0xF0, s19;
	[sflag:s12] =	ssyncadd.s32 $0xFFFF8000  }
0x14d: {  	v0 =	vld [tilespmem:s30+$0x300];
	_ =	sdelay $0x4  }
0x14e: {  	v0 =	vshll.u32 v0, $0x4  }
0x14f: {  	(v2sf) =	vpush v0, $0x0  }
0x150: {  	(v2sf) =	vpush v0, $0x2  }
0x151: {  	(v2sf) =	vpush v0, $0x1;
	_ =	sdelay $0x1  }
0x152: {  	(v2sf) =	vpush v0, $0x3  }
0x153: {  	(v2sf) =	vpush v0, $0x4;
	_ =	sdelay $0x2  }
0x154: {  	s20 =	simm.s32 $0x2000;
	s21 =	simm.s32 $0x10  }
.LBB2_8:
0x155: {  	p0 =	sne.s32 s20, $0x1E000;
	(v2sf) =	vpush v0, $0x5;
	s0 =	smov.u32 s20;
	s20 =	sadd.s32 $0x2000, s20  }
0x156: {  	s22 =	sshra.s32 s19, $0x2;
	s19 =	smov.u32 s0  }
0x157: {  	s2 =	sadd.s32 $0x8480, s22;
	(v2sf) =	vpush v0, $0x6  }
0x158: {  	s5 =	sadd.s32 $0x8400, s22  }
0x159: {  	s25 =	sadd.s32 $0x8980, s22;
	s24 =	sadd.s32 $0x8A00, s22;
	s23 =	sadd.s32 $0x8A80, s22;
	(v2sf) =	vpush v0, $0x7  }
0x15a: {  	s29 =	sadd.s32 $0x8800, s22;
	s28 =	sadd.s32 $0x8880, s22;
	s26 =	sadd.s32 $0x8900, s22  }
0x15b: {  	s6 =	sadd.s32 $0x8700, s22;
	s0 =	sadd.s32 $0x8780, s22;
	s7 =	spop (v2sf);
	(v2sf) =	vpush v0, $0x8  }
0x15c: {  	s8 =	sadd.s32 $0x8500, s22;
	s7 =	sand.u32 $0x1FFFFFF0, s7;
	s13 =	spop (v2sf)  }
0x15d: {  	s15 =	sadd.s32 $0x8680, s22;
	s7 =	sadd.s32 s4, s7;
	s17 =	spop (v2sf);
	(v2sf) =	vpush v0, $0x9  }
0x15e: {  	[tilespmem:s5], [sflag:$0x2] =	stream.linear.gather [hbm4b:s7+s1], $0x80, $0x38;
	[tilespmem:$0x10400] =	vst v63  }
0x15f: {  	s5 =	sand.u32 $0x1FFFFFF0, s17;
	s7 =	sand.u32 $0x1FFFFFF0, s13;
	s13 =	spop (v2sf);
	(v2sf) =	vpush v0, $0xA  }
0x160: {  	s17 =	sadd.s32 $0x8600, s22;
	s5 =	sadd.s32 s4, s5;
	s30 =	spop (v2sf)  }
0x161: {  	[tilespmem:s2], [sflag:$0x2] =	stream.linear.gather [hbm4b:s5+s1], $0x80, $0x38;
	(v2sf) =	vpush v0, $0xB;
	[tilespmem:$0x10400] =	vst v63  }
0x162: {  	s2 =	sadd.s32 s4, s7;
	s5 =	sand.u32 $0x1FFFFFF0, s13;
	s7 =	sand.u32 $0x1FFFFFF0, s30  }
0x163: {  	[tilespmem:s8], [sflag:$0x2] =	stream.linear.gather [hbm4b:s2+s1], $0x80, $0x38;
	(v2sf) =	vpush v0, $0xC;
	[tilespmem:$0x10400] =	vst v63  }
0x164: {  	s5 =	sadd.s32 s4, s5;
	s2 =	sadd.s32 $0x8580, s22;
	s8 =	spop (v2sf)  }
0x165: {  	[tilespmem:s2], [sflag:$0x2] =	stream.linear.gather [hbm4b:s5+s1], $0x80, $0x38;
	(v2sf) =	vpush v0, $0xD;
	[tilespmem:$0x10400] =	vst v63  }
0x166: {  	s2 =	sadd.s32 s4, s7;
	s5 =	sand.u32 $0x1FFFFFF0, s8;
	s7 =	spop (v2sf)  }
0x167: {  	[tilespmem:s17], [sflag:$0x2] =	stream.linear.gather [hbm4b:s2+s1], $0x80, $0x38;
	(v2sf) =	vpush v0, $0xE;
	[tilespmem:$0x10400] =	vst v63  }
0x168: {  	s2 =	sadd.s32 s4, s5;
	s5 =	sand.u32 $0x1FFFFFF0, s7;
	s7 =	spop (v2sf)  }
0x169: {  	[tilespmem:s15], [sflag:$0x2] =	stream.linear.gather [hbm4b:s2+s1], $0x80, $0x38;
	(v2sf) =	vpush v0, $0xF;
	[tilespmem:$0x10400] =	vst v63  }
0x16a: {  	s2 =	sadd.s32 s4, s5;
	s5 =	sand.u32 $0x1FFFFFF0, s7;
	s7 =	spop (v2sf)  }
0x16b: {  	[tilespmem:s6], [sflag:$0x2] =	stream.linear.gather [hbm4b:s2+s1], $0x80, $0x38;
	[tilespmem:$0x10400] =	vst v63  }
0x16c: {  	s2 =	sadd.s32 s4, s5;
	s5 =	sand.u32 $0x1FFFFFF0, s7;
	s6 =	spop (v2sf)  }
0x16d: {  	[tilespmem:s0], [sflag:$0x2] =	stream.linear.gather [hbm4b:s2+s1], $0x80, $0x38;
	[tilespmem:$0x10400] =	vst v63  }
0x16e: {  	s0 =	sadd.s32 s4, s5;
	s2 =	sand.u32 $0x1FFFFFF0, s6;
	s5 =	spop (v2sf)  }
0x16f: {  	[tilespmem:s29], [sflag:$0x2] =	stream.linear.gather [hbm4b:s0+s1], $0x80, $0x38;
	[tilespmem:$0x10400] =	vst v63  }
0x170: {  	s0 =	sadd.s32 s4, s2;
	s2 =	sand.u32 $0x1FFFFFF0, s5;
	s5 =	spop (v2sf)  }
0x171: {  	[tilespmem:s28], [sflag:$0x2] =	stream.linear.gather [hbm4b:s0+s1], $0x80, $0x38;
	[tilespmem:$0x10400] =	vst v63  }
0x172: {  	s0 =	sadd.s32 s4, s2;
	s2 =	sand.u32 $0x1FFFFFF0, s5;
	s5 =	spop (v2sf)  }
0x173: {  	[tilespmem:s26], [sflag:$0x2] =	stream.linear.gather [hbm4b:s0+s1], $0x80, $0x38;
	[tilespmem:$0x10400] =	vst v63  }
0x174: {  	s0 =	sadd.s32 s4, s2;
	s2 =	sand.u32 $0x1FFFFFF0, s5;
	s5 =	spop (v2sf)  }
0x175: {  	[tilespmem:s25], [sflag:$0x2] =	stream.linear.gather [hbm4b:s0+s1], $0x80, $0x38;
	[tilespmem:$0x10400] =	vst v63  }
0x176: {  	s0 =	sadd.s32 s4, s2;
	s2 =	sand.u32 $0x1FFFFFF0, s5;
	s5 =	spop (v2sf)  }
0x177: {  	[tilespmem:s24], [sflag:$0x2] =	stream.linear.gather [hbm4b:s0+s1], $0x80, $0x38;
	[tilespmem:$0x10400] =	vst v63  }
0x178: {  	s0 =	sadd.s32 s4, s2;
	s2 =	sand.u32 $0x1FFFFFF0, s5;
	s5 =	spop (v2sf)  }
0x179: {  	[tilespmem:s23], [sflag:$0x2] =	stream.linear.gather [hbm4b:s0+s1], $0x80, $0x38;
	[tilespmem:$0x10400] =	vst v63  }
0x17a: {  	s2 =	sadd.s32 s4, s2;
	s0 =	sadd.s32 $0x8B00, s22;
	s5 =	sand.u32 $0x1FFFFFF0, s5  }
0x17b: {  	[tilespmem:s0], [sflag:$0x2] =	stream.linear.gather [hbm4b:s2+s1], $0x80, $0x38;
	[tilespmem:$0x10400] =	vst v63  }
0x17c: {  	s5 =	sadd.s32 s4, s5;
	s0 =	sand.u32 $0xF0, s21;
	s2 =	sadd.s32 $0x8B80, s22  }
0x17d: {  	[tilespmem:s2], [sflag:$0x2] =	stream.linear.gather [hbm4b:s5+s1], $0x80, $0x38;
	[tilespmem:$0x10400] =	vst v63  }
0x17e: {  	v0 =	vld [tilespmem:s0+$0x300];
	_ =	sdelay $0x4  }
0x17f: {  	v0 =	vshll.u32 v0, $0x4  }
0x180: {  	(v2sf) =	vpush v0, $0x0  }
0x181: {  	(v2sf) =	vpush v0, $0x2  }
0x182: {  	(v2sf) =	vpush v0, $0x1;
	_ =	sdelay $0x1  }
.Ltmp3:
0x183: {  	(v2sf) =	vpush v0, $0x3;
	(pc) =	sbr.rel @p0 .LBB2_8-.Ltmp3, $2  }
0x184: {  	(v2sf) =	vpush v0, $0x4;
	_ =	sdelay $0x2  }
0x185: {  	s21 =	sadd.s32 $0x10, s21  }
0x186: {  	_ =	sdelay $0x5  }
0x187: {  	s0 =	spop (v2sf)  }
0x188: {  	s5 =	spop (v2sf);
	(v2sf) =	vpush v0, $0x5;
	_ =	sdelay $0x1  }
0x189: {  	s15 =	spop (v2sf);
	(v2sf) =	vpush v0, $0x6;
	_ =	sdelay $0x2  }
0x18a: {  	s22 =	spop (v2sf);
	(v2sf) =	vpush v0, $0x7  }
0x18b: {  	s19 =	sshra.s32 s19, $0x2;
	s0 =	sand.u32 $0x1FFFFFF0, s0  }
0x18c: {  	s2 =	sadd.s32 $0x8400, s19;
	s0 =	sadd.s32 s4, s0  }
0x18d: {  	[tilespmem:s2], [sflag:$0x2] =	stream.linear.gather [hbm4b:s0+s1], $0x80, $0x38;
	[tilespmem:$0x10400] =	vst v63  }
0x18e: {  	s0 =	sand.u32 $0x1FFFFFF0, s15;
	s24 =	spop (v2sf);
	(v2sf) =	vpush v0, $0x8  }
0x18f: {  	s17 =	sadd.s32 $0x8480, s19;
	s20 =	sand.u32 $0x1FFFFFF0, s5;
	s0 =	sadd.s32 s4, s0  }
0x190: {  	[tilespmem:s17], [sflag:$0x2] =	stream.linear.gather [hbm4b:s0+s1], $0x80, $0x38;
	[tilespmem:$0x10400] =	vst v63  }
0x191: {  	s21 =	sadd.s32 $0x8500, s19;
	s0 =	sadd.s32 s4, s20  }
0x192: {  	[tilespmem:s21], [sflag:$0x2] =	stream.linear.gather [hbm4b:s0+s1], $0x80, $0x38;
	[tilespmem:$0x10400] =	vst v63  }
0x193: {  	s0 =	sand.u32 $0x1FFFFFF0, s22  }
0x194: {  	s23 =	sadd.s32 $0x8580, s19;
	s0 =	sadd.s32 s4, s0;
	s26 =	spop (v2sf);
	(v2sf) =	vpush v0, $0x9  }
0x195: {  	[tilespmem:s23], [sflag:$0x2] =	stream.linear.gather [hbm4b:s0+s1], $0x80, $0x38;
	[tilespmem:$0x10400] =	vst v63  }
0x196: {  	s0 =	sand.u32 $0x1FFFFFF0, s24;
	s29 =	spop (v2sf);
	(v2sf) =	vpush v0, $0xA  }
0x197: {  	s25 =	sadd.s32 $0x8600, s19;
	s0 =	sadd.s32 s4, s0  }
0x198: {  	[tilespmem:s25], [sflag:$0x2] =	stream.linear.gather [hbm4b:s0+s1], $0x80, $0x38;
	[tilespmem:$0x10400] =	vst v63  }
0x199: {  	s0 =	sand.u32 $0x1FFFFFF0, s26;
	s2 =	spop (v2sf);
	(v2sf) =	vpush v0, $0xB  }
0x19a: {  	s28 =	sadd.s32 $0x8680, s19;
	s0 =	sadd.s32 s4, s0  }
0x19b: {  	[tilespmem:s28], [sflag:$0x2] =	stream.linear.gather [hbm4b:s0+s1], $0x80, $0x38;
	[tilespmem:$0x10400] =	vst v63  }
0x19c: {  	s0 =	sand.u32 $0x1FFFFFF0, s29  }
0x19d: {  	s30 =	sadd.s32 $0x8700, s19;
	s0 =	sadd.s32 s4, s0;
	s6 =	spop (v2sf)  }
0x19e: {  	(v2sf) =	vpush v0, $0xC;
	[tilespmem:s30], [sflag:$0x2] =	stream.linear.gather [hbm4b:s0+s1], $0x80, $0x38;
	[tilespmem:$0x10400] =	vst v63  }
0x19f: {  	s0 =	sand.u32 $0x1FFFFFF0, s2  }
0x1a0: {  	s5 =	sadd.s32 $0x8780, s19;
	s0 =	sadd.s32 s4, s0  }
0x1a1: {  	[tilespmem:s5], [sflag:$0x2] =	stream.linear.gather [hbm4b:s0+s1], $0x80, $0x38;
	[tilespmem:$0x10400] =	vst v63  }
0x1a2: {  	s0 =	sand.u32 $0x1FFFFFF0, s6  }
0x1a3: {  	s7 =	sadd.s32 $0x8800, s19;
	s0 =	sadd.s32 s4, s0;
	s8 =	spop (v2sf);
	(v2sf) =	vpush v0, $0xD  }
0x1a4: {  	[tilespmem:s7], [sflag:$0x2] =	stream.linear.gather [hbm4b:s0+s1], $0x80, $0x38;
	[tilespmem:$0x10400] =	vst v63  }
0x1a5: {  	s0 =	sand.u32 $0x1FFFFFF0, s8;
	s15 =	spop (v2sf);
	(v2sf) =	vpush v0, $0xE  }
0x1a6: {  	s13 =	sadd.s32 $0x8880, s19;
	s0 =	sadd.s32 s4, s0  }
0x1a7: {  	[tilespmem:s13], [sflag:$0x2] =	stream.linear.gather [hbm4b:s0+s1], $0x80, $0x38;
	[tilespmem:$0x10400] =	vst v63  }
0x1a8: {  	s20 =	spop (v2sf);
	(v2sf) =	vpush v0, $0xF  }
0x1a9: {  	s0 =	sand.u32 $0x1FFFFFF0, s15  }
0x1aa: {  	s17 =	sadd.s32 $0x8900, s19;
	s0 =	sadd.s32 s4, s0  }
0x1ab: {  	[tilespmem:s17], [sflag:$0x2] =	stream.linear.gather [hbm4b:s0+s1], $0x80, $0x38;
	[tilespmem:$0x10400] =	vst v63  }
0x1ac: {  	s0 =	sand.u32 $0x1FFFFFF0, s20  }
0x1ad: {  	s21 =	sadd.s32 $0x8980, s19;
	s22 =	spop (v2sf);
	s0 =	sadd.s32 s4, s0  }
0x1ae: {  	[tilespmem:s21], [sflag:$0x2] =	stream.linear.gather [hbm4b:s0+s1], $0x80, $0x38;
	[tilespmem:$0x10400] =	vst v63  }
0x1af: {  	s0 =	sand.u32 $0x1FFFFFF0, s22  }
0x1b0: {  	s23 =	sadd.s32 $0x8A00, s19;
	s0 =	sadd.s32 s4, s0  }
0x1b1: {  	[tilespmem:s23], [sflag:$0x2] =	stream.linear.gather [hbm4b:s0+s1], $0x80, $0x38;
	[tilespmem:$0x10400] =	vst v63  }
0x1b2: {  	s24 =	spop (v2sf)  }
0x1b3: {  	s0 =	sand.u32 $0x1FFFFFF0, s24  }
0x1b4: {  	s25 =	sadd.s32 $0x8A80, s19;
	s26 =	spop (v2sf);
	s0 =	sadd.s32 s4, s0  }
0x1b5: {  	[tilespmem:s25], [sflag:$0x2] =	stream.linear.gather [hbm4b:s0+s1], $0x80, $0x38;
	[tilespmem:$0x10400] =	vst v63  }
0x1b6: {  	s0 =	sand.u32 $0x1FFFFFF0, s26  }
0x1b7: {  	s28 =	sadd.s32 $0x8B00, s19;
	s29 =	spop (v2sf);
	s0 =	sadd.s32 s4, s0  }
0x1b8: {  	[tilespmem:s28], [sflag:$0x2] =	stream.linear.gather [hbm4b:s0+s1], $0x80, $0x38;
	[tilespmem:$0x10400] =	vst v63  }
0x1b9: {  	s0 =	sand.u32 $0x1FFFFFF0, s29  }
0x1ba: {  	s30 =	sadd.s32 $0x8B80, s19;
	s0 =	sadd.s32 s4, s0  }
0x1bb: {  	[tilespmem:s30], [sflag:$0x2] =	stream.linear.gather [hbm4b:s0+s1], $0x80, $0x38;
	[tilespmem:$0x10400] =	vst v63  }
0x1bc: {  	_ =	swait.ge [sflag:s14], $0x8000  }
0x1bd: {  	[sflag:s14] =	ssyncset.done $0x0  }
0x1be: {  	[sflag:s14] =	ssyncadd.s32 $0xFFFF8000  }
0x1bf: {  	[hbm4b:s9+s1] =	stream.linear.scatter [tilespmem:s31], [sflag:$0x3], $0x8000, $0x38;
	[tilespmem:$0x10400] =	vst v63  }
0x1c0: {  	_ =	swait.ge [sflag:s12], $0x8000  }
0x1c1: {  	[sflag:s12] =	ssyncset.done $0x0  }
0x1c2: {  	[sflag:s12] =	ssyncadd.s32 $0xFFFF8000  }
0x1c3: {  	s18 =	sadd.s32 $0x1, s18;
	_ =	swait.ge [sflag:s16], $0x8000  }
0x1c4: {  	p0 =	sne.s32 s18, s11;
	[sflag:s16] =	ssyncset.done $0x0  }
.Ltmp4:
0x1c5: {  	s31 =	simm.s32 $0x8400;
	[sflag:s16] =	ssyncadd.s32 $0xFFFF8000;
	(pc) =	sbr.rel @p0 .LBB2_1-.Ltmp4, $4  }
0x1c6: {  	[hbm4b:s10+s1] =	stream.linear.scatter [tilespmem:s31], [sflag:$0x3], $0x8000, $0x38;
	[tilespmem:$0x10400] =	vst v63  }
0x1c7: {  	_ =	swait.ge [sflag:s12], $0x8000  }
0x1c8: {  	[sflag:s12] =	ssyncset.done $0x0  }
0x1c9: {  	[sflag:s12] =	ssyncadd.s32 $0xFFFF8000  }
0x1ca: {  	_ =	sfence.sel $0x180000  }
0x1cb: {  	[bflag:$0x0] =	sbarrier.arrive $0xFFFF  }
0x1cc: {  	_ =	strace $0x90000047  }
0x1cd: {  	s0 =	stileid.u32;
	[bflag:$0x2] =	sbarrier.arrive $0xFFFF  }
0x1ce: {  	p0 =	sne.s32 s0, $0x0;
	s0 =	rddreg [dreg:$0x3]  }
0x1cf: {  	s0 =	sadd.s32 @!p0 $0x100000, s0  }
0x1d0: {  	[sflag:s0] =	ssyncadd.tile.s32 @!p0 $0x1;
	_ =	shalt  }
.Lfunc_end2:
_tile_overlayer_lowered:
.L_overlay_start_2:
0x1d1: {  	(tag) =	ssettag $0x2  }
0x1d2: {  	s0 =	rddreg [dreg:$0x0];
	s2 =	stileid.u32  }
0x1d3: {  	s1 =	rddreg [dreg:$0x1];
	p0 =	sne.s32 s2, $0x0  }
0x1d4: {  	s3 =	rddreg [dreg:$0x2];
	[bflag:$0x3] =	sbarrier.arrive $0xFFFF;
	s2 =	simm.s32 @!p0 $0x1C03  }
0x1d5: {  	[timem:s3], [sflag:s2] =	dma.local @!p0 [hbm:s0], s1  }
0x1d6: {  	s0 =	simm.s32 @!p0 $0x3  }
0x1d7: {  	_ =	swait.ge @!p0 [sflag:s0], s1  }
0x1d8: {  	s1 =	ssub.s32 @!p0 $0x0, s1;
	[sflag:s0] =	ssyncset.done @!p0 $0x0  }
0x1d9: {  	[sflag:s0] =	ssyncadd.s32 @!p0 s1  }
0x1da: {  	[bflag:$0x3] =	sbarrier.arrive $0xFFFF  }
0x1db: {  	_ =	shalt  }

</sc_bundles>
